<compile_context>
chip_gen: v7x
topology: tpu7x:2x2x1
jax: 0.10.2.dev20260603
libtpu: 0.0.44.dev20260713+nightly
codegen_flags: <defaults>
</compile_context>

<pallas_src>
import functools

import jax
import jax.numpy as jnp
from jax import lax
from jax.experimental import pallas as pl
from jax.experimental.pallas import tpu as pltpu
from jax.experimental.pallas import tpu_sc as plsc

H = 16
NB = 32
QL = 2048
KL = 2048
M = 4096
PADW = 4352
BQ = 128
NQ = 8

_THR = (12, 16, 23, 32, 46, 64, 91)


def _sc_lookup(Wc0):
    info = plsc.get_sparse_core_info()
    ns, L = info.num_subcores, info.num_lanes
    bpw = M // ns

    mesh = plsc.VectorSubcoreMesh(
        core_axis_name="c", subcore_axis_name="s", num_cores=1
    )

    @functools.partial(
        pl.kernel,
        mesh=mesh,
        out_type=jax.ShapeDtypeStruct((M,), jnp.float32),
        scratch_types=[
            pltpu.VMEM(Wc0.shape, jnp.float32),
            pltpu.VMEM((bpw,), jnp.float32),
        ],
    )
    def k(w_hbm, t_hbm, w_v, td_v):
        base = lax.axis_index("s") * bpw
        pltpu.sync_copy(w_hbm, w_v)
        w_lo = w_v[pl.ds(0, L)]
        w_hi = w_v[pl.ds(L, L)]
        for j in range(bpw // L):
            m = lax.iota(jnp.int32, L) + (base + j * L)
            d = m - 2047
            a = jnp.abs(d)
            large = jnp.full((L,), 8, jnp.int32)
            for t in _THR:
                large = large + jnp.where(a >= t, 1, 0).astype(jnp.int32)
            b = jnp.where(a < 8, a, large).astype(jnp.int32)
            lo = w_lo.at[b].get(mode="promise_in_bounds")
            hi = w_hi.at[b].get(mode="promise_in_bounds")
            td_v[pl.ds(j * L, L)] = jnp.where(d > 0, hi, lo)
        pltpu.sync_copy(td_v, t_hbm.at[pl.ds(base, bpw)])

    return k(Wc0)


def _bucket_map():
    j = lax.broadcasted_iota(jnp.int32, (1, M), 1)
    d = j - 2047
    a = jnp.abs(d)
    rb = jnp.where(d > 0, 16, 0).astype(jnp.int32)
    large = jnp.full((1, M), 8, jnp.int32)
    for t in _THR:
        large = large + jnp.where(a >= t, 1, 0).astype(jnp.int32)
    return rb + jnp.where(a < 8, a, large).astype(jnp.int32)


def _tc_big_body(wt_ref, o_ref, tt16_ref, tp8_ref, t128_ref, sems):
    hp = pl.program_id(0)
    h = hp + 1
    t = pl.program_id(1)
    step = hp * (QL // BQ) + t
    buf = lax.rem(hp, 2)

    @pl.when((hp == 0) & (t == 0))
    def _table():
        bk = _bucket_map()
        acc = jnp.zeros((H, M), jnp.float32)
        for b in range(NB):
            acc = jnp.where(bk == b, wt_ref[:, b : b + 1], acc)
        tt16_ref[...] = acc

    @pl.when(t == 0)
    def _build():
        for b in range(8):
            tp8_ref[b, pl.ds(b, M)] = tt16_ref[h, :]
        for a in range(BQ // 8):
            t128_ref[buf, 8 * a : 8 * a + 8, :] = tp8_ref[
                :, (BQ - 1) - 8 * a : (BQ - 1) - 8 * a + M
            ]

    off = pl.multiple_of((KL - BQ) - BQ * t, 128)
    src = t128_ref.at[buf, :, pl.ds(off, KL)]
    dst = o_ref.at[h, pl.ds(t * BQ, BQ), :]
    slot = lax.rem(step, NQ)

    @pl.when(step >= NQ)
    def _drain_slot():
        pltpu.make_async_copy(src, dst, sems.at[slot]).wait()

    pltpu.make_async_copy(src, dst, sems.at[slot]).start()

    @pl.when(step == (H - 1) * (QL // BQ) - 1)
    def _drain_all():
        for q in range(NQ):
            pltpu.make_async_copy(src, dst, sems.at[q]).wait()


def _tc_big(Wt):
    return pl.pallas_call(
        _tc_big_body,
        grid=(H - 1, QL // BQ),
        in_specs=[pl.BlockSpec((H, NB), lambda hp, t: (0, 0))],
        out_specs=pl.BlockSpec(memory_space=pl.ANY),
        out_shape=jax.ShapeDtypeStruct((H, QL, KL), jnp.float32),
        scratch_shapes=[
            pltpu.VMEM((H, M), jnp.float32),
            pltpu.VMEM((8, PADW), jnp.float32),
            pltpu.VMEM((2, BQ, M), jnp.float32),
            pltpu.SemaphoreType.DMA((NQ,)),
        ],
        compiler_params=pltpu.CompilerParams(
            dimension_semantics=("arbitrary", "arbitrary"),
        ),
    )(Wt)


def _tc_head0_body(o_in_ref, td0_ref, o_ref, t128_ref, tp8_ref, sems):
    del o_in_ref
    t = pl.program_id(0)

    @pl.when(t == 0)
    def _build():
        for b in range(8):
            tp8_ref[b, pl.ds(b, M)] = td0_ref[0, :]
        for a in range(16):
            t128_ref[8 * a : 8 * a + 8, :] = tp8_ref[
                :, 127 - 8 * a : 127 - 8 * a + M
            ]

    off = pl.multiple_of(1920 - 128 * t, 128)
    src = t128_ref.at[:, pl.ds(off, KL)]
    dst = o_ref.at[0, pl.ds(t * 128, 128), :]
    slot = lax.rem(t, NQ)

    @pl.when(t >= NQ)
    def _drain_slot():
        pltpu.make_async_copy(src, dst, sems.at[slot]).wait()

    pltpu.make_async_copy(src, dst, sems.at[slot]).start()

    @pl.when(t == QL // 128 - 1)
    def _drain_all():
        for q in range(NQ):
            pltpu.make_async_copy(src, dst, sems.at[q]).wait()


def _tc_head0(out0, td0):
    return pl.pallas_call(
        _tc_head0_body,
        grid=(QL // 128,),
        in_specs=[
            pl.BlockSpec(memory_space=pl.ANY),
            pl.BlockSpec((1, M), lambda t: (0, 0)),
        ],
        out_specs=pl.BlockSpec(memory_space=pl.ANY),
        out_shape=jax.ShapeDtypeStruct((H, QL, KL), jnp.float32),
        input_output_aliases={0: 0},
        scratch_shapes=[
            pltpu.VMEM((128, M), jnp.float32),
            pltpu.VMEM((8, PADW), jnp.float32),
            pltpu.SemaphoreType.DMA((NQ,)),
        ],
        compiler_params=pltpu.CompilerParams(
            dimension_semantics=("arbitrary",),
        ),
    )(out0, td0)


def kernel(query_length, key_length, W):
    del query_length, key_length
    W = W.astype(jnp.float32)

    td0 = _sc_lookup(W[:, 0])

    out0 = _tc_big(W.T)

    out = _tc_head0(out0, td0.reshape(1, M))
    return out[None]

# --- scband reference (transcript-rebuilt; emitter-appended) ---
"""Pipeline reference for scband-t5-relative-position-bias-45071386804660 (READ-ONLY COPY).

The authoritative reference and input builder live on the scoring server;
editing this copy changes nothing except your own understanding.
"""

import math
import jax, jax.numpy as jnp
import numpy as np

NUM_HEADS = 16
NUM_BUCKETS = 32
MAX_DISTANCE = 128
BIDIRECTIONAL = True
QUERY_LEN = 2048
KEY_LEN = 2048


def setup_inputs(seed: int = 0):
    key = jax.random.key(seed)
    W = jax.random.normal(key, (NUM_BUCKETS, NUM_HEADS), dtype=jnp.float32)
    return {"query_length": 2048, "key_length": 2048, "W": W}


def _relative_position_bucket(relative_position, bidirectional, num_buckets, max_distance):
    relative_buckets = jnp.zeros_like(relative_position)
    if bidirectional:
        num_buckets = num_buckets // 2
        relative_buckets = relative_buckets + (relative_position > 0).astype(relative_position.dtype) * num_buckets
        relative_position = jnp.abs(relative_position)
    else:
        relative_position = -jnp.minimum(relative_position, jnp.zeros_like(relative_position))
    max_exact = num_buckets // 2
    is_small = relative_position < max_exact
    rp_safe = jnp.maximum(relative_position, 1).astype(jnp.float32)
    relative_position_if_large = max_exact + (
        jnp.log(rp_safe / max_exact) / math.log(max_distance / max_exact) * (num_buckets - max_exact)
    ).astype(relative_position.dtype)
    relative_position_if_large = jnp.minimum(relative_position_if_large, num_buckets - 1)
    relative_buckets = relative_buckets + jnp.where(is_small, relative_position, relative_position_if_large)
    return relative_buckets


def reference(query_length, key_length, W):
    q_dep = jnp.asarray(query_length, dtype=jnp.int32) * 0
    k_dep = jnp.asarray(key_length, dtype=jnp.int32) * 0
    context_position = (jnp.arange(QUERY_LEN, dtype=jnp.int32) + q_dep)[:, None]
    memory_position = (jnp.arange(KEY_LEN, dtype=jnp.int32) + k_dep)[None, :]
    relative_position = memory_position - context_position  # [q, k]
    buckets = _relative_position_bucket(relative_position, BIDIRECTIONAL, NUM_BUCKETS, MAX_DISTANCE)
    values = jnp.take(W, buckets, axis=0)  # [q, k, h]
    return jnp.transpose(values, (2, 0, 1))[None, :, :, :]  # [1, h, q, k]

if __name__ == "__main__":
    import jax
    _d = setup_inputs()
    print(jax.jit(kernel)(*tuple(_d.values())))

</pallas_src>

<mosaic_0001>
#map = affine_map<(d0, d1) -> (0)>
module attributes {stable_mosaic.version = 14 : i64} {
  func.func @k(%arg0: i32, %arg1: i32, %arg2: memref<32xf32, #tpu.memory_space<hbm>>, %arg3: memref<4096xf32, #tpu.memory_space<hbm>>, %arg4: memref<32xf32, #tpu.memory_space<vmem>>, %arg5: memref<256xf32, #tpu.memory_space<vmem>>) attributes {dimension_semantics = [#tpu.dimension_semantics<core_parallel>, #tpu.dimension_semantics<subcore_parallel>], iteration_bounds = array<i64: 1, 16>, scalar_prefetch = 0 : i64, scratch_operands = 2 : i64, tpu.core_type = #tpu.core_type<sc_vector_subcore>, window_params = [{transform_indices = #map}, {transform_indices = #map}]} {
    %mul3A = arith.constant 256 : i32
    %mul3A_0 = arith.muli %arg1, %mul3A : i32
    "tpu.region"() ({
      %run_scoped3A = tpu.sem_alloc : memref<!tpu.dma_semaphore, #tpu.memory_space<semaphore_mem>>
      tpu.enqueue_dma source(%arg2 : memref<32xf32, #tpu.memory_space<hbm>>) target(%arg4 : memref<32xf32, #tpu.memory_space<vmem>>) target_semaphore(%run_scoped3A : memref<!tpu.dma_semaphore, #tpu.memory_space<semaphore_mem>>)
      tpu.wait_dma2 semaphore(%run_scoped3A : memref<!tpu.dma_semaphore, #tpu.memory_space<semaphore_mem>>) src(%arg2 : memref<32xf32, #tpu.memory_space<hbm>>) dst(%arg4 : memref<32xf32, #tpu.memory_space<vmem>>)
      tpu.yield
    }) : () -> ()
    %get3A = arith.constant 0 : index
    %get3A_1 = tpu.vector_load %arg4[%get3A] {strides = array<i32>} : memref<32xf32, #tpu.memory_space<vmem>>, vector<16xf32>,
    %get3A_2 = vector.shape_cast %get3A_1 : vector<16xf32> to vector<16xf32>
    %get3A_3 = arith.constant 16 : index
    %get3A_4 = tpu.vector_load %arg4[%get3A_3] {strides = array<i32>} : memref<32xf32, #tpu.memory_space<vmem>>, vector<16xf32>,
    %get3A_5 = vector.shape_cast %get3A_4 : vector<16xf32> to vector<16xf32>
    %iota3A = tpu.iota {dimensions = array<i32: 0>} : vector<16xi32>
    %add3A = arith.constant 0 : i32
    %add3A_6 = arith.addi %mul3A_0, %add3A : i32
    %add3A_7 = vector.broadcast %add3A_6 : i32 to vector<16xi32>
    %add3A_8 = arith.addi %iota3A, %add3A_7 : vector<16xi32>
    %sub3A = arith.constant 2047 : i32
    %sub3A_9 = vector.broadcast %sub3A : i32 to vector<16xi32>
    %sub3A_10 = arith.subi %add3A_8, %sub3A_9 : vector<16xi32>
    %abs3A = math.absi %sub3A_10 : vector<16xi32>
    %broadcast_in_dim3A = arith.constant 8 : i32
    %broadcast_in_dim3A_11 = vector.broadcast %broadcast_in_dim3A : i32 to vector<16xi32>
    %ge3A = arith.constant 12 : i32
    %ge3A_12 = vector.broadcast %ge3A : i32 to vector<16xi32>
    %ge3A_13 = arith.cmpi sge, %abs3A, %ge3A_12 : vector<16xi32>
    %jit3A = arith.constant 1 : i32
    %jit3A_14 = arith.constant 0 : i32
    %broadcast_in_dim3A_15 = vector.broadcast %jit3A : i32 to vector<16xi32>
    %broadcast_in_dim3A_16 = vector.broadcast %jit3A_14 : i32 to vector<16xi32>
    %select_n3A = arith.select %ge3A_13, %broadcast_in_dim3A_15, %broadcast_in_dim3A_16 : vector<16xi1>, vector<16xi32>
    %add3A_17 = arith.addi %broadcast_in_dim3A_11, %select_n3A : vector<16xi32>
    %ge3A_18 = arith.constant 16 : i32
    %ge3A_19 = vector.broadcast %ge3A_18 : i32 to vector<16xi32>
    %ge3A_20 = arith.cmpi sge, %abs3A, %ge3A_19 : vector<16xi32>
    %jit3A_21 = arith.constant 1 : i32
    %jit3A_22 = arith.constant 0 : i32
    %broadcast_in_dim3A_23 = vector.broadcast %jit3A_21 : i32 to vector<16xi32>
    %broadcast_in_dim3A_24 = vector.broadcast %jit3A_22 : i32 to vector<16xi32>
    %select_n3A_25 = arith.select %ge3A_20, %broadcast_in_dim3A_23, %broadcast_in_dim3A_24 : vector<16xi1>, vector<16xi32>
    %add3A_26 = arith.addi %add3A_17, %select_n3A_25 : vector<16xi32>
    %ge3A_27 = arith.constant 23 : i32
    %ge3A_28 = vector.broadcast %ge3A_27 : i32 to vector<16xi32>
    %ge3A_29 = arith.cmpi sge, %abs3A, %ge3A_28 : vector<16xi32>
    %jit3A_30 = arith.constant 1 : i32
    %jit3A_31 = arith.constant 0 : i32
    %broadcast_in_dim3A_32 = vector.broadcast %jit3A_30 : i32 to vector<16xi32>
    %broadcast_in_dim3A_33 = vector.broadcast %jit3A_31 : i32 to vector<16xi32>
    %select_n3A_34 = arith.select %ge3A_29, %broadcast_in_dim3A_32, %broadcast_in_dim3A_33 : vector<16xi1>, vector<16xi32>
    %add3A_35 = arith.addi %add3A_26, %select_n3A_34 : vector<16xi32>
    %ge3A_36 = arith.constant 32 : i32
    %ge3A_37 = vector.broadcast %ge3A_36 : i32 to vector<16xi32>
    %ge3A_38 = arith.cmpi sge, %abs3A, %ge3A_37 : vector<16xi32>
    %jit3A_39 = arith.constant 1 : i32
    %jit3A_40 = arith.constant 0 : i32
    %broadcast_in_dim3A_41 = vector.broadcast %jit3A_39 : i32 to vector<16xi32>
    %broadcast_in_dim3A_42 = vector.broadcast %jit3A_40 : i32 to vector<16xi32>
    %select_n3A_43 = arith.select %ge3A_38, %broadcast_in_dim3A_41, %broadcast_in_dim3A_42 : vector<16xi1>, vector<16xi32>
    %add3A_44 = arith.addi %add3A_35, %select_n3A_43 : vector<16xi32>
    %ge3A_45 = arith.constant 46 : i32
    %ge3A_46 = vector.broadcast %ge3A_45 : i32 to vector<16xi32>
    %ge3A_47 = arith.cmpi sge, %abs3A, %ge3A_46 : vector<16xi32>
    %jit3A_48 = arith.constant 1 : i32
    %jit3A_49 = arith.constant 0 : i32
    %broadcast_in_dim3A_50 = vector.broadcast %jit3A_48 : i32 to vector<16xi32>
    %broadcast_in_dim3A_51 = vector.broadcast %jit3A_49 : i32 to vector<16xi32>
    %select_n3A_52 = arith.select %ge3A_47, %broadcast_in_dim3A_50, %broadcast_in_dim3A_51 : vector<16xi1>, vector<16xi32>
    %add3A_53 = arith.addi %add3A_44, %select_n3A_52 : vector<16xi32>
    %ge3A_54 = arith.constant 64 : i32
    %ge3A_55 = vector.broadcast %ge3A_54 : i32 to vector<16xi32>
    %ge3A_56 = arith.cmpi sge, %abs3A, %ge3A_55 : vector<16xi32>
    %jit3A_57 = arith.constant 1 : i32
    %jit3A_58 = arith.constant 0 : i32
    %broadcast_in_dim3A_59 = vector.broadcast %jit3A_57 : i32 to vector<16xi32>
    %broadcast_in_dim3A_60 = vector.broadcast %jit3A_58 : i32 to vector<16xi32>
    %select_n3A_61 = arith.select %ge3A_56, %broadcast_in_dim3A_59, %broadcast_in_dim3A_60 : vector<16xi1>, vector<16xi32>
    %add3A_62 = arith.addi %add3A_53, %select_n3A_61 : vector<16xi32>
    %ge3A_63 = arith.constant 91 : i32
    %ge3A_64 = vector.broadcast %ge3A_63 : i32 to vector<16xi32>
    %ge3A_65 = arith.cmpi sge, %abs3A, %ge3A_64 : vector<16xi32>
    %jit3A_66 = arith.constant 1 : i32
    %jit3A_67 = arith.constant 0 : i32
    %broadcast_in_dim3A_68 = vector.broadcast %jit3A_66 : i32 to vector<16xi32>
    %broadcast_in_dim3A_69 = vector.broadcast %jit3A_67 : i32 to vector<16xi32>
    %select_n3A_70 = arith.select %ge3A_65, %broadcast_in_dim3A_68, %broadcast_in_dim3A_69 : vector<16xi1>, vector<16xi32>
    %add3A_71 = arith.addi %add3A_62, %select_n3A_70 : vector<16xi32>
    %lt3A = arith.constant 8 : i32
    %lt3A_72 = vector.broadcast %lt3A : i32 to vector<16xi32>
    %lt3A_73 = arith.cmpi slt, %abs3A, %lt3A_72 : vector<16xi32>
    %select_n3A_74 = arith.select %lt3A_73, %abs3A, %add3A_71 : vector<16xi1>, vector<16xi32>
    %lt3A_75 = arith.constant 0 : i32
    %lt3A_76 = vector.broadcast %lt3A_75 : i32 to vector<16xi32>
    %lt3A_77 = arith.cmpi slt, %select_n3A_74, %lt3A_76 : vector<16xi32>
    %add3A_78 = arith.constant 16 : i32
    %add3A_79 = vector.broadcast %add3A_78 : i32 to vector<16xi32>
    %add3A_80 = arith.addi %select_n3A_74, %add3A_79 : vector<16xi32>
    %select_n3A_81 = arith.select %lt3A_77, %add3A_80, %select_n3A_74 : vector<16xi1>, vector<16xi32>
    %broadcast_in_dim3A_82 = vector.shape_cast %select_n3A_81 : vector<16xi32> to vector<16x1xi32>
    %gather3A = vector.shape_cast %broadcast_in_dim3A_82 : vector<16x1xi32> to vector<16xi32>
    %gather3A_83 = tpu.dynamic_gather %get3A_2[%gather3A] in [0] : vector<16xf32>, vector<16xi32> -> vector<16xf32>
    %lt3A_84 = arith.constant 0 : i32
    %lt3A_85 = vector.broadcast %lt3A_84 : i32 to vector<16xi32>
    %lt3A_86 = arith.cmpi slt, %select_n3A_74, %lt3A_85 : vector<16xi32>
    %add3A_87 = arith.constant 16 : i32
    %add3A_88 = vector.broadcast %add3A_87 : i32 to vector<16xi32>
    %add3A_89 = arith.addi %select_n3A_74, %add3A_88 : vector<16xi32>
    %select_n3A_90 = arith.select %lt3A_86, %add3A_89, %select_n3A_74 : vector<16xi1>, vector<16xi32>
    %broadcast_in_dim3A_91 = vector.shape_cast %select_n3A_90 : vector<16xi32> to vector<16x1xi32>
    %gather3A_92 = vector.shape_cast %broadcast_in_dim3A_91 : vector<16x1xi32> to vector<16xi32>
    %gather3A_93 = tpu.dynamic_gather %get3A_5[%gather3A_92] in [0] : vector<16xf32>, vector<16xi32> -> vector<16xf32>
    %gt3A = arith.constant 0 : i32
    %gt3A_94 = vector.broadcast %gt3A : i32 to vector<16xi32>
    %gt3A_95 = arith.cmpi sgt, %sub3A_10, %gt3A_94 : vector<16xi32>
    %select_n3A_96 = arith.select %gt3A_95, %gather3A_93, %gather3A_83 : vector<16xi1>, vector<16xf32>
    %swap3A = arith.constant 0 : index
    %swap3A_97 = tpu.vector_load %arg5[%swap3A] {strides = array<i32>} : memref<256xf32, #tpu.memory_space<vmem>>, vector<16xf32>,
    %swap3A_98 = vector.shape_cast %swap3A_97 : vector<16xf32> to vector<16xf32>
    %swap3A_99 = vector.shape_cast %select_n3A_96 : vector<16xf32> to vector<16xf32>
    tpu.vector_store %arg5[%swap3A], %swap3A_99 {strides = array<i32>} : memref<256xf32, #tpu.memory_space<vmem>>, vector<16xf32>,
    %iota3A_100 = tpu.iota {dimensions = array<i32: 0>} : vector<16xi32>
    %add3A_101 = arith.constant 16 : i32
    %add3A_102 = arith.addi %mul3A_0, %add3A_101 : i32
    %add3A_103 = vector.broadcast %add3A_102 : i32 to vector<16xi32>
    %add3A_104 = arith.addi %iota3A_100, %add3A_103 : vector<16xi32>
    %sub3A_105 = arith.constant 2047 : i32
    %sub3A_106 = vector.broadcast %sub3A_105 : i32 to vector<16xi32>
    %sub3A_107 = arith.subi %add3A_104, %sub3A_106 : vector<16xi32>
    %abs3A_108 = math.absi %sub3A_107 : vector<16xi32>
    %broadcast_in_dim3A_109 = arith.constant 8 : i32
    %broadcast_in_dim3A_110 = vector.broadcast %broadcast_in_dim3A_109 : i32 to vector<16xi32>
    %ge3A_111 = arith.constant 12 : i32
    %ge3A_112 = vector.broadcast %ge3A_111 : i32 to vector<16xi32>
    %ge3A_113 = arith.cmpi sge, %abs3A_108, %ge3A_112 : vector<16xi32>
    %jit3A_114 = arith.constant 1 : i32
    %jit3A_115 = arith.constant 0 : i32
    %broadcast_in_dim3A_116 = vector.broadcast %jit3A_114 : i32 to vector<16xi32>
    %broadcast_in_dim3A_117 = vector.broadcast %jit3A_115 : i32 to vector<16xi32>
    %select_n3A_118 = arith.select %ge3A_113, %broadcast_in_dim3A_116, %broadcast_in_dim3A_117 : vector<16xi1>, vector<16xi32>
    %add3A_119 = arith.addi %broadcast_in_dim3A_110, %select_n3A_118 : vector<16xi32>
    %ge3A_120 = arith.constant 16 : i32
    %ge3A_121 = vector.broadcast %ge3A_120 : i32 to vector<16xi32>
    %ge3A_122 = arith.cmpi sge, %abs3A_108, %ge3A_121 : vector<16xi32>
    %jit3A_123 = arith.constant 1 : i32
    %jit3A_124 = arith.constant 0 : i32
    %broadcast_in_dim3A_125 = vector.broadcast %jit3A_123 : i32 to vector<16xi32>
    %broadcast_in_dim3A_126 = vector.broadcast %jit3A_124 : i32 to vector<16xi32>
    %select_n3A_127 = arith.select %ge3A_122, %broadcast_in_dim3A_125, %broadcast_in_dim3A_126 : vector<16xi1>, vector<16xi32>
    %add3A_128 = arith.addi %add3A_119, %select_n3A_127 : vector<16xi32>
    %ge3A_129 = arith.constant 23 : i32
    %ge3A_130 = vector.broadcast %ge3A_129 : i32 to vector<16xi32>
    %ge3A_131 = arith.cmpi sge, %abs3A_108, %ge3A_130 : vector<16xi32>
    %jit3A_132 = arith.constant 1 : i32
    %jit3A_133 = arith.constant 0 : i32
    %broadcast_in_dim3A_134 = vector.broadcast %jit3A_132 : i32 to vector<16xi32>
    %broadcast_in_dim3A_135 = vector.broadcast %jit3A_133 : i32 to vector<16xi32>
    %select_n3A_136 = arith.select %ge3A_131, %broadcast_in_dim3A_134, %broadcast_in_dim3A_135 : vector<16xi1>, vector<16xi32>
    %add3A_137 = arith.addi %add3A_128, %select_n3A_136 : vector<16xi32>
    %ge3A_138 = arith.constant 32 : i32
    %ge3A_139 = vector.broadcast %ge3A_138 : i32 to vector<16xi32>
    %ge3A_140 = arith.cmpi sge, %abs3A_108, %ge3A_139 : vector<16xi32>
    %jit3A_141 = arith.constant 1 : i32
    %jit3A_142 = arith.constant 0 : i32
    %broadcast_in_dim3A_143 = vector.broadcast %jit3A_141 : i32 to vector<16xi32>
    %broadcast_in_dim3A_144 = vector.broadcast %jit3A_142 : i32 to vector<16xi32>
    %select_n3A_145 = arith.select %ge3A_140, %broadcast_in_dim3A_143, %broadcast_in_dim3A_144 : vector<16xi1>, vector<16xi32>
    %add3A_146 = arith.addi %add3A_137, %select_n3A_145 : vector<16xi32>
    %ge3A_147 = arith.constant 46 : i32
    %ge3A_148 = vector.broadcast %ge3A_147 : i32 to vector<16xi32>
    %ge3A_149 = arith.cmpi sge, %abs3A_108, %ge3A_148 : vector<16xi32>
    %jit3A_150 = arith.constant 1 : i32
    %jit3A_151 = arith.constant 0 : i32
    %broadcast_in_dim3A_152 = vector.broadcast %jit3A_150 : i32 to vector<16xi32>
    %broadcast_in_dim3A_153 = vector.broadcast %jit3A_151 : i32 to vector<16xi32>
    %select_n3A_154 = arith.select %ge3A_149, %broadcast_in_dim3A_152, %broadcast_in_dim3A_153 : vector<16xi1>, vector<16xi32>
    %add3A_155 = arith.addi %add3A_146, %select_n3A_154 : vector<16xi32>
    %ge3A_156 = arith.constant 64 : i32
    %ge3A_157 = vector.broadcast %ge3A_156 : i32 to vector<16xi32>
    %ge3A_158 = arith.cmpi sge, %abs3A_108, %ge3A_157 : vector<16xi32>
    %jit3A_159 = arith.constant 1 : i32
    %jit3A_160 = arith.constant 0 : i32
    %broadcast_in_dim3A_161 = vector.broadcast %jit3A_159 : i32 to vector<16xi32>
    %broadcast_in_dim3A_162 = vector.broadcast %jit3A_160 : i32 to vector<16xi32>
    %select_n3A_163 = arith.select %ge3A_158, %broadcast_in_dim3A_161, %broadcast_in_dim3A_162 : vector<16xi1>, vector<16xi32>
    %add3A_164 = arith.addi %add3A_155, %select_n3A_163 : vector<16xi32>
    %ge3A_165 = arith.constant 91 : i32
    %ge3A_166 = vector.broadcast %ge3A_165 : i32 to vector<16xi32>
    %ge3A_167 = arith.cmpi sge, %abs3A_108, %ge3A_166 : vector<16xi32>
    %jit3A_168 = arith.constant 1 : i32
    %jit3A_169 = arith.constant 0 : i32
    %broadcast_in_dim3A_170 = vector.broadcast %jit3A_168 : i32 to vector<16xi32>
    %broadcast_in_dim3A_171 = vector.broadcast %jit3A_169 : i32 to vector<16xi32>
    %select_n3A_172 = arith.select %ge3A_167, %broadcast_in_dim3A_170, %broadcast_in_dim3A_171 : vector<16xi1>, vector<16xi32>
    %add3A_173 = arith.addi %add3A_164, %select_n3A_172 : vector<16xi32>
    %lt3A_174 = arith.constant 8 : i32
    %lt3A_175 = vector.broadcast %lt3A_174 : i32 to vector<16xi32>
    %lt3A_176 = arith.cmpi slt, %abs3A_108, %lt3A_175 : vector<16xi32>
    %select_n3A_177 = arith.select %lt3A_176, %abs3A_108, %add3A_173 : vector<16xi1>, vector<16xi32>
    %lt3A_178 = arith.constant 0 : i32
    %lt3A_179 = vector.broadcast %lt3A_178 : i32 to vector<16xi32>
    %lt3A_180 = arith.cmpi slt, %select_n3A_177, %lt3A_179 : vector<16xi32>
    %add3A_181 = arith.constant 16 : i32
    %add3A_182 = vector.broadcast %add3A_181 : i32 to vector<16xi32>
    %add3A_183 = arith.addi %select_n3A_177, %add3A_182 : vector<16xi32>
    %select_n3A_184 = arith.select %lt3A_180, %add3A_183, %select_n3A_177 : vector<16xi1>, vector<16xi32>
    %broadcast_in_dim3A_185 = vector.shape_cast %select_n3A_184 : vector<16xi32> to vector<16x1xi32>
    %gather3A_186 = vector.shape_cast %broadcast_in_dim3A_185 : vector<16x1xi32> to vector<16xi32>
    %gather3A_187 = tpu.dynamic_gather %get3A_2[%gather3A_186] in [0] : vector<16xf32>, vector<16xi32> -> vector<16xf32>
    %lt3A_188 = arith.constant 0 : i32
    %lt3A_189 = vector.broadcast %lt3A_188 : i32 to vector<16xi32>
    %lt3A_190 = arith.cmpi slt, %select_n3A_177, %lt3A_189 : vector<16xi32>
    %add3A_191 = arith.constant 16 : i32
    %add3A_192 = vector.broadcast %add3A_191 : i32 to vector<16xi32>
    %add3A_193 = arith.addi %select_n3A_177, %add3A_192 : vector<16xi32>
    %select_n3A_194 = arith.select %lt3A_190, %add3A_193, %select_n3A_177 : vector<16xi1>, vector<16xi32>
    %broadcast_in_dim3A_195 = vector.shape_cast %select_n3A_194 : vector<16xi32> to vector<16x1xi32>
    %gather3A_196 = vector.shape_cast %broadcast_in_dim3A_195 : vector<16x1xi32> to vector<16xi32>
    %gather3A_197 = tpu.dynamic_gather %get3A_5[%gather3A_196] in [0] : vector<16xf32>, vector<16xi32> -> vector<16xf32>
    %gt3A_198 = arith.constant 0 : i32
    %gt3A_199 = vector.broadcast %gt3A_198 : i32 to vector<16xi32>
    %gt3A_200 = arith.cmpi sgt, %sub3A_107, %gt3A_199 : vector<16xi32>
    %select_n3A_201 = arith.select %gt3A_200, %gather3A_197, %gather3A_187 : vector<16xi1>, vector<16xf32>
    %swap3A_202 = arith.constant 16 : index
    %swap3A_203 = tpu.vector_load %arg5[%swap3A_202] {strides = array<i32>} : memref<256xf32, #tpu.memory_space<vmem>>, vector<16xf32>,
    %swap3A_204 = vector.shape_cast %swap3A_203 : vector<16xf32> to vector<16xf32>
    %swap3A_205 = vector.shape_cast %select_n3A_201 : vector<16xf32> to vector<16xf32>
    tpu.vector_store %arg5[%swap3A_202], %swap3A_205 {strides = array<i32>} : memref<256xf32, #tpu.memory_space<vmem>>, vector<16xf32>,
    %iota3A_206 = tpu.iota {dimensions = array<i32: 0>} : vector<16xi32>
    %add3A_207 = arith.constant 32 : i32
    %add3A_208 = arith.addi %mul3A_0, %add3A_207 : i32
    %add3A_209 = vector.broadcast %add3A_208 : i32 to vector<16xi32>
    %add3A_210 = arith.addi %iota3A_206, %add3A_209 : vector<16xi32>
    %sub3A_211 = arith.constant 2047 : i32
    %sub3A_212 = vector.broadcast %sub3A_211 : i32 to vector<16xi32>
    %sub3A_213 = arith.subi %add3A_210, %sub3A_212 : vector<16xi32>
    %abs3A_214 = math.absi %sub3A_213 : vector<16xi32>
    %broadcast_in_dim3A_215 = arith.constant 8 : i32
    %broadcast_in_dim3A_216 = vector.broadcast %broadcast_in_dim3A_215 : i32 to vector<16xi32>
    %ge3A_217 = arith.constant 12 : i32
    %ge3A_218 = vector.broadcast %ge3A_217 : i32 to vector<16xi32>
    %ge3A_219 = arith.cmpi sge, %abs3A_214, %ge3A_218 : vector<16xi32>
    %jit3A_220 = arith.constant 1 : i32
    %jit3A_221 = arith.constant 0 : i32
    %broadcast_in_dim3A_222 = vector.broadcast %jit3A_220 : i32 to vector<16xi32>
    %broadcast_in_dim3A_223 = vector.broadcast %jit3A_221 : i32 to vector<16xi32>
    %select_n3A_224 = arith.select %ge3A_219, %broadcast_in_dim3A_222, %broadcast_in_dim3A_223 : vector<16xi1>, vector<16xi32>
    %add3A_225 = arith.addi %broadcast_in_dim3A_216, %select_n3A_224 : vector<16xi32>
    %ge3A_226 = arith.constant 16 : i32
    %ge3A_227 = vector.broadcast %ge3A_226 : i32 to vector<16xi32>
    %ge3A_228 = arith.cmpi sge, %abs3A_214, %ge3A_227 : vector<16xi32>
    %jit3A_229 = arith.constant 1 : i32
    %jit3A_230 = arith.constant 0 : i32
    %broadcast_in_dim3A_231 = vector.broadcast %jit3A_229 : i32 to vector<16xi32>
    %broadcast_in_dim3A_232 = vector.broadcast %jit3A_230 : i32 to vector<16xi32>
    %select_n3A_233 = arith.select %ge3A_228, %broadcast_in_dim3A_231, %broadcast_in_dim3A_232 : vector<16xi1>, vector<16xi32>
    %add3A_234 = arith.addi %add3A_225, %select_n3A_233 : vector<16xi32>
    %ge3A_235 = arith.constant 23 : i32
    %ge3A_236 = vector.broadcast %ge3A_235 : i32 to vector<16xi32>
    %ge3A_237 = arith.cmpi sge, %abs3A_214, %ge3A_236 : vector<16xi32>
    %jit3A_238 = arith.constant 1 : i32
    %jit3A_239 = arith.constant 0 : i32
    %broadcast_in_dim3A_240 = vector.broadcast %jit3A_238 : i32 to vector<16xi32>
    %broadcast_in_dim3A_241 = vector.broadcast %jit3A_239 : i32 to vector<16xi32>
    %select_n3A_242 = arith.select %ge3A_237, %broadcast_in_dim3A_240, %broadcast_in_dim3A_241 : vector<16xi1>, vector<16xi32>
    %add3A_243 = arith.addi %add3A_234, %select_n3A_242 : vector<16xi32>
    %ge3A_244 = arith.constant 32 : i32
    %ge3A_245 = vector.broadcast %ge3A_244 : i32 to vector<16xi32>
    %ge3A_246 = arith.cmpi sge, %abs3A_214, %ge3A_245 : vector<16xi32>
    %jit3A_247 = arith.constant 1 : i32
    %jit3A_248 = arith.constant 0 : i32
    %broadcast_in_dim3A_249 = vector.broadcast %jit3A_247 : i32 to vector<16xi32>
    %broadcast_in_dim3A_250 = vector.broadcast %jit3A_248 : i32 to vector<16xi32>
    %select_n3A_251 = arith.select %ge3A_246, %broadcast_in_dim3A_249, %broadcast_in_dim3A_250 : vector<16xi1>, vector<16xi32>
    %add3A_252 = arith.addi %add3A_243, %select_n3A_251 : vector<16xi32>
    %ge3A_253 = arith.constant 46 : i32
    %ge3A_254 = vector.broadcast %ge3A_253 : i32 to vector<16xi32>
    %ge3A_255 = arith.cmpi sge, %abs3A_214, %ge3A_254 : vector<16xi32>
    %jit3A_256 = arith.constant 1 : i32
    %jit3A_257 = arith.constant 0 : i32
    %broadcast_in_dim3A_258 = vector.broadcast %jit3A_256 : i32 to vector<16xi32>
    %broadcast_in_dim3A_259 = vector.broadcast %jit3A_257 : i32 to vector<16xi32>
    %select_n3A_260 = arith.select %ge3A_255, %broadcast_in_dim3A_258, %broadcast_in_dim3A_259 : vector<16xi1>, vector<16xi32>
    %add3A_261 = arith.addi %add3A_252, %select_n3A_260 : vector<16xi32>
    %ge3A_262 = arith.constant 64 : i32
    %ge3A_263 = vector.broadcast %ge3A_262 : i32 to vector<16xi32>
    %ge3A_264 = arith.cmpi sge, %abs3A_214, %ge3A_263 : vector<16xi32>
    %jit3A_265 = arith.constant 1 : i32
    %jit3A_266 = arith.constant 0 : i32
    %broadcast_in_dim3A_267 = vector.broadcast %jit3A_265 : i32 to vector<16xi32>
    %broadcast_in_dim3A_268 = vector.broadcast %jit3A_266 : i32 to vector<16xi32>
    %select_n3A_269 = arith.select %ge3A_264, %broadcast_in_dim3A_267, %broadcast_in_dim3A_268 : vector<16xi1>, vector<16xi32>
    %add3A_270 = arith.addi %add3A_261, %select_n3A_269 : vector<16xi32>
    %ge3A_271 = arith.constant 91 : i32
    %ge3A_272 = vector.broadcast %ge3A_271 : i32 to vector<16xi32>
    %ge3A_273 = arith.cmpi sge, %abs3A_214, %ge3A_272 : vector<16xi32>
    %jit3A_274 = arith.constant 1 : i32
    %jit3A_275 = arith.constant 0 : i32
    %broadcast_in_dim3A_276 = vector.broadcast %jit3A_274 : i32 to vector<16xi32>
    %broadcast_in_dim3A_277 = vector.broadcast %jit3A_275 : i32 to vector<16xi32>
    %select_n3A_278 = arith.select %ge3A_273, %broadcast_in_dim3A_276, %broadcast_in_dim3A_277 : vector<16xi1>, vector<16xi32>
    %add3A_279 = arith.addi %add3A_270, %select_n3A_278 : vector<16xi32>
    %lt3A_280 = arith.constant 8 : i32
    %lt3A_281 = vector.broadcast %lt3A_280 : i32 to vector<16xi32>
    %lt3A_282 = arith.cmpi slt, %abs3A_214, %lt3A_281 : vector<16xi32>
    %select_n3A_283 = arith.select %lt3A_282, %abs3A_214, %add3A_279 : vector<16xi1>, vector<16xi32>
    %lt3A_284 = arith.constant 0 : i32
    %lt3A_285 = vector.broadcast %lt3A_284 : i32 to vector<16xi32>
    %lt3A_286 = arith.cmpi slt, %select_n3A_283, %lt3A_285 : vector<16xi32>
    %add3A_287 = arith.constant 16 : i32
    %add3A_288 = vector.broadcast %add3A_287 : i32 to vector<16xi32>
    %add3A_289 = arith.addi %select_n3A_283, %add3A_288 : vector<16xi32>
    %select_n3A_290 = arith.select %lt3A_286, %add3A_289, %select_n3A_283 : vector<16xi1>, vector<16xi32>
    %broadcast_in_dim3A_291 = vector.shape_cast %select_n3A_290 : vector<16xi32> to vector<16x1xi32>
    %gather3A_292 = vector.shape_cast %broadcast_in_dim3A_291 : vector<16x1xi32> to vector<16xi32>
    %gather3A_293 = tpu.dynamic_gather %get3A_2[%gather3A_292] in [0] : vector<16xf32>, vector<16xi32> -> vector<16xf32>
    %lt3A_294 = arith.constant 0 : i32
    %lt3A_295 = vector.broadcast %lt3A_294 : i32 to vector<16xi32>
    %lt3A_296 = arith.cmpi slt, %select_n3A_283, %lt3A_295 : vector<16xi32>
    %add3A_297 = arith.constant 16 : i32
    %add3A_298 = vector.broadcast %add3A_297 : i32 to vector<16xi32>
    %add3A_299 = arith.addi %select_n3A_283, %add3A_298 : vector<16xi32>
    %select_n3A_300 = arith.select %lt3A_296, %add3A_299, %select_n3A_283 : vector<16xi1>, vector<16xi32>
    %broadcast_in_dim3A_301 = vector.shape_cast %select_n3A_300 : vector<16xi32> to vector<16x1xi32>
    %gather3A_302 = vector.shape_cast %broadcast_in_dim3A_301 : vector<16x1xi32> to vector<16xi32>
    %gather3A_303 = tpu.dynamic_gather %get3A_5[%gather3A_302] in [0] : vector<16xf32>, vector<16xi32> -> vector<16xf32>
    %gt3A_304 = arith.constant 0 : i32
    %gt3A_305 = vector.broadcast %gt3A_304 : i32 to vector<16xi32>
    %gt3A_306 = arith.cmpi sgt, %sub3A_213, %gt3A_305 : vector<16xi32>
    %select_n3A_307 = arith.select %gt3A_306, %gather3A_303, %gather3A_293 : vector<16xi1>, vector<16xf32>
    %swap3A_308 = arith.constant 32 : index
    %swap3A_309 = tpu.vector_load %arg5[%swap3A_308] {strides = array<i32>} : memref<256xf32, #tpu.memory_space<vmem>>, vector<16xf32>,
    %swap3A_310 = vector.shape_cast %swap3A_309 : vector<16xf32> to vector<16xf32>
    %swap3A_311 = vector.shape_cast %select_n3A_307 : vector<16xf32> to vector<16xf32>
    tpu.vector_store %arg5[%swap3A_308], %swap3A_311 {strides = array<i32>} : memref<256xf32, #tpu.memory_space<vmem>>, vector<16xf32>,
    %iota3A_312 = tpu.iota {dimensions = array<i32: 0>} : vector<16xi32>
    %add3A_313 = arith.constant 48 : i32
    %add3A_314 = arith.addi %mul3A_0, %add3A_313 : i32
    %add3A_315 = vector.broadcast %add3A_314 : i32 to vector<16xi32>
    %add3A_316 = arith.addi %iota3A_312, %add3A_315 : vector<16xi32>
    %sub3A_317 = arith.constant 2047 : i32
    %sub3A_318 = vector.broadcast %sub3A_317 : i32 to vector<16xi32>
    %sub3A_319 = arith.subi %add3A_316, %sub3A_318 : vector<16xi32>
    %abs3A_320 = math.absi %sub3A_319 : vector<16xi32>
    %broadcast_in_dim3A_321 = arith.constant 8 : i32
    %broadcast_in_dim3A_322 = vector.broadcast %broadcast_in_dim3A_321 : i32 to vector<16xi32>
    %ge3A_323 = arith.constant 12 : i32
    %ge3A_324 = vector.broadcast %ge3A_323 : i32 to vector<16xi32>
    %ge3A_325 = arith.cmpi sge, %abs3A_320, %ge3A_324 : vector<16xi32>
    %jit3A_326 = arith.constant 1 : i32
    %jit3A_327 = arith.constant 0 : i32
    %broadcast_in_dim3A_328 = vector.broadcast %jit3A_326 : i32 to vector<16xi32>
    %broadcast_in_dim3A_329 = vector.broadcast %jit3A_327 : i32 to vector<16xi32>
    %select_n3A_330 = arith.select %ge3A_325, %broadcast_in_dim3A_328, %broadcast_in_dim3A_329 : vector<16xi1>, vector<16xi32>
    %add3A_331 = arith.addi %broadcast_in_dim3A_322, %select_n3A_330 : vector<16xi32>
    %ge3A_332 = arith.constant 16 : i32
    %ge3A_333 = vector.broadcast %ge3A_332 : i32 to vector<16xi32>
    %ge3A_334 = arith.cmpi sge, %abs3A_320, %ge3A_333 : vector<16xi32>
    %jit3A_335 = arith.constant 1 : i32
    %jit3A_336 = arith.constant 0 : i32
    %broadcast_in_dim3A_337 = vector.broadcast %jit3A_335 : i32 to vector<16xi32>
    %broadcast_in_dim3A_338 = vector.broadcast %jit3A_336 : i32 to vector<16xi32>
    %select_n3A_339 = arith.select %ge3A_334, %broadcast_in_dim3A_337, %broadcast_in_dim3A_338 : vector<16xi1>, vector<16xi32>
    %add3A_340 = arith.addi %add3A_331, %select_n3A_339 : vector<16xi32>
    %ge3A_341 = arith.constant 23 : i32
    %ge3A_342 = vector.broadcast %ge3A_341 : i32 to vector<16xi32>
    %ge3A_343 = arith.cmpi sge, %abs3A_320, %ge3A_342 : vector<16xi32>
    %jit3A_344 = arith.constant 1 : i32
    %jit3A_345 = arith.constant 0 : i32
    %broadcast_in_dim3A_346 = vector.broadcast %jit3A_344 : i32 to vector<16xi32>
    %broadcast_in_dim3A_347 = vector.broadcast %jit3A_345 : i32 to vector<16xi32>
    %select_n3A_348 = arith.select %ge3A_343, %broadcast_in_dim3A_346, %broadcast_in_dim3A_347 : vector<16xi1>, vector<16xi32>
    %add3A_349 = arith.addi %add3A_340, %select_n3A_348 : vector<16xi32>
    %ge3A_350 = arith.constant 32 : i32
    %ge3A_351 = vector.broadcast %ge3A_350 : i32 to vector<16xi32>
    %ge3A_352 = arith.cmpi sge, %abs3A_320, %ge3A_351 : vector<16xi32>
    %jit3A_353 = arith.constant 1 : i32
    %jit3A_354 = arith.constant 0 : i32
    %broadcast_in_dim3A_355 = vector.broadcast %jit3A_353 : i32 to vector<16xi32>
    %broadcast_in_dim3A_356 = vector.broadcast %jit3A_354 : i32 to vector<16xi32>
    %select_n3A_357 = arith.select %ge3A_352, %broadcast_in_dim3A_355, %broadcast_in_dim3A_356 : vector<16xi1>, vector<16xi32>
    %add3A_358 = arith.addi %add3A_349, %select_n3A_357 : vector<16xi32>
    %ge3A_359 = arith.constant 46 : i32
    %ge3A_360 = vector.broadcast %ge3A_359 : i32 to vector<16xi32>
    %ge3A_361 = arith.cmpi sge, %abs3A_320, %ge3A_360 : vector<16xi32>
    %jit3A_362 = arith.constant 1 : i32
    %jit3A_363 = arith.constant 0 : i32
    %broadcast_in_dim3A_364 = vector.broadcast %jit3A_362 : i32 to vector<16xi32>
    %broadcast_in_dim3A_365 = vector.broadcast %jit3A_363 : i32 to vector<16xi32>
    %select_n3A_366 = arith.select %ge3A_361, %broadcast_in_dim3A_364, %broadcast_in_dim3A_365 : vector<16xi1>, vector<16xi32>
    %add3A_367 = arith.addi %add3A_358, %select_n3A_366 : vector<16xi32>
    %ge3A_368 = arith.constant 64 : i32
    %ge3A_369 = vector.broadcast %ge3A_368 : i32 to vector<16xi32>
    %ge3A_370 = arith.cmpi sge, %abs3A_320, %ge3A_369 : vector<16xi32>
    %jit3A_371 = arith.constant 1 : i32
    %jit3A_372 = arith.constant 0 : i32
    %broadcast_in_dim3A_373 = vector.broadcast %jit3A_371 : i32 to vector<16xi32>
    %broadcast_in_dim3A_374 = vector.broadcast %jit3A_372 : i32 to vector<16xi32>
    %select_n3A_375 = arith.select %ge3A_370, %broadcast_in_dim3A_373, %broadcast_in_dim3A_374 : vector<16xi1>, vector<16xi32>
    %add3A_376 = arith.addi %add3A_367, %select_n3A_375 : vector<16xi32>
    %ge3A_377 = arith.constant 91 : i32
    %ge3A_378 = vector.broadcast %ge3A_377 : i32 to vector<16xi32>
    %ge3A_379 = arith.cmpi sge, %abs3A_320, %ge3A_378 : vector<16xi32>
    %jit3A_380 = arith.constant 1 : i32
    %jit3A_381 = arith.constant 0 : i32
    %broadcast_in_dim3A_382 = vector.broadcast %jit3A_380 : i32 to vector<16xi32>
    %broadcast_in_dim3A_383 = vector.broadcast %jit3A_381 : i32 to vector<16xi32>
    %select_n3A_384 = arith.select %ge3A_379, %broadcast_in_dim3A_382, %broadcast_in_dim3A_383 : vector<16xi1>, vector<16xi32>
    %add3A_385 = arith.addi %add3A_376, %select_n3A_384 : vector<16xi32>
    %lt3A_386 = arith.constant 8 : i32
    %lt3A_387 = vector.broadcast %lt3A_386 : i32 to vector<16xi32>
    %lt3A_388 = arith.cmpi slt, %abs3A_320, %lt3A_387 : vector<16xi32>
    %select_n3A_389 = arith.select %lt3A_388, %abs3A_320, %add3A_385 : vector<16xi1>, vector<16xi32>
    %lt3A_390 = arith.constant 0 : i32
    %lt3A_391 = vector.broadcast %lt3A_390 : i32 to vector<16xi32>
    %lt3A_392 = arith.cmpi slt, %select_n3A_389, %lt3A_391 : vector<16xi32>
    %add3A_393 = arith.constant 16 : i32
    %add3A_394 = vector.broadcast %add3A_393 : i32 to vector<16xi32>
    %add3A_395 = arith.addi %select_n3A_389, %add3A_394 : vector<16xi32>
    %select_n3A_396 = arith.select %lt3A_392, %add3A_395, %select_n3A_389 : vector<16xi1>, vector<16xi32>
    %broadcast_in_dim3A_397 = vector.shape_cast %select_n3A_396 : vector<16xi32> to vector<16x1xi32>
    %gather3A_398 = vector.shape_cast %broadcast_in_dim3A_397 : vector<16x1xi32> to vector<16xi32>
    %gather3A_399 = tpu.dynamic_gather %get3A_2[%gather3A_398] in [0] : vector<16xf32>, vector<16xi32> -> vector<16xf32>
    %lt3A_400 = arith.constant 0 : i32
    %lt3A_401 = vector.broadcast %lt3A_400 : i32 to vector<16xi32>
    %lt3A_402 = arith.cmpi slt, %select_n3A_389, %lt3A_401 : vector<16xi32>
    %add3A_403 = arith.constant 16 : i32
    %add3A_404 = vector.broadcast %add3A_403 : i32 to vector<16xi32>
    %add3A_405 = arith.addi %select_n3A_389, %add3A_404 : vector<16xi32>
    %select_n3A_406 = arith.select %lt3A_402, %add3A_405, %select_n3A_389 : vector<16xi1>, vector<16xi32>
    %broadcast_in_dim3A_407 = vector.shape_cast %select_n3A_406 : vector<16xi32> to vector<16x1xi32>
    %gather3A_408 = vector.shape_cast %broadcast_in_dim3A_407 : vector<16x1xi32> to vector<16xi32>
    %gather3A_409 = tpu.dynamic_gather %get3A_5[%gather3A_408] in [0] : vector<16xf32>, vector<16xi32> -> vector<16xf32>
    %gt3A_410 = arith.constant 0 : i32
    %gt3A_411 = vector.broadcast %gt3A_410 : i32 to vector<16xi32>
    %gt3A_412 = arith.cmpi sgt, %sub3A_319, %gt3A_411 : vector<16xi32>
    %select_n3A_413 = arith.select %gt3A_412, %gather3A_409, %gather3A_399 : vector<16xi1>, vector<16xf32>
    %swap3A_414 = arith.constant 48 : index
    %swap3A_415 = tpu.vector_load %arg5[%swap3A_414] {strides = array<i32>} : memref<256xf32, #tpu.memory_space<vmem>>, vector<16xf32>,
    %swap3A_416 = vector.shape_cast %swap3A_415 : vector<16xf32> to vector<16xf32>
    %swap3A_417 = vector.shape_cast %select_n3A_413 : vector<16xf32> to vector<16xf32>
    tpu.vector_store %arg5[%swap3A_414], %swap3A_417 {strides = array<i32>} : memref<256xf32, #tpu.memory_space<vmem>>, vector<16xf32>,
    %iota3A_418 = tpu.iota {dimensions = array<i32: 0>} : vector<16xi32>
    %add3A_419 = arith.constant 64 : i32
    %add3A_420 = arith.addi %mul3A_0, %add3A_419 : i32
    %add3A_421 = vector.broadcast %add3A_420 : i32 to vector<16xi32>
    %add3A_422 = arith.addi %iota3A_418, %add3A_421 : vector<16xi32>
    %sub3A_423 = arith.constant 2047 : i32
    %sub3A_424 = vector.broadcast %sub3A_423 : i32 to vector<16xi32>
    %sub3A_425 = arith.subi %add3A_422, %sub3A_424 : vector<16xi32>
    %abs3A_426 = math.absi %sub3A_425 : vector<16xi32>
    %broadcast_in_dim3A_427 = arith.constant 8 : i32
    %broadcast_in_dim3A_428 = vector.broadcast %broadcast_in_dim3A_427 : i32 to vector<16xi32>
    %ge3A_429 = arith.constant 12 : i32
    %ge3A_430 = vector.broadcast %ge3A_429 : i32 to vector<16xi32>
    %ge3A_431 = arith.cmpi sge, %abs3A_426, %ge3A_430 : vector<16xi32>
    %jit3A_432 = arith.constant 1 : i32
    %jit3A_433 = arith.constant 0 : i32
    %broadcast_in_dim3A_434 = vector.broadcast %jit3A_432 : i32 to vector<16xi32>
    %broadcast_in_dim3A_435 = vector.broadcast %jit3A_433 : i32 to vector<16xi32>
    %select_n3A_436 = arith.select %ge3A_431, %broadcast_in_dim3A_434, %broadcast_in_dim3A_435 : vector<16xi1>, vector<16xi32>
    %add3A_437 = arith.addi %broadcast_in_dim3A_428, %select_n3A_436 : vector<16xi32>
    %ge3A_438 = arith.constant 16 : i32
    %ge3A_439 = vector.broadcast %ge3A_438 : i32 to vector<16xi32>
    %ge3A_440 = arith.cmpi sge, %abs3A_426, %ge3A_439 : vector<16xi32>
    %jit3A_441 = arith.constant 1 : i32
    %jit3A_442 = arith.constant 0 : i32
    %broadcast_in_dim3A_443 = vector.broadcast %jit3A_441 : i32 to vector<16xi32>
    %broadcast_in_dim3A_444 = vector.broadcast %jit3A_442 : i32 to vector<16xi32>
    %select_n3A_445 = arith.select %ge3A_440, %broadcast_in_dim3A_443, %broadcast_in_dim3A_444 : vector<16xi1>, vector<16xi32>
    %add3A_446 = arith.addi %add3A_437, %select_n3A_445 : vector<16xi32>
    %ge3A_447 = arith.constant 23 : i32
    %ge3A_448 = vector.broadcast %ge3A_447 : i32 to vector<16xi32>
    %ge3A_449 = arith.cmpi sge, %abs3A_426, %ge3A_448 : vector<16xi32>
    %jit3A_450 = arith.constant 1 : i32
    %jit3A_451 = arith.constant 0 : i32
    %broadcast_in_dim3A_452 = vector.broadcast %jit3A_450 : i32 to vector<16xi32>
    %broadcast_in_dim3A_453 = vector.broadcast %jit3A_451 : i32 to vector<16xi32>
    %select_n3A_454 = arith.select %ge3A_449, %broadcast_in_dim3A_452, %broadcast_in_dim3A_453 : vector<16xi1>, vector<16xi32>
    %add3A_455 = arith.addi %add3A_446, %select_n3A_454 : vector<16xi32>
    %ge3A_456 = arith.constant 32 : i32
    %ge3A_457 = vector.broadcast %ge3A_456 : i32 to vector<16xi32>
    %ge3A_458 = arith.cmpi sge, %abs3A_426, %ge3A_457 : vector<16xi32>
    %jit3A_459 = arith.constant 1 : i32
    %jit3A_460 = arith.constant 0 : i32
    %broadcast_in_dim3A_461 = vector.broadcast %jit3A_459 : i32 to vector<16xi32>
    %broadcast_in_dim3A_462 = vector.broadcast %jit3A_460 : i32 to vector<16xi32>
    %select_n3A_463 = arith.select %ge3A_458, %broadcast_in_dim3A_461, %broadcast_in_dim3A_462 : vector<16xi1>, vector<16xi32>
    %add3A_464 = arith.addi %add3A_455, %select_n3A_463 : vector<16xi32>
    %ge3A_465 = arith.constant 46 : i32
    %ge3A_466 = vector.broadcast %ge3A_465 : i32 to vector<16xi32>
    %ge3A_467 = arith.cmpi sge, %abs3A_426, %ge3A_466 : vector<16xi32>
    %jit3A_468 = arith.constant 1 : i32
    %jit3A_469 = arith.constant 0 : i32
    %broadcast_in_dim3A_470 = vector.broadcast %jit3A_468 : i32 to vector<16xi32>
    %broadcast_in_dim3A_471 = vector.broadcast %jit3A_469 : i32 to vector<16xi32>
    %select_n3A_472 = arith.select %ge3A_467, %broadcast_in_dim3A_470, %broadcast_in_dim3A_471 : vector<16xi1>, vector<16xi32>
    %add3A_473 = arith.addi %add3A_464, %select_n3A_472 : vector<16xi32>
    %ge3A_474 = arith.constant 64 : i32
    %ge3A_475 = vector.broadcast %ge3A_474 : i32 to vector<16xi32>
    %ge3A_476 = arith.cmpi sge, %abs3A_426, %ge3A_475 : vector<16xi32>
    %jit3A_477 = arith.constant 1 : i32
    %jit3A_478 = arith.constant 0 : i32
    %broadcast_in_dim3A_479 = vector.broadcast %jit3A_477 : i32 to vector<16xi32>
    %broadcast_in_dim3A_480 = vector.broadcast %jit3A_478 : i32 to vector<16xi32>
    %select_n3A_481 = arith.select %ge3A_476, %broadcast_in_dim3A_479, %broadcast_in_dim3A_480 : vector<16xi1>, vector<16xi32>
    %add3A_482 = arith.addi %add3A_473, %select_n3A_481 : vector<16xi32>
    %ge3A_483 = arith.constant 91 : i32
    %ge3A_484 = vector.broadcast %ge3A_483 : i32 to vector<16xi32>
    %ge3A_485 = arith.cmpi sge, %abs3A_426, %ge3A_484 : vector<16xi32>
    %jit3A_486 = arith.constant 1 : i32
    %jit3A_487 = arith.constant 0 : i32
    %broadcast_in_dim3A_488 = vector.broadcast %jit3A_486 : i32 to vector<16xi32>
    %broadcast_in_dim3A_489 = vector.broadcast %jit3A_487 : i32 to vector<16xi32>
    %select_n3A_490 = arith.select %ge3A_485, %broadcast_in_dim3A_488, %broadcast_in_dim3A_489 : vector<16xi1>, vector<16xi32>
    %add3A_491 = arith.addi %add3A_482, %select_n3A_490 : vector<16xi32>
    %lt3A_492 = arith.constant 8 : i32
    %lt3A_493 = vector.broadcast %lt3A_492 : i32 to vector<16xi32>
    %lt3A_494 = arith.cmpi slt, %abs3A_426, %lt3A_493 : vector<16xi32>
    %select_n3A_495 = arith.select %lt3A_494, %abs3A_426, %add3A_491 : vector<16xi1>, vector<16xi32>
    %lt3A_496 = arith.constant 0 : i32
    %lt3A_497 = vector.broadcast %lt3A_496 : i32 to vector<16xi32>
    %lt3A_498 = arith.cmpi slt, %select_n3A_495, %lt3A_497 : vector<16xi32>
    %add3A_499 = arith.constant 16 : i32
    %add3A_500 = vector.broadcast %add3A_499 : i32 to vector<16xi32>
    %add3A_501 = arith.addi %select_n3A_495, %add3A_500 : vector<16xi32>
    %select_n3A_502 = arith.select %lt3A_498, %add3A_501, %select_n3A_495 : vector<16xi1>, vector<16xi32>
    %broadcast_in_dim3A_503 = vector.shape_cast %select_n3A_502 : vector<16xi32> to vector<16x1xi32>
    %gather3A_504 = vector.shape_cast %broadcast_in_dim3A_503 : vector<16x1xi32> to vector<16xi32>
    %gather3A_505 = tpu.dynamic_gather %get3A_2[%gather3A_504] in [0] : vector<16xf32>, vector<16xi32> -> vector<16xf32>
    %lt3A_506 = arith.constant 0 : i32
    %lt3A_507 = vector.broadcast %lt3A_506 : i32 to vector<16xi32>
    %lt3A_508 = arith.cmpi slt, %select_n3A_495, %lt3A_507 : vector<16xi32>
    %add3A_509 = arith.constant 16 : i32
    %add3A_510 = vector.broadcast %add3A_509 : i32 to vector<16xi32>
    %add3A_511 = arith.addi %select_n3A_495, %add3A_510 : vector<16xi32>
    %select_n3A_512 = arith.select %lt3A_508, %add3A_511, %select_n3A_495 : vector<16xi1>, vector<16xi32>
    %broadcast_in_dim3A_513 = vector.shape_cast %select_n3A_512 : vector<16xi32> to vector<16x1xi32>
    %gather3A_514 = vector.shape_cast %broadcast_in_dim3A_513 : vector<16x1xi32> to vector<16xi32>
    %gather3A_515 = tpu.dynamic_gather %get3A_5[%gather3A_514] in [0] : vector<16xf32>, vector<16xi32> -> vector<16xf32>
    %gt3A_516 = arith.constant 0 : i32
    %gt3A_517 = vector.broadcast %gt3A_516 : i32 to vector<16xi32>
    %gt3A_518 = arith.cmpi sgt, %sub3A_425, %gt3A_517 : vector<16xi32>
    %select_n3A_519 = arith.select %gt3A_518, %gather3A_515, %gather3A_505 : vector<16xi1>, vector<16xf32>
    %swap3A_520 = arith.constant 64 : index
    %swap3A_521 = tpu.vector_load %arg5[%swap3A_520] {strides = array<i32>} : memref<256xf32, #tpu.memory_space<vmem>>, vector<16xf32>,
    %swap3A_522 = vector.shape_cast %swap3A_521 : vector<16xf32> to vector<16xf32>
    %swap3A_523 = vector.shape_cast %select_n3A_519 : vector<16xf32> to vector<16xf32>
    tpu.vector_store %arg5[%swap3A_520], %swap3A_523 {strides = array<i32>} : memref<256xf32, #tpu.memory_space<vmem>>, vector<16xf32>,
    %iota3A_524 = tpu.iota {dimensions = array<i32: 0>} : vector<16xi32>
    %add3A_525 = arith.constant 80 : i32
    %add3A_526 = arith.addi %mul3A_0, %add3A_525 : i32
    %add3A_527 = vector.broadcast %add3A_526 : i32 to vector<16xi32>
    %add3A_528 = arith.addi %iota3A_524, %add3A_527 : vector<16xi32>
    %sub3A_529 = arith.constant 2047 : i32
    %sub3A_530 = vector.broadcast %sub3A_529 : i32 to vector<16xi32>
    %sub3A_531 = arith.subi %add3A_528, %sub3A_530 : vector<16xi32>
    %abs3A_532 = math.absi %sub3A_531 : vector<16xi32>
    %broadcast_in_dim3A_533 = arith.constant 8 : i32
    %broadcast_in_dim3A_534 = vector.broadcast %broadcast_in_dim3A_533 : i32 to vector<16xi32>
    %ge3A_535 = arith.constant 12 : i32
    %ge3A_536 = vector.broadcast %ge3A_535 : i32 to vector<16xi32>
    %ge3A_537 = arith.cmpi sge, %abs3A_532, %ge3A_536 : vector<16xi32>
    %jit3A_538 = arith.constant 1 : i32
    %jit3A_539 = arith.constant 0 : i32
    %broadcast_in_dim3A_540 = vector.broadcast %jit3A_538 : i32 to vector<16xi32>
    %broadcast_in_dim3A_541 = vector.broadcast %jit3A_539 : i32 to vector<16xi32>
    %select_n3A_542 = arith.select %ge3A_537, %broadcast_in_dim3A_540, %broadcast_in_dim3A_541 : vector<16xi1>, vector<16xi32>
    %add3A_543 = arith.addi %broadcast_in_dim3A_534, %select_n3A_542 : vector<16xi32>
    %ge3A_544 = arith.constant 16 : i32
    %ge3A_545 = vector.broadcast %ge3A_544 : i32 to vector<16xi32>
    %ge3A_546 = arith.cmpi sge, %abs3A_532, %ge3A_545 : vector<16xi32>
    %jit3A_547 = arith.constant 1 : i32
    %jit3A_548 = arith.constant 0 : i32
    %broadcast_in_dim3A_549 = vector.broadcast %jit3A_547 : i32 to vector<16xi32>
    %broadcast_in_dim3A_550 = vector.broadcast %jit3A_548 : i32 to vector<16xi32>
    %select_n3A_551 = arith.select %ge3A_546, %broadcast_in_dim3A_549, %broadcast_in_dim3A_550 : vector<16xi1>, vector<16xi32>
    %add3A_552 = arith.addi %add3A_543, %select_n3A_551 : vector<16xi32>
    %ge3A_553 = arith.constant 23 : i32
    %ge3A_554 = vector.broadcast %ge3A_553 : i32 to vector<16xi32>
    %ge3A_555 = arith.cmpi sge, %abs3A_532, %ge3A_554 : vector<16xi32>
    %jit3A_556 = arith.constant 1 : i32
    %jit3A_557 = arith.constant 0 : i32
    %broadcast_in_dim3A_558 = vector.broadcast %jit3A_556 : i32 to vector<16xi32>
    %broadcast_in_dim3A_559 = vector.broadcast %jit3A_557 : i32 to vector<16xi32>
    %select_n3A_560 = arith.select %ge3A_555, %broadcast_in_dim3A_558, %broadcast_in_dim3A_559 : vector<16xi1>, vector<16xi32>
    %add3A_561 = arith.addi %add3A_552, %select_n3A_560 : vector<16xi32>
    %ge3A_562 = arith.constant 32 : i32
    %ge3A_563 = vector.broadcast %ge3A_562 : i32 to vector<16xi32>
    %ge3A_564 = arith.cmpi sge, %abs3A_532, %ge3A_563 : vector<16xi32>
    %jit3A_565 = arith.constant 1 : i32
    %jit3A_566 = arith.constant 0 : i32
    %broadcast_in_dim3A_567 = vector.broadcast %jit3A_565 : i32 to vector<16xi32>
    %broadcast_in_dim3A_568 = vector.broadcast %jit3A_566 : i32 to vector<16xi32>
    %select_n3A_569 = arith.select %ge3A_564, %broadcast_in_dim3A_567, %broadcast_in_dim3A_568 : vector<16xi1>, vector<16xi32>
    %add3A_570 = arith.addi %add3A_561, %select_n3A_569 : vector<16xi32>
    %ge3A_571 = arith.constant 46 : i32
    %ge3A_572 = vector.broadcast %ge3A_571 : i32 to vector<16xi32>
    %ge3A_573 = arith.cmpi sge, %abs3A_532, %ge3A_572 : vector<16xi32>
    %jit3A_574 = arith.constant 1 : i32
    %jit3A_575 = arith.constant 0 : i32
    %broadcast_in_dim3A_576 = vector.broadcast %jit3A_574 : i32 to vector<16xi32>
    %broadcast_in_dim3A_577 = vector.broadcast %jit3A_575 : i32 to vector<16xi32>
    %select_n3A_578 = arith.select %ge3A_573, %broadcast_in_dim3A_576, %broadcast_in_dim3A_577 : vector<16xi1>, vector<16xi32>
    %add3A_579 = arith.addi %add3A_570, %select_n3A_578 : vector<16xi32>
    %ge3A_580 = arith.constant 64 : i32
    %ge3A_581 = vector.broadcast %ge3A_580 : i32 to vector<16xi32>
    %ge3A_582 = arith.cmpi sge, %abs3A_532, %ge3A_581 : vector<16xi32>
    %jit3A_583 = arith.constant 1 : i32
    %jit3A_584 = arith.constant 0 : i32
    %broadcast_in_dim3A_585 = vector.broadcast %jit3A_583 : i32 to vector<16xi32>
    %broadcast_in_dim3A_586 = vector.broadcast %jit3A_584 : i32 to vector<16xi32>
    %select_n3A_587 = arith.select %ge3A_582, %broadcast_in_dim3A_585, %broadcast_in_dim3A_586 : vector<16xi1>, vector<16xi32>
    %add3A_588 = arith.addi %add3A_579, %select_n3A_587 : vector<16xi32>
    %ge3A_589 = arith.constant 91 : i32
    %ge3A_590 = vector.broadcast %ge3A_589 : i32 to vector<16xi32>
    %ge3A_591 = arith.cmpi sge, %abs3A_532, %ge3A_590 : vector<16xi32>
    %jit3A_592 = arith.constant 1 : i32
    %jit3A_593 = arith.constant 0 : i32
    %broadcast_in_dim3A_594 = vector.broadcast %jit3A_592 : i32 to vector<16xi32>
    %broadcast_in_dim3A_595 = vector.broadcast %jit3A_593 : i32 to vector<16xi32>
    %select_n3A_596 = arith.select %ge3A_591, %broadcast_in_dim3A_594, %broadcast_in_dim3A_595 : vector<16xi1>, vector<16xi32>
    %add3A_597 = arith.addi %add3A_588, %select_n3A_596 : vector<16xi32>
    %lt3A_598 = arith.constant 8 : i32
    %lt3A_599 = vector.broadcast %lt3A_598 : i32 to vector<16xi32>
    %lt3A_600 = arith.cmpi slt, %abs3A_532, %lt3A_599 : vector<16xi32>
    %select_n3A_601 = arith.select %lt3A_600, %abs3A_532, %add3A_597 : vector<16xi1>, vector<16xi32>
    %lt3A_602 = arith.constant 0 : i32
    %lt3A_603 = vector.broadcast %lt3A_602 : i32 to vector<16xi32>
    %lt3A_604 = arith.cmpi slt, %select_n3A_601, %lt3A_603 : vector<16xi32>
    %add3A_605 = arith.constant 16 : i32
    %add3A_606 = vector.broadcast %add3A_605 : i32 to vector<16xi32>
    %add3A_607 = arith.addi %select_n3A_601, %add3A_606 : vector<16xi32>
    %select_n3A_608 = arith.select %lt3A_604, %add3A_607, %select_n3A_601 : vector<16xi1>, vector<16xi32>
    %broadcast_in_dim3A_609 = vector.shape_cast %select_n3A_608 : vector<16xi32> to vector<16x1xi32>
    %gather3A_610 = vector.shape_cast %broadcast_in_dim3A_609 : vector<16x1xi32> to vector<16xi32>
    %gather3A_611 = tpu.dynamic_gather %get3A_2[%gather3A_610] in [0] : vector<16xf32>, vector<16xi32> -> vector<16xf32>
    %lt3A_612 = arith.constant 0 : i32
    %lt3A_613 = vector.broadcast %lt3A_612 : i32 to vector<16xi32>
    %lt3A_614 = arith.cmpi slt, %select_n3A_601, %lt3A_613 : vector<16xi32>
    %add3A_615 = arith.constant 16 : i32
    %add3A_616 = vector.broadcast %add3A_615 : i32 to vector<16xi32>
    %add3A_617 = arith.addi %select_n3A_601, %add3A_616 : vector<16xi32>
    %select_n3A_618 = arith.select %lt3A_614, %add3A_617, %select_n3A_601 : vector<16xi1>, vector<16xi32>
    %broadcast_in_dim3A_619 = vector.shape_cast %select_n3A_618 : vector<16xi32> to vector<16x1xi32>
    %gather3A_620 = vector.shape_cast %broadcast_in_dim3A_619 : vector<16x1xi32> to vector<16xi32>
    %gather3A_621 = tpu.dynamic_gather %get3A_5[%gather3A_620] in [0] : vector<16xf32>, vector<16xi32> -> vector<16xf32>
    %gt3A_622 = arith.constant 0 : i32
    %gt3A_623 = vector.broadcast %gt3A_622 : i32 to vector<16xi32>
    %gt3A_624 = arith.cmpi sgt, %sub3A_531, %gt3A_623 : vector<16xi32>
    %select_n3A_625 = arith.select %gt3A_624, %gather3A_621, %gather3A_611 : vector<16xi1>, vector<16xf32>
    %swap3A_626 = arith.constant 80 : index
    %swap3A_627 = tpu.vector_load %arg5[%swap3A_626] {strides = array<i32>} : memref<256xf32, #tpu.memory_space<vmem>>, vector<16xf32>,
    %swap3A_628 = vector.shape_cast %swap3A_627 : vector<16xf32> to vector<16xf32>
    %swap3A_629 = vector.shape_cast %select_n3A_625 : vector<16xf32> to vector<16xf32>
    tpu.vector_store %arg5[%swap3A_626], %swap3A_629 {strides = array<i32>} : memref<256xf32, #tpu.memory_space<vmem>>, vector<16xf32>,
    %iota3A_630 = tpu.iota {dimensions = array<i32: 0>} : vector<16xi32>
    %add3A_631 = arith.constant 96 : i32
    %add3A_632 = arith.addi %mul3A_0, %add3A_631 : i32
    %add3A_633 = vector.broadcast %add3A_632 : i32 to vector<16xi32>
    %add3A_634 = arith.addi %iota3A_630, %add3A_633 : vector<16xi32>
    %sub3A_635 = arith.constant 2047 : i32
    %sub3A_636 = vector.broadcast %sub3A_635 : i32 to vector<16xi32>
    %sub3A_637 = arith.subi %add3A_634, %sub3A_636 : vector<16xi32>
    %abs3A_638 = math.absi %sub3A_637 : vector<16xi32>
    %broadcast_in_dim3A_639 = arith.constant 8 : i32
    %broadcast_in_dim3A_640 = vector.broadcast %broadcast_in_dim3A_639 : i32 to vector<16xi32>
    %ge3A_641 = arith.constant 12 : i32
    %ge3A_642 = vector.broadcast %ge3A_641 : i32 to vector<16xi32>
    %ge3A_643 = arith.cmpi sge, %abs3A_638, %ge3A_642 : vector<16xi32>
    %jit3A_644 = arith.constant 1 : i32
    %jit3A_645 = arith.constant 0 : i32
    %broadcast_in_dim3A_646 = vector.broadcast %jit3A_644 : i32 to vector<16xi32>
    %broadcast_in_dim3A_647 = vector.broadcast %jit3A_645 : i32 to vector<16xi32>
    %select_n3A_648 = arith.select %ge3A_643, %broadcast_in_dim3A_646, %broadcast_in_dim3A_647 : vector<16xi1>, vector<16xi32>
    %add3A_649 = arith.addi %broadcast_in_dim3A_640, %select_n3A_648 : vector<16xi32>
    %ge3A_650 = arith.constant 16 : i32
    %ge3A_651 = vector.broadcast %ge3A_650 : i32 to vector<16xi32>
    %ge3A_652 = arith.cmpi sge, %abs3A_638, %ge3A_651 : vector<16xi32>
    %jit3A_653 = arith.constant 1 : i32
    %jit3A_654 = arith.constant 0 : i32
    %broadcast_in_dim3A_655 = vector.broadcast %jit3A_653 : i32 to vector<16xi32>
    %broadcast_in_dim3A_656 = vector.broadcast %jit3A_654 : i32 to vector<16xi32>
    %select_n3A_657 = arith.select %ge3A_652, %broadcast_in_dim3A_655, %broadcast_in_dim3A_656 : vector<16xi1>, vector<16xi32>
    %add3A_658 = arith.addi %add3A_649, %select_n3A_657 : vector<16xi32>
    %ge3A_659 = arith.constant 23 : i32
    %ge3A_660 = vector.broadcast %ge3A_659 : i32 to vector<16xi32>
    %ge3A_661 = arith.cmpi sge, %abs3A_638, %ge3A_660 : vector<16xi32>
    %jit3A_662 = arith.constant 1 : i32
    %jit3A_663 = arith.constant 0 : i32
    %broadcast_in_dim3A_664 = vector.broadcast %jit3A_662 : i32 to vector<16xi32>
    %broadcast_in_dim3A_665 = vector.broadcast %jit3A_663 : i32 to vector<16xi32>
    %select_n3A_666 = arith.select %ge3A_661, %broadcast_in_dim3A_664, %broadcast_in_dim3A_665 : vector<16xi1>, vector<16xi32>
    %add3A_667 = arith.addi %add3A_658, %select_n3A_666 : vector<16xi32>
    %ge3A_668 = arith.constant 32 : i32
    %ge3A_669 = vector.broadcast %ge3A_668 : i32 to vector<16xi32>
    %ge3A_670 = arith.cmpi sge, %abs3A_638, %ge3A_669 : vector<16xi32>
    %jit3A_671 = arith.constant 1 : i32
    %jit3A_672 = arith.constant 0 : i32
    %broadcast_in_dim3A_673 = vector.broadcast %jit3A_671 : i32 to vector<16xi32>
    %broadcast_in_dim3A_674 = vector.broadcast %jit3A_672 : i32 to vector<16xi32>
    %select_n3A_675 = arith.select %ge3A_670, %broadcast_in_dim3A_673, %broadcast_in_dim3A_674 : vector<16xi1>, vector<16xi32>
    %add3A_676 = arith.addi %add3A_667, %select_n3A_675 : vector<16xi32>
    %ge3A_677 = arith.constant 46 : i32
    %ge3A_678 = vector.broadcast %ge3A_677 : i32 to vector<16xi32>
    %ge3A_679 = arith.cmpi sge, %abs3A_638, %ge3A_678 : vector<16xi32>
    %jit3A_680 = arith.constant 1 : i32
    %jit3A_681 = arith.constant 0 : i32
    %broadcast_in_dim3A_682 = vector.broadcast %jit3A_680 : i32 to vector<16xi32>
    %broadcast_in_dim3A_683 = vector.broadcast %jit3A_681 : i32 to vector<16xi32>
    %select_n3A_684 = arith.select %ge3A_679, %broadcast_in_dim3A_682, %broadcast_in_dim3A_683 : vector<16xi1>, vector<16xi32>
    %add3A_685 = arith.addi %add3A_676, %select_n3A_684 : vector<16xi32>
    %ge3A_686 = arith.constant 64 : i32
    %ge3A_687 = vector.broadcast %ge3A_686 : i32 to vector<16xi32>
    %ge3A_688 = arith.cmpi sge, %abs3A_638, %ge3A_687 : vector<16xi32>
    %jit3A_689 = arith.constant 1 : i32
    %jit3A_690 = arith.constant 0 : i32
    %broadcast_in_dim3A_691 = vector.broadcast %jit3A_689 : i32 to vector<16xi32>
    %broadcast_in_dim3A_692 = vector.broadcast %jit3A_690 : i32 to vector<16xi32>
    %select_n3A_693 = arith.select %ge3A_688, %broadcast_in_dim3A_691, %broadcast_in_dim3A_692 : vector<16xi1>, vector<16xi32>
    %add3A_694 = arith.addi %add3A_685, %select_n3A_693 : vector<16xi32>
    %ge3A_695 = arith.constant 91 : i32
    %ge3A_696 = vector.broadcast %ge3A_695 : i32 to vector<16xi32>
    %ge3A_697 = arith.cmpi sge, %abs3A_638, %ge3A_696 : vector<16xi32>
    %jit3A_698 = arith.constant 1 : i32
    %jit3A_699 = arith.constant 0 : i32
    %broadcast_in_dim3A_700 = vector.broadcast %jit3A_698 : i32 to vector<16xi32>
    %broadcast_in_dim3A_701 = vector.broadcast %jit3A_699 : i32 to vector<16xi32>
    %select_n3A_702 = arith.select %ge3A_697, %broadcast_in_dim3A_700, %broadcast_in_dim3A_701 : vector<16xi1>, vector<16xi32>
    %add3A_703 = arith.addi %add3A_694, %select_n3A_702 : vector<16xi32>
    %lt3A_704 = arith.constant 8 : i32
    %lt3A_705 = vector.broadcast %lt3A_704 : i32 to vector<16xi32>
    %lt3A_706 = arith.cmpi slt, %abs3A_638, %lt3A_705 : vector<16xi32>
    %select_n3A_707 = arith.select %lt3A_706, %abs3A_638, %add3A_703 : vector<16xi1>, vector<16xi32>
    %lt3A_708 = arith.constant 0 : i32
    %lt3A_709 = vector.broadcast %lt3A_708 : i32 to vector<16xi32>
    %lt3A_710 = arith.cmpi slt, %select_n3A_707, %lt3A_709 : vector<16xi32>
    %add3A_711 = arith.constant 16 : i32
    %add3A_712 = vector.broadcast %add3A_711 : i32 to vector<16xi32>
    %add3A_713 = arith.addi %select_n3A_707, %add3A_712 : vector<16xi32>
    %select_n3A_714 = arith.select %lt3A_710, %add3A_713, %select_n3A_707 : vector<16xi1>, vector<16xi32>
    %broadcast_in_dim3A_715 = vector.shape_cast %select_n3A_714 : vector<16xi32> to vector<16x1xi32>
    %gather3A_716 = vector.shape_cast %broadcast_in_dim3A_715 : vector<16x1xi32> to vector<16xi32>
    %gather3A_717 = tpu.dynamic_gather %get3A_2[%gather3A_716] in [0] : vector<16xf32>, vector<16xi32> -> vector<16xf32>
    %lt3A_718 = arith.constant 0 : i32
    %lt3A_719 = vector.broadcast %lt3A_718 : i32 to vector<16xi32>
    %lt3A_720 = arith.cmpi slt, %select_n3A_707, %lt3A_719 : vector<16xi32>
    %add3A_721 = arith.constant 16 : i32
    %add3A_722 = vector.broadcast %add3A_721 : i32 to vector<16xi32>
    %add3A_723 = arith.addi %select_n3A_707, %add3A_722 : vector<16xi32>
    %select_n3A_724 = arith.select %lt3A_720, %add3A_723, %select_n3A_707 : vector<16xi1>, vector<16xi32>
    %broadcast_in_dim3A_725 = vector.shape_cast %select_n3A_724 : vector<16xi32> to vector<16x1xi32>
    %gather3A_726 = vector.shape_cast %broadcast_in_dim3A_725 : vector<16x1xi32> to vector<16xi32>
    %gather3A_727 = tpu.dynamic_gather %get3A_5[%gather3A_726] in [0] : vector<16xf32>, vector<16xi32> -> vector<16xf32>
    %gt3A_728 = arith.constant 0 : i32
    %gt3A_729 = vector.broadcast %gt3A_728 : i32 to vector<16xi32>
    %gt3A_730 = arith.cmpi sgt, %sub3A_637, %gt3A_729 : vector<16xi32>
    %select_n3A_731 = arith.select %gt3A_730, %gather3A_727, %gather3A_717 : vector<16xi1>, vector<16xf32>
    %swap3A_732 = arith.constant 96 : index
    %swap3A_733 = tpu.vector_load %arg5[%swap3A_732] {strides = array<i32>} : memref<256xf32, #tpu.memory_space<vmem>>, vector<16xf32>,
    %swap3A_734 = vector.shape_cast %swap3A_733 : vector<16xf32> to vector<16xf32>
    %swap3A_735 = vector.shape_cast %select_n3A_731 : vector<16xf32> to vector<16xf32>
    tpu.vector_store %arg5[%swap3A_732], %swap3A_735 {strides = array<i32>} : memref<256xf32, #tpu.memory_space<vmem>>, vector<16xf32>,
    %iota3A_736 = tpu.iota {dimensions = array<i32: 0>} : vector<16xi32>
    %add3A_737 = arith.constant 112 : i32
    %add3A_738 = arith.addi %mul3A_0, %add3A_737 : i32
    %add3A_739 = vector.broadcast %add3A_738 : i32 to vector<16xi32>
    %add3A_740 = arith.addi %iota3A_736, %add3A_739 : vector<16xi32>
    %sub3A_741 = arith.constant 2047 : i32
    %sub3A_742 = vector.broadcast %sub3A_741 : i32 to vector<16xi32>
    %sub3A_743 = arith.subi %add3A_740, %sub3A_742 : vector<16xi32>
    %abs3A_744 = math.absi %sub3A_743 : vector<16xi32>
    %broadcast_in_dim3A_745 = arith.constant 8 : i32
    %broadcast_in_dim3A_746 = vector.broadcast %broadcast_in_dim3A_745 : i32 to vector<16xi32>
    %ge3A_747 = arith.constant 12 : i32
    %ge3A_748 = vector.broadcast %ge3A_747 : i32 to vector<16xi32>
    %ge3A_749 = arith.cmpi sge, %abs3A_744, %ge3A_748 : vector<16xi32>
    %jit3A_750 = arith.constant 1 : i32
    %jit3A_751 = arith.constant 0 : i32
    %broadcast_in_dim3A_752 = vector.broadcast %jit3A_750 : i32 to vector<16xi32>
    %broadcast_in_dim3A_753 = vector.broadcast %jit3A_751 : i32 to vector<16xi32>
    %select_n3A_754 = arith.select %ge3A_749, %broadcast_in_dim3A_752, %broadcast_in_dim3A_753 : vector<16xi1>, vector<16xi32>
    %add3A_755 = arith.addi %broadcast_in_dim3A_746, %select_n3A_754 : vector<16xi32>
    %ge3A_756 = arith.constant 16 : i32
    %ge3A_757 = vector.broadcast %ge3A_756 : i32 to vector<16xi32>
    %ge3A_758 = arith.cmpi sge, %abs3A_744, %ge3A_757 : vector<16xi32>
    %jit3A_759 = arith.constant 1 : i32
    %jit3A_760 = arith.constant 0 : i32
    %broadcast_in_dim3A_761 = vector.broadcast %jit3A_759 : i32 to vector<16xi32>
    %broadcast_in_dim3A_762 = vector.broadcast %jit3A_760 : i32 to vector<16xi32>
    %select_n3A_763 = arith.select %ge3A_758, %broadcast_in_dim3A_761, %broadcast_in_dim3A_762 : vector<16xi1>, vector<16xi32>
    %add3A_764 = arith.addi %add3A_755, %select_n3A_763 : vector<16xi32>
    %ge3A_765 = arith.constant 23 : i32
    %ge3A_766 = vector.broadcast %ge3A_765 : i32 to vector<16xi32>
    %ge3A_767 = arith.cmpi sge, %abs3A_744, %ge3A_766 : vector<16xi32>
    %jit3A_768 = arith.constant 1 : i32
    %jit3A_769 = arith.constant 0 : i32
    %broadcast_in_dim3A_770 = vector.broadcast %jit3A_768 : i32 to vector<16xi32>
    %broadcast_in_dim3A_771 = vector.broadcast %jit3A_769 : i32 to vector<16xi32>
    %select_n3A_772 = arith.select %ge3A_767, %broadcast_in_dim3A_770, %broadcast_in_dim3A_771 : vector<16xi1>, vector<16xi32>
    %add3A_773 = arith.addi %add3A_764, %select_n3A_772 : vector<16xi32>
    %ge3A_774 = arith.constant 32 : i32
    %ge3A_775 = vector.broadcast %ge3A_774 : i32 to vector<16xi32>
    %ge3A_776 = arith.cmpi sge, %abs3A_744, %ge3A_775 : vector<16xi32>
    %jit3A_777 = arith.constant 1 : i32
    %jit3A_778 = arith.constant 0 : i32
    %broadcast_in_dim3A_779 = vector.broadcast %jit3A_777 : i32 to vector<16xi32>
    %broadcast_in_dim3A_780 = vector.broadcast %jit3A_778 : i32 to vector<16xi32>
    %select_n3A_781 = arith.select %ge3A_776, %broadcast_in_dim3A_779, %broadcast_in_dim3A_780 : vector<16xi1>, vector<16xi32>
    %add3A_782 = arith.addi %add3A_773, %select_n3A_781 : vector<16xi32>
    %ge3A_783 = arith.constant 46 : i32
    %ge3A_784 = vector.broadcast %ge3A_783 : i32 to vector<16xi32>
    %ge3A_785 = arith.cmpi sge, %abs3A_744, %ge3A_784 : vector<16xi32>
    %jit3A_786 = arith.constant 1 : i32
    %jit3A_787 = arith.constant 0 : i32
    %broadcast_in_dim3A_788 = vector.broadcast %jit3A_786 : i32 to vector<16xi32>
    %broadcast_in_dim3A_789 = vector.broadcast %jit3A_787 : i32 to vector<16xi32>
    %select_n3A_790 = arith.select %ge3A_785, %broadcast_in_dim3A_788, %broadcast_in_dim3A_789 : vector<16xi1>, vector<16xi32>
    %add3A_791 = arith.addi %add3A_782, %select_n3A_790 : vector<16xi32>
    %ge3A_792 = arith.constant 64 : i32
    %ge3A_793 = vector.broadcast %ge3A_792 : i32 to vector<16xi32>
    %ge3A_794 = arith.cmpi sge, %abs3A_744, %ge3A_793 : vector<16xi32>
    %jit3A_795 = arith.constant 1 : i32
    %jit3A_796 = arith.constant 0 : i32
    %broadcast_in_dim3A_797 = vector.broadcast %jit3A_795 : i32 to vector<16xi32>
    %broadcast_in_dim3A_798 = vector.broadcast %jit3A_796 : i32 to vector<16xi32>
    %select_n3A_799 = arith.select %ge3A_794, %broadcast_in_dim3A_797, %broadcast_in_dim3A_798 : vector<16xi1>, vector<16xi32>
    %add3A_800 = arith.addi %add3A_791, %select_n3A_799 : vector<16xi32>
    %ge3A_801 = arith.constant 91 : i32
    %ge3A_802 = vector.broadcast %ge3A_801 : i32 to vector<16xi32>
    %ge3A_803 = arith.cmpi sge, %abs3A_744, %ge3A_802 : vector<16xi32>
    %jit3A_804 = arith.constant 1 : i32
    %jit3A_805 = arith.constant 0 : i32
    %broadcast_in_dim3A_806 = vector.broadcast %jit3A_804 : i32 to vector<16xi32>
    %broadcast_in_dim3A_807 = vector.broadcast %jit3A_805 : i32 to vector<16xi32>
    %select_n3A_808 = arith.select %ge3A_803, %broadcast_in_dim3A_806, %broadcast_in_dim3A_807 : vector<16xi1>, vector<16xi32>
    %add3A_809 = arith.addi %add3A_800, %select_n3A_808 : vector<16xi32>
    %lt3A_810 = arith.constant 8 : i32
    %lt3A_811 = vector.broadcast %lt3A_810 : i32 to vector<16xi32>
    %lt3A_812 = arith.cmpi slt, %abs3A_744, %lt3A_811 : vector<16xi32>
    %select_n3A_813 = arith.select %lt3A_812, %abs3A_744, %add3A_809 : vector<16xi1>, vector<16xi32>
    %lt3A_814 = arith.constant 0 : i32
    %lt3A_815 = vector.broadcast %lt3A_814 : i32 to vector<16xi32>
    %lt3A_816 = arith.cmpi slt, %select_n3A_813, %lt3A_815 : vector<16xi32>
    %add3A_817 = arith.constant 16 : i32
    %add3A_818 = vector.broadcast %add3A_817 : i32 to vector<16xi32>
    %add3A_819 = arith.addi %select_n3A_813, %add3A_818 : vector<16xi32>
    %select_n3A_820 = arith.select %lt3A_816, %add3A_819, %select_n3A_813 : vector<16xi1>, vector<16xi32>
    %broadcast_in_dim3A_821 = vector.shape_cast %select_n3A_820 : vector<16xi32> to vector<16x1xi32>
    %gather3A_822 = vector.shape_cast %broadcast_in_dim3A_821 : vector<16x1xi32> to vector<16xi32>
    %gather3A_823 = tpu.dynamic_gather %get3A_2[%gather3A_822] in [0] : vector<16xf32>, vector<16xi32> -> vector<16xf32>
    %lt3A_824 = arith.constant 0 : i32
    %lt3A_825 = vector.broadcast %lt3A_824 : i32 to vector<16xi32>
    %lt3A_826 = arith.cmpi slt, %select_n3A_813, %lt3A_825 : vector<16xi32>
    %add3A_827 = arith.constant 16 : i32
    %add3A_828 = vector.broadcast %add3A_827 : i32 to vector<16xi32>
    %add3A_829 = arith.addi %select_n3A_813, %add3A_828 : vector<16xi32>
    %select_n3A_830 = arith.select %lt3A_826, %add3A_829, %select_n3A_813 : vector<16xi1>, vector<16xi32>
    %broadcast_in_dim3A_831 = vector.shape_cast %select_n3A_830 : vector<16xi32> to vector<16x1xi32>
    %gather3A_832 = vector.shape_cast %broadcast_in_dim3A_831 : vector<16x1xi32> to vector<16xi32>
    %gather3A_833 = tpu.dynamic_gather %get3A_5[%gather3A_832] in [0] : vector<16xf32>, vector<16xi32> -> vector<16xf32>
    %gt3A_834 = arith.constant 0 : i32
    %gt3A_835 = vector.broadcast %gt3A_834 : i32 to vector<16xi32>
    %gt3A_836 = arith.cmpi sgt, %sub3A_743, %gt3A_835 : vector<16xi32>
    %select_n3A_837 = arith.select %gt3A_836, %gather3A_833, %gather3A_823 : vector<16xi1>, vector<16xf32>
    %swap3A_838 = arith.constant 112 : index
    %swap3A_839 = tpu.vector_load %arg5[%swap3A_838] {strides = array<i32>} : memref<256xf32, #tpu.memory_space<vmem>>, vector<16xf32>,
    %swap3A_840 = vector.shape_cast %swap3A_839 : vector<16xf32> to vector<16xf32>
    %swap3A_841 = vector.shape_cast %select_n3A_837 : vector<16xf32> to vector<16xf32>
    tpu.vector_store %arg5[%swap3A_838], %swap3A_841 {strides = array<i32>} : memref<256xf32, #tpu.memory_space<vmem>>, vector<16xf32>,
    %iota3A_842 = tpu.iota {dimensions = array<i32: 0>} : vector<16xi32>
    %add3A_843 = arith.constant 128 : i32
    %add3A_844 = arith.addi %mul3A_0, %add3A_843 : i32
    %add3A_845 = vector.broadcast %add3A_844 : i32 to vector<16xi32>
    %add3A_846 = arith.addi %iota3A_842, %add3A_845 : vector<16xi32>
    %sub3A_847 = arith.constant 2047 : i32
    %sub3A_848 = vector.broadcast %sub3A_847 : i32 to vector<16xi32>
    %sub3A_849 = arith.subi %add3A_846, %sub3A_848 : vector<16xi32>
    %abs3A_850 = math.absi %sub3A_849 : vector<16xi32>
    %broadcast_in_dim3A_851 = arith.constant 8 : i32
    %broadcast_in_dim3A_852 = vector.broadcast %broadcast_in_dim3A_851 : i32 to vector<16xi32>
    %ge3A_853 = arith.constant 12 : i32
    %ge3A_854 = vector.broadcast %ge3A_853 : i32 to vector<16xi32>
    %ge3A_855 = arith.cmpi sge, %abs3A_850, %ge3A_854 : vector<16xi32>
    %jit3A_856 = arith.constant 1 : i32
    %jit3A_857 = arith.constant 0 : i32
    %broadcast_in_dim3A_858 = vector.broadcast %jit3A_856 : i32 to vector<16xi32>
    %broadcast_in_dim3A_859 = vector.broadcast %jit3A_857 : i32 to vector<16xi32>
    %select_n3A_860 = arith.select %ge3A_855, %broadcast_in_dim3A_858, %broadcast_in_dim3A_859 : vector<16xi1>, vector<16xi32>
    %add3A_861 = arith.addi %broadcast_in_dim3A_852, %select_n3A_860 : vector<16xi32>
    %ge3A_862 = arith.constant 16 : i32
    %ge3A_863 = vector.broadcast %ge3A_862 : i32 to vector<16xi32>
    %ge3A_864 = arith.cmpi sge, %abs3A_850, %ge3A_863 : vector<16xi32>
    %jit3A_865 = arith.constant 1 : i32
    %jit3A_866 = arith.constant 0 : i32
    %broadcast_in_dim3A_867 = vector.broadcast %jit3A_865 : i32 to vector<16xi32>
    %broadcast_in_dim3A_868 = vector.broadcast %jit3A_866 : i32 to vector<16xi32>
    %select_n3A_869 = arith.select %ge3A_864, %broadcast_in_dim3A_867, %broadcast_in_dim3A_868 : vector<16xi1>, vector<16xi32>
    %add3A_870 = arith.addi %add3A_861, %select_n3A_869 : vector<16xi32>
    %ge3A_871 = arith.constant 23 : i32
    %ge3A_872 = vector.broadcast %ge3A_871 : i32 to vector<16xi32>
    %ge3A_873 = arith.cmpi sge, %abs3A_850, %ge3A_872 : vector<16xi32>
    %jit3A_874 = arith.constant 1 : i32
    %jit3A_875 = arith.constant 0 : i32
    %broadcast_in_dim3A_876 = vector.broadcast %jit3A_874 : i32 to vector<16xi32>
    %broadcast_in_dim3A_877 = vector.broadcast %jit3A_875 : i32 to vector<16xi32>
    %select_n3A_878 = arith.select %ge3A_873, %broadcast_in_dim3A_876, %broadcast_in_dim3A_877 : vector<16xi1>, vector<16xi32>
    %add3A_879 = arith.addi %add3A_870, %select_n3A_878 : vector<16xi32>
    %ge3A_880 = arith.constant 32 : i32
    %ge3A_881 = vector.broadcast %ge3A_880 : i32 to vector<16xi32>
    %ge3A_882 = arith.cmpi sge, %abs3A_850, %ge3A_881 : vector<16xi32>
    %jit3A_883 = arith.constant 1 : i32
    %jit3A_884 = arith.constant 0 : i32
    %broadcast_in_dim3A_885 = vector.broadcast %jit3A_883 : i32 to vector<16xi32>
    %broadcast_in_dim3A_886 = vector.broadcast %jit3A_884 : i32 to vector<16xi32>
    %select_n3A_887 = arith.select %ge3A_882, %broadcast_in_dim3A_885, %broadcast_in_dim3A_886 : vector<16xi1>, vector<16xi32>
    %add3A_888 = arith.addi %add3A_879, %select_n3A_887 : vector<16xi32>
    %ge3A_889 = arith.constant 46 : i32
    %ge3A_890 = vector.broadcast %ge3A_889 : i32 to vector<16xi32>
    %ge3A_891 = arith.cmpi sge, %abs3A_850, %ge3A_890 : vector<16xi32>
    %jit3A_892 = arith.constant 1 : i32
    %jit3A_893 = arith.constant 0 : i32
    %broadcast_in_dim3A_894 = vector.broadcast %jit3A_892 : i32 to vector<16xi32>
    %broadcast_in_dim3A_895 = vector.broadcast %jit3A_893 : i32 to vector<16xi32>
    %select_n3A_896 = arith.select %ge3A_891, %broadcast_in_dim3A_894, %broadcast_in_dim3A_895 : vector<16xi1>, vector<16xi32>
    %add3A_897 = arith.addi %add3A_888, %select_n3A_896 : vector<16xi32>
    %ge3A_898 = arith.constant 64 : i32
    %ge3A_899 = vector.broadcast %ge3A_898 : i32 to vector<16xi32>
    %ge3A_900 = arith.cmpi sge, %abs3A_850, %ge3A_899 : vector<16xi32>
    %jit3A_901 = arith.constant 1 : i32
    %jit3A_902 = arith.constant 0 : i32
    %broadcast_in_dim3A_903 = vector.broadcast %jit3A_901 : i32 to vector<16xi32>
    %broadcast_in_dim3A_904 = vector.broadcast %jit3A_902 : i32 to vector<16xi32>
    %select_n3A_905 = arith.select %ge3A_900, %broadcast_in_dim3A_903, %broadcast_in_dim3A_904 : vector<16xi1>, vector<16xi32>
    %add3A_906 = arith.addi %add3A_897, %select_n3A_905 : vector<16xi32>
    %ge3A_907 = arith.constant 91 : i32
    %ge3A_908 = vector.broadcast %ge3A_907 : i32 to vector<16xi32>
    %ge3A_909 = arith.cmpi sge, %abs3A_850, %ge3A_908 : vector<16xi32>
    %jit3A_910 = arith.constant 1 : i32
    %jit3A_911 = arith.constant 0 : i32
    %broadcast_in_dim3A_912 = vector.broadcast %jit3A_910 : i32 to vector<16xi32>
    %broadcast_in_dim3A_913 = vector.broadcast %jit3A_911 : i32 to vector<16xi32>
    %select_n3A_914 = arith.select %ge3A_909, %broadcast_in_dim3A_912, %broadcast_in_dim3A_913 : vector<16xi1>, vector<16xi32>
    %add3A_915 = arith.addi %add3A_906, %select_n3A_914 : vector<16xi32>
    %lt3A_916 = arith.constant 8 : i32
    %lt3A_917 = vector.broadcast %lt3A_916 : i32 to vector<16xi32>
    %lt3A_918 = arith.cmpi slt, %abs3A_850, %lt3A_917 : vector<16xi32>
    %select_n3A_919 = arith.select %lt3A_918, %abs3A_850, %add3A_915 : vector<16xi1>, vector<16xi32>
    %lt3A_920 = arith.constant 0 : i32
    %lt3A_921 = vector.broadcast %lt3A_920 : i32 to vector<16xi32>
    %lt3A_922 = arith.cmpi slt, %select_n3A_919, %lt3A_921 : vector<16xi32>
    %add3A_923 = arith.constant 16 : i32
    %add3A_924 = vector.broadcast %add3A_923 : i32 to vector<16xi32>
    %add3A_925 = arith.addi %select_n3A_919, %add3A_924 : vector<16xi32>
    %select_n3A_926 = arith.select %lt3A_922, %add3A_925, %select_n3A_919 : vector<16xi1>, vector<16xi32>
    %broadcast_in_dim3A_927 = vector.shape_cast %select_n3A_926 : vector<16xi32> to vector<16x1xi32>
    %gather3A_928 = vector.shape_cast %broadcast_in_dim3A_927 : vector<16x1xi32> to vector<16xi32>
    %gather3A_929 = tpu.dynamic_gather %get3A_2[%gather3A_928] in [0] : vector<16xf32>, vector<16xi32> -> vector<16xf32>
    %lt3A_930 = arith.constant 0 : i32
    %lt3A_931 = vector.broadcast %lt3A_930 : i32 to vector<16xi32>
    %lt3A_932 = arith.cmpi slt, %select_n3A_919, %lt3A_931 : vector<16xi32>
    %add3A_933 = arith.constant 16 : i32
    %add3A_934 = vector.broadcast %add3A_933 : i32 to vector<16xi32>
    %add3A_935 = arith.addi %select_n3A_919, %add3A_934 : vector<16xi32>
    %select_n3A_936 = arith.select %lt3A_932, %add3A_935, %select_n3A_919 : vector<16xi1>, vector<16xi32>
    %broadcast_in_dim3A_937 = vector.shape_cast %select_n3A_936 : vector<16xi32> to vector<16x1xi32>
    %gather3A_938 = vector.shape_cast %broadcast_in_dim3A_937 : vector<16x1xi32> to vector<16xi32>
    %gather3A_939 = tpu.dynamic_gather %get3A_5[%gather3A_938] in [0] : vector<16xf32>, vector<16xi32> -> vector<16xf32>
    %gt3A_940 = arith.constant 0 : i32
    %gt3A_941 = vector.broadcast %gt3A_940 : i32 to vector<16xi32>
    %gt3A_942 = arith.cmpi sgt, %sub3A_849, %gt3A_941 : vector<16xi32>
    %select_n3A_943 = arith.select %gt3A_942, %gather3A_939, %gather3A_929 : vector<16xi1>, vector<16xf32>
    %swap3A_944 = arith.constant 128 : index
    %swap3A_945 = tpu.vector_load %arg5[%swap3A_944] {strides = array<i32>} : memref<256xf32, #tpu.memory_space<vmem>>, vector<16xf32>,
    %swap3A_946 = vector.shape_cast %swap3A_945 : vector<16xf32> to vector<16xf32>
    %swap3A_947 = vector.shape_cast %select_n3A_943 : vector<16xf32> to vector<16xf32>
    tpu.vector_store %arg5[%swap3A_944], %swap3A_947 {strides = array<i32>} : memref<256xf32, #tpu.memory_space<vmem>>, vector<16xf32>,
    %iota3A_948 = tpu.iota {dimensions = array<i32: 0>} : vector<16xi32>
    %add3A_949 = arith.constant 144 : i32
    %add3A_950 = arith.addi %mul3A_0, %add3A_949 : i32
    %add3A_951 = vector.broadcast %add3A_950 : i32 to vector<16xi32>
    %add3A_952 = arith.addi %iota3A_948, %add3A_951 : vector<16xi32>
    %sub3A_953 = arith.constant 2047 : i32
    %sub3A_954 = vector.broadcast %sub3A_953 : i32 to vector<16xi32>
    %sub3A_955 = arith.subi %add3A_952, %sub3A_954 : vector<16xi32>
    %abs3A_956 = math.absi %sub3A_955 : vector<16xi32>
    %broadcast_in_dim3A_957 = arith.constant 8 : i32
    %broadcast_in_dim3A_958 = vector.broadcast %broadcast_in_dim3A_957 : i32 to vector<16xi32>
    %ge3A_959 = arith.constant 12 : i32
    %ge3A_960 = vector.broadcast %ge3A_959 : i32 to vector<16xi32>
    %ge3A_961 = arith.cmpi sge, %abs3A_956, %ge3A_960 : vector<16xi32>
    %jit3A_962 = arith.constant 1 : i32
    %jit3A_963 = arith.constant 0 : i32
    %broadcast_in_dim3A_964 = vector.broadcast %jit3A_962 : i32 to vector<16xi32>
    %broadcast_in_dim3A_965 = vector.broadcast %jit3A_963 : i32 to vector<16xi32>
    %select_n3A_966 = arith.select %ge3A_961, %broadcast_in_dim3A_964, %broadcast_in_dim3A_965 : vector<16xi1>, vector<16xi32>
    %add3A_967 = arith.addi %broadcast_in_dim3A_958, %select_n3A_966 : vector<16xi32>
    %ge3A_968 = arith.constant 16 : i32
    %ge3A_969 = vector.broadcast %ge3A_968 : i32 to vector<16xi32>
    %ge3A_970 = arith.cmpi sge, %abs3A_956, %ge3A_969 : vector<16xi32>
    %jit3A_971 = arith.constant 1 : i32
    %jit3A_972 = arith.constant 0 : i32
    %broadcast_in_dim3A_973 = vector.broadcast %jit3A_971 : i32 to vector<16xi32>
    %broadcast_in_dim3A_974 = vector.broadcast %jit3A_972 : i32 to vector<16xi32>
    %select_n3A_975 = arith.select %ge3A_970, %broadcast_in_dim3A_973, %broadcast_in_dim3A_974 : vector<16xi1>, vector<16xi32>
    %add3A_976 = arith.addi %add3A_967, %select_n3A_975 : vector<16xi32>
    %ge3A_977 = arith.constant 23 : i32
    %ge3A_978 = vector.broadcast %ge3A_977 : i32 to vector<16xi32>
    %ge3A_979 = arith.cmpi sge, %abs3A_956, %ge3A_978 : vector<16xi32>
    %jit3A_980 = arith.constant 1 : i32
    %jit3A_981 = arith.constant 0 : i32
    %broadcast_in_dim3A_982 = vector.broadcast %jit3A_980 : i32 to vector<16xi32>
    %broadcast_in_dim3A_983 = vector.broadcast %jit3A_981 : i32 to vector<16xi32>
    %select_n3A_984 = arith.select %ge3A_979, %broadcast_in_dim3A_982, %broadcast_in_dim3A_983 : vector<16xi1>, vector<16xi32>
    %add3A_985 = arith.addi %add3A_976, %select_n3A_984 : vector<16xi32>
    %ge3A_986 = arith.constant 32 : i32
    %ge3A_987 = vector.broadcast %ge3A_986 : i32 to vector<16xi32>
    %ge3A_988 = arith.cmpi sge, %abs3A_956, %ge3A_987 : vector<16xi32>
    %jit3A_989 = arith.constant 1 : i32
    %jit3A_990 = arith.constant 0 : i32
    %broadcast_in_dim3A_991 = vector.broadcast %jit3A_989 : i32 to vector<16xi32>
    %broadcast_in_dim3A_992 = vector.broadcast %jit3A_990 : i32 to vector<16xi32>
    %select_n3A_993 = arith.select %ge3A_988, %broadcast_in_dim3A_991, %broadcast_in_dim3A_992 : vector<16xi1>, vector<16xi32>
    %add3A_994 = arith.addi %add3A_985, %select_n3A_993 : vector<16xi32>
    %ge3A_995 = arith.constant 46 : i32
    %ge3A_996 = vector.broadcast %ge3A_995 : i32 to vector<16xi32>
    %ge3A_997 = arith.cmpi sge, %abs3A_956, %ge3A_996 : vector<16xi32>
    %jit3A_998 = arith.constant 1 : i32
    %jit3A_999 = arith.constant 0 : i32
    %broadcast_in_dim3A_1000 = vector.broadcast %jit3A_998 : i32 to vector<16xi32>
    %broadcast_in_dim3A_1001 = vector.broadcast %jit3A_999 : i32 to vector<16xi32>
    %select_n3A_1002 = arith.select %ge3A_997, %broadcast_in_dim3A_1000, %broadcast_in_dim3A_1001 : vector<16xi1>, vector<16xi32>
    %add3A_1003 = arith.addi %add3A_994, %select_n3A_1002 : vector<16xi32>
    %ge3A_1004 = arith.constant 64 : i32
    %ge3A_1005 = vector.broadcast %ge3A_1004 : i32 to vector<16xi32>
    %ge3A_1006 = arith.cmpi sge, %abs3A_956, %ge3A_1005 : vector<16xi32>
    %jit3A_1007 = arith.constant 1 : i32
    %jit3A_1008 = arith.constant 0 : i32
    %broadcast_in_dim3A_1009 = vector.broadcast %jit3A_1007 : i32 to vector<16xi32>
    %broadcast_in_dim3A_1010 = vector.broadcast %jit3A_1008 : i32 to vector<16xi32>
    %select_n3A_1011 = arith.select %ge3A_1006, %broadcast_in_dim3A_1009, %broadcast_in_dim3A_1010 : vector<16xi1>, vector<16xi32>
    %add3A_1012 = arith.addi %add3A_1003, %select_n3A_1011 : vector<16xi32>
    %ge3A_1013 = arith.constant 91 : i32
    %ge3A_1014 = vector.broadcast %ge3A_1013 : i32 to vector<16xi32>
    %ge3A_1015 = arith.cmpi sge, %abs3A_956, %ge3A_1014 : vector<16xi32>
    %jit3A_1016 = arith.constant 1 : i32
    %jit3A_1017 = arith.constant 0 : i32
    %broadcast_in_dim3A_1018 = vector.broadcast %jit3A_1016 : i32 to vector<16xi32>
    %broadcast_in_dim3A_1019 = vector.broadcast %jit3A_1017 : i32 to vector<16xi32>
    %select_n3A_1020 = arith.select %ge3A_1015, %broadcast_in_dim3A_1018, %broadcast_in_dim3A_1019 : vector<16xi1>, vector<16xi32>
    %add3A_1021 = arith.addi %add3A_1012, %select_n3A_1020 : vector<16xi32>
    %lt3A_1022 = arith.constant 8 : i32
    %lt3A_1023 = vector.broadcast %lt3A_1022 : i32 to vector<16xi32>
    %lt3A_1024 = arith.cmpi slt, %abs3A_956, %lt3A_1023 : vector<16xi32>
    %select_n3A_1025 = arith.select %lt3A_1024, %abs3A_956, %add3A_1021 : vector<16xi1>, vector<16xi32>
    %lt3A_1026 = arith.constant 0 : i32
    %lt3A_1027 = vector.broadcast %lt3A_1026 : i32 to vector<16xi32>
    %lt3A_1028 = arith.cmpi slt, %select_n3A_1025, %lt3A_1027 : vector<16xi32>
    %add3A_1029 = arith.constant 16 : i32
    %add3A_1030 = vector.broadcast %add3A_1029 : i32 to vector<16xi32>
    %add3A_1031 = arith.addi %select_n3A_1025, %add3A_1030 : vector<16xi32>
    %select_n3A_1032 = arith.select %lt3A_1028, %add3A_1031, %select_n3A_1025 : vector<16xi1>, vector<16xi32>
    %broadcast_in_dim3A_1033 = vector.shape_cast %select_n3A_1032 : vector<16xi32> to vector<16x1xi32>
    %gather3A_1034 = vector.shape_cast %broadcast_in_dim3A_1033 : vector<16x1xi32> to vector<16xi32>
    %gather3A_1035 = tpu.dynamic_gather %get3A_2[%gather3A_1034] in [0] : vector<16xf32>, vector<16xi32> -> vector<16xf32>
    %lt3A_1036 = arith.constant 0 : i32
    %lt3A_1037 = vector.broadcast %lt3A_1036 : i32 to vector<16xi32>
    %lt3A_1038 = arith.cmpi slt, %select_n3A_1025, %lt3A_1037 : vector<16xi32>
    %add3A_1039 = arith.constant 16 : i32
    %add3A_1040 = vector.broadcast %add3A_1039 : i32 to vector<16xi32>
    %add3A_1041 = arith.addi %select_n3A_1025, %add3A_1040 : vector<16xi32>
    %select_n3A_1042 = arith.select %lt3A_1038, %add3A_1041, %select_n3A_1025 : vector<16xi1>, vector<16xi32>
    %broadcast_in_dim3A_1043 = vector.shape_cast %select_n3A_1042 : vector<16xi32> to vector<16x1xi32>
    %gather3A_1044 = vector.shape_cast %broadcast_in_dim3A_1043 : vector<16x1xi32> to vector<16xi32>
    %gather3A_1045 = tpu.dynamic_gather %get3A_5[%gather3A_1044] in [0] : vector<16xf32>, vector<16xi32> -> vector<16xf32>
    %gt3A_1046 = arith.constant 0 : i32
    %gt3A_1047 = vector.broadcast %gt3A_1046 : i32 to vector<16xi32>
    %gt3A_1048 = arith.cmpi sgt, %sub3A_955, %gt3A_1047 : vector<16xi32>
    %select_n3A_1049 = arith.select %gt3A_1048, %gather3A_1045, %gather3A_1035 : vector<16xi1>, vector<16xf32>
    %swap3A_1050 = arith.constant 144 : index
    %swap3A_1051 = tpu.vector_load %arg5[%swap3A_1050] {strides = array<i32>} : memref<256xf32, #tpu.memory_space<vmem>>, vector<16xf32>,
    %swap3A_1052 = vector.shape_cast %swap3A_1051 : vector<16xf32> to vector<16xf32>
    %swap3A_1053 = vector.shape_cast %select_n3A_1049 : vector<16xf32> to vector<16xf32>
    tpu.vector_store %arg5[%swap3A_1050], %swap3A_1053 {strides = array<i32>} : memref<256xf32, #tpu.memory_space<vmem>>, vector<16xf32>,
    %iota3A_1054 = tpu.iota {dimensions = array<i32: 0>} : vector<16xi32>
    %add3A_1055 = arith.constant 160 : i32
    %add3A_1056 = arith.addi %mul3A_0, %add3A_1055 : i32
    %add3A_1057 = vector.broadcast %add3A_1056 : i32 to vector<16xi32>
    %add3A_1058 = arith.addi %iota3A_1054, %add3A_1057 : vector<16xi32>
    %sub3A_1059 = arith.constant 2047 : i32
    %sub3A_1060 = vector.broadcast %sub3A_1059 : i32 to vector<16xi32>
    %sub3A_1061 = arith.subi %add3A_1058, %sub3A_1060 : vector<16xi32>
    %abs3A_1062 = math.absi %sub3A_1061 : vector<16xi32>
    %broadcast_in_dim3A_1063 = arith.constant 8 : i32
    %broadcast_in_dim3A_1064 = vector.broadcast %broadcast_in_dim3A_1063 : i32 to vector<16xi32>
    %ge3A_1065 = arith.constant 12 : i32
    %ge3A_1066 = vector.broadcast %ge3A_1065 : i32 to vector<16xi32>
    %ge3A_1067 = arith.cmpi sge, %abs3A_1062, %ge3A_1066 : vector<16xi32>
    %jit3A_1068 = arith.constant 1 : i32
    %jit3A_1069 = arith.constant 0 : i32
    %broadcast_in_dim3A_1070 = vector.broadcast %jit3A_1068 : i32 to vector<16xi32>
    %broadcast_in_dim3A_1071 = vector.broadcast %jit3A_1069 : i32 to vector<16xi32>
    %select_n3A_1072 = arith.select %ge3A_1067, %broadcast_in_dim3A_1070, %broadcast_in_dim3A_1071 : vector<16xi1>, vector<16xi32>
    %add3A_1073 = arith.addi %broadcast_in_dim3A_1064, %select_n3A_1072 : vector<16xi32>
    %ge3A_1074 = arith.constant 16 : i32
    %ge3A_1075 = vector.broadcast %ge3A_1074 : i32 to vector<16xi32>
    %ge3A_1076 = arith.cmpi sge, %abs3A_1062, %ge3A_1075 : vector<16xi32>
    %jit3A_1077 = arith.constant 1 : i32
    %jit3A_1078 = arith.constant 0 : i32
    %broadcast_in_dim3A_1079 = vector.broadcast %jit3A_1077 : i32 to vector<16xi32>
    %broadcast_in_dim3A_1080 = vector.broadcast %jit3A_1078 : i32 to vector<16xi32>
    %select_n3A_1081 = arith.select %ge3A_1076, %broadcast_in_dim3A_1079, %broadcast_in_dim3A_1080 : vector<16xi1>, vector<16xi32>
    %add3A_1082 = arith.addi %add3A_1073, %select_n3A_1081 : vector<16xi32>
    %ge3A_1083 = arith.constant 23 : i32
    %ge3A_1084 = vector.broadcast %ge3A_1083 : i32 to vector<16xi32>
    %ge3A_1085 = arith.cmpi sge, %abs3A_1062, %ge3A_1084 : vector<16xi32>
    %jit3A_1086 = arith.constant 1 : i32
    %jit3A_1087 = arith.constant 0 : i32
    %broadcast_in_dim3A_1088 = vector.broadcast %jit3A_1086 : i32 to vector<16xi32>
    %broadcast_in_dim3A_1089 = vector.broadcast %jit3A_1087 : i32 to vector<16xi32>
    %select_n3A_1090 = arith.select %ge3A_1085, %broadcast_in_dim3A_1088, %broadcast_in_dim3A_1089 : vector<16xi1>, vector<16xi32>
    %add3A_1091 = arith.addi %add3A_1082, %select_n3A_1090 : vector<16xi32>
    %ge3A_1092 = arith.constant 32 : i32
    %ge3A_1093 = vector.broadcast %ge3A_1092 : i32 to vector<16xi32>
    %ge3A_1094 = arith.cmpi sge, %abs3A_1062, %ge3A_1093 : vector<16xi32>
    %jit3A_1095 = arith.constant 1 : i32
    %jit3A_1096 = arith.constant 0 : i32
    %broadcast_in_dim3A_1097 = vector.broadcast %jit3A_1095 : i32 to vector<16xi32>
    %broadcast_in_dim3A_1098 = vector.broadcast %jit3A_1096 : i32 to vector<16xi32>
    %select_n3A_1099 = arith.select %ge3A_1094, %broadcast_in_dim3A_1097, %broadcast_in_dim3A_1098 : vector<16xi1>, vector<16xi32>
    %add3A_1100 = arith.addi %add3A_1091, %select_n3A_1099 : vector<16xi32>
    %ge3A_1101 = arith.constant 46 : i32
    %ge3A_1102 = vector.broadcast %ge3A_1101 : i32 to vector<16xi32>
    %ge3A_1103 = arith.cmpi sge, %abs3A_1062, %ge3A_1102 : vector<16xi32>
    %jit3A_1104 = arith.constant 1 : i32
    %jit3A_1105 = arith.constant 0 : i32
    %broadcast_in_dim3A_1106 = vector.broadcast %jit3A_1104 : i32 to vector<16xi32>
    %broadcast_in_dim3A_1107 = vector.broadcast %jit3A_1105 : i32 to vector<16xi32>
    %select_n3A_1108 = arith.select %ge3A_1103, %broadcast_in_dim3A_1106, %broadcast_in_dim3A_1107 : vector<16xi1>, vector<16xi32>
    %add3A_1109 = arith.addi %add3A_1100, %select_n3A_1108 : vector<16xi32>
    %ge3A_1110 = arith.constant 64 : i32
    %ge3A_1111 = vector.broadcast %ge3A_1110 : i32 to vector<16xi32>
    %ge3A_1112 = arith.cmpi sge, %abs3A_1062, %ge3A_1111 : vector<16xi32>
    %jit3A_1113 = arith.constant 1 : i32
    %jit3A_1114 = arith.constant 0 : i32
    %broadcast_in_dim3A_1115 = vector.broadcast %jit3A_1113 : i32 to vector<16xi32>
    %broadcast_in_dim3A_1116 = vector.broadcast %jit3A_1114 : i32 to vector<16xi32>
    %select_n3A_1117 = arith.select %ge3A_1112, %broadcast_in_dim3A_1115, %broadcast_in_dim3A_1116 : vector<16xi1>, vector<16xi32>
    %add3A_1118 = arith.addi %add3A_1109, %select_n3A_1117 : vector<16xi32>
    %ge3A_1119 = arith.constant 91 : i32
    %ge3A_1120 = vector.broadcast %ge3A_1119 : i32 to vector<16xi32>
    %ge3A_1121 = arith.cmpi sge, %abs3A_1062, %ge3A_1120 : vector<16xi32>
    %jit3A_1122 = arith.constant 1 : i32
    %jit3A_1123 = arith.constant 0 : i32
    %broadcast_in_dim3A_1124 = vector.broadcast %jit3A_1122 : i32 to vector<16xi32>
    %broadcast_in_dim3A_1125 = vector.broadcast %jit3A_1123 : i32 to vector<16xi32>
    %select_n3A_1126 = arith.select %ge3A_1121, %broadcast_in_dim3A_1124, %broadcast_in_dim3A_1125 : vector<16xi1>, vector<16xi32>
    %add3A_1127 = arith.addi %add3A_1118, %select_n3A_1126 : vector<16xi32>
    %lt3A_1128 = arith.constant 8 : i32
    %lt3A_1129 = vector.broadcast %lt3A_1128 : i32 to vector<16xi32>
    %lt3A_1130 = arith.cmpi slt, %abs3A_1062, %lt3A_1129 : vector<16xi32>
    %select_n3A_1131 = arith.select %lt3A_1130, %abs3A_1062, %add3A_1127 : vector<16xi1>, vector<16xi32>
    %lt3A_1132 = arith.constant 0 : i32
    %lt3A_1133 = vector.broadcast %lt3A_1132 : i32 to vector<16xi32>
    %lt3A_1134 = arith.cmpi slt, %select_n3A_1131, %lt3A_1133 : vector<16xi32>
    %add3A_1135 = arith.constant 16 : i32
    %add3A_1136 = vector.broadcast %add3A_1135 : i32 to vector<16xi32>
    %add3A_1137 = arith.addi %select_n3A_1131, %add3A_1136 : vector<16xi32>
    %select_n3A_1138 = arith.select %lt3A_1134, %add3A_1137, %select_n3A_1131 : vector<16xi1>, vector<16xi32>
    %broadcast_in_dim3A_1139 = vector.shape_cast %select_n3A_1138 : vector<16xi32> to vector<16x1xi32>
    %gather3A_1140 = vector.shape_cast %broadcast_in_dim3A_1139 : vector<16x1xi32> to vector<16xi32>
    %gather3A_1141 = tpu.dynamic_gather %get3A_2[%gather3A_1140] in [0] : vector<16xf32>, vector<16xi32> -> vector<16xf32>
    %lt3A_1142 = arith.constant 0 : i32
    %lt3A_1143 = vector.broadcast %lt3A_1142 : i32 to vector<16xi32>
    %lt3A_1144 = arith.cmpi slt, %select_n3A_1131, %lt3A_1143 : vector<16xi32>
    %add3A_1145 = arith.constant 16 : i32
    %add3A_1146 = vector.broadcast %add3A_1145 : i32 to vector<16xi32>
    %add3A_1147 = arith.addi %select_n3A_1131, %add3A_1146 : vector<16xi32>
    %select_n3A_1148 = arith.select %lt3A_1144, %add3A_1147, %select_n3A_1131 : vector<16xi1>, vector<16xi32>
    %broadcast_in_dim3A_1149 = vector.shape_cast %select_n3A_1148 : vector<16xi32> to vector<16x1xi32>
    %gather3A_1150 = vector.shape_cast %broadcast_in_dim3A_1149 : vector<16x1xi32> to vector<16xi32>
    %gather3A_1151 = tpu.dynamic_gather %get3A_5[%gather3A_1150] in [0] : vector<16xf32>, vector<16xi32> -> vector<16xf32>
    %gt3A_1152 = arith.constant 0 : i32
    %gt3A_1153 = vector.broadcast %gt3A_1152 : i32 to vector<16xi32>
    %gt3A_1154 = arith.cmpi sgt, %sub3A_1061, %gt3A_1153 : vector<16xi32>
    %select_n3A_1155 = arith.select %gt3A_1154, %gather3A_1151, %gather3A_1141 : vector<16xi1>, vector<16xf32>
    %swap3A_1156 = arith.constant 160 : index
    %swap3A_1157 = tpu.vector_load %arg5[%swap3A_1156] {strides = array<i32>} : memref<256xf32, #tpu.memory_space<vmem>>, vector<16xf32>,
    %swap3A_1158 = vector.shape_cast %swap3A_1157 : vector<16xf32> to vector<16xf32>
    %swap3A_1159 = vector.shape_cast %select_n3A_1155 : vector<16xf32> to vector<16xf32>
    tpu.vector_store %arg5[%swap3A_1156], %swap3A_1159 {strides = array<i32>} : memref<256xf32, #tpu.memory_space<vmem>>, vector<16xf32>,
    %iota3A_1160 = tpu.iota {dimensions = array<i32: 0>} : vector<16xi32>
    %add3A_1161 = arith.constant 176 : i32
    %add3A_1162 = arith.addi %mul3A_0, %add3A_1161 : i32
    %add3A_1163 = vector.broadcast %add3A_1162 : i32 to vector<16xi32>
    %add3A_1164 = arith.addi %iota3A_1160, %add3A_1163 : vector<16xi32>
    %sub3A_1165 = arith.constant 2047 : i32
    %sub3A_1166 = vector.broadcast %sub3A_1165 : i32 to vector<16xi32>
    %sub3A_1167 = arith.subi %add3A_1164, %sub3A_1166 : vector<16xi32>
    %abs3A_1168 = math.absi %sub3A_1167 : vector<16xi32>
    %broadcast_in_dim3A_1169 = arith.constant 8 : i32
    %broadcast_in_dim3A_1170 = vector.broadcast %broadcast_in_dim3A_1169 : i32 to vector<16xi32>
    %ge3A_1171 = arith.constant 12 : i32
    %ge3A_1172 = vector.broadcast %ge3A_1171 : i32 to vector<16xi32>
    %ge3A_1173 = arith.cmpi sge, %abs3A_1168, %ge3A_1172 : vector<16xi32>
    %jit3A_1174 = arith.constant 1 : i32
    %jit3A_1175 = arith.constant 0 : i32
    %broadcast_in_dim3A_1176 = vector.broadcast %jit3A_1174 : i32 to vector<16xi32>
    %broadcast_in_dim3A_1177 = vector.broadcast %jit3A_1175 : i32 to vector<16xi32>
    %select_n3A_1178 = arith.select %ge3A_1173, %broadcast_in_dim3A_1176, %broadcast_in_dim3A_1177 : vector<16xi1>, vector<16xi32>
    %add3A_1179 = arith.addi %broadcast_in_dim3A_1170, %select_n3A_1178 : vector<16xi32>
    %ge3A_1180 = arith.constant 16 : i32
    %ge3A_1181 = vector.broadcast %ge3A_1180 : i32 to vector<16xi32>
    %ge3A_1182 = arith.cmpi sge, %abs3A_1168, %ge3A_1181 : vector<16xi32>
    %jit3A_1183 = arith.constant 1 : i32
    %jit3A_1184 = arith.constant 0 : i32
    %broadcast_in_dim3A_1185 = vector.broadcast %jit3A_1183 : i32 to vector<16xi32>
    %broadcast_in_dim3A_1186 = vector.broadcast %jit3A_1184 : i32 to vector<16xi32>
    %select_n3A_1187 = arith.select %ge3A_1182, %broadcast_in_dim3A_1185, %broadcast_in_dim3A_1186 : vector<16xi1>, vector<16xi32>
    %add3A_1188 = arith.addi %add3A_1179, %select_n3A_1187 : vector<16xi32>
    %ge3A_1189 = arith.constant 23 : i32
    %ge3A_1190 = vector.broadcast %ge3A_1189 : i32 to vector<16xi32>
    %ge3A_1191 = arith.cmpi sge, %abs3A_1168, %ge3A_1190 : vector<16xi32>
    %jit3A_1192 = arith.constant 1 : i32
    %jit3A_1193 = arith.constant 0 : i32
    %broadcast_in_dim3A_1194 = vector.broadcast %jit3A_1192 : i32 to vector<16xi32>
    %broadcast_in_dim3A_1195 = vector.broadcast %jit3A_1193 : i32 to vector<16xi32>
    %select_n3A_1196 = arith.select %ge3A_1191, %broadcast_in_dim3A_1194, %broadcast_in_dim3A_1195 : vector<16xi1>, vector<16xi32>
    %add3A_1197 = arith.addi %add3A_1188, %select_n3A_1196 : vector<16xi32>
    %ge3A_1198 = arith.constant 32 : i32
    %ge3A_1199 = vector.broadcast %ge3A_1198 : i32 to vector<16xi32>
    %ge3A_1200 = arith.cmpi sge, %abs3A_1168, %ge3A_1199 : vector<16xi32>
    %jit3A_1201 = arith.constant 1 : i32
    %jit3A_1202 = arith.constant 0 : i32
    %broadcast_in_dim3A_1203 = vector.broadcast %jit3A_1201 : i32 to vector<16xi32>
    %broadcast_in_dim3A_1204 = vector.broadcast %jit3A_1202 : i32 to vector<16xi32>
    %select_n3A_1205 = arith.select %ge3A_1200, %broadcast_in_dim3A_1203, %broadcast_in_dim3A_1204 : vector<16xi1>, vector<16xi32>
    %add3A_1206 = arith.addi %add3A_1197, %select_n3A_1205 : vector<16xi32>
    %ge3A_1207 = arith.constant 46 : i32
    %ge3A_1208 = vector.broadcast %ge3A_1207 : i32 to vector<16xi32>
    %ge3A_1209 = arith.cmpi sge, %abs3A_1168, %ge3A_1208 : vector<16xi32>
    %jit3A_1210 = arith.constant 1 : i32
    %jit3A_1211 = arith.constant 0 : i32
    %broadcast_in_dim3A_1212 = vector.broadcast %jit3A_1210 : i32 to vector<16xi32>
    %broadcast_in_dim3A_1213 = vector.broadcast %jit3A_1211 : i32 to vector<16xi32>
    %select_n3A_1214 = arith.select %ge3A_1209, %broadcast_in_dim3A_1212, %broadcast_in_dim3A_1213 : vector<16xi1>, vector<16xi32>
    %add3A_1215 = arith.addi %add3A_1206, %select_n3A_1214 : vector<16xi32>
    %ge3A_1216 = arith.constant 64 : i32
    %ge3A_1217 = vector.broadcast %ge3A_1216 : i32 to vector<16xi32>
    %ge3A_1218 = arith.cmpi sge, %abs3A_1168, %ge3A_1217 : vector<16xi32>
    %jit3A_1219 = arith.constant 1 : i32
    %jit3A_1220 = arith.constant 0 : i32
    %broadcast_in_dim3A_1221 = vector.broadcast %jit3A_1219 : i32 to vector<16xi32>
    %broadcast_in_dim3A_1222 = vector.broadcast %jit3A_1220 : i32 to vector<16xi32>
    %select_n3A_1223 = arith.select %ge3A_1218, %broadcast_in_dim3A_1221, %broadcast_in_dim3A_1222 : vector<16xi1>, vector<16xi32>
    %add3A_1224 = arith.addi %add3A_1215, %select_n3A_1223 : vector<16xi32>
    %ge3A_1225 = arith.constant 91 : i32
    %ge3A_1226 = vector.broadcast %ge3A_1225 : i32 to vector<16xi32>
    %ge3A_1227 = arith.cmpi sge, %abs3A_1168, %ge3A_1226 : vector<16xi32>
    %jit3A_1228 = arith.constant 1 : i32
    %jit3A_1229 = arith.constant 0 : i32
    %broadcast_in_dim3A_1230 = vector.broadcast %jit3A_1228 : i32 to vector<16xi32>
    %broadcast_in_dim3A_1231 = vector.broadcast %jit3A_1229 : i32 to vector<16xi32>
    %select_n3A_1232 = arith.select %ge3A_1227, %broadcast_in_dim3A_1230, %broadcast_in_dim3A_1231 : vector<16xi1>, vector<16xi32>
    %add3A_1233 = arith.addi %add3A_1224, %select_n3A_1232 : vector<16xi32>
    %lt3A_1234 = arith.constant 8 : i32
    %lt3A_1235 = vector.broadcast %lt3A_1234 : i32 to vector<16xi32>
    %lt3A_1236 = arith.cmpi slt, %abs3A_1168, %lt3A_1235 : vector<16xi32>
    %select_n3A_1237 = arith.select %lt3A_1236, %abs3A_1168, %add3A_1233 : vector<16xi1>, vector<16xi32>
    %lt3A_1238 = arith.constant 0 : i32
    %lt3A_1239 = vector.broadcast %lt3A_1238 : i32 to vector<16xi32>
    %lt3A_1240 = arith.cmpi slt, %select_n3A_1237, %lt3A_1239 : vector<16xi32>
    %add3A_1241 = arith.constant 16 : i32
    %add3A_1242 = vector.broadcast %add3A_1241 : i32 to vector<16xi32>
    %add3A_1243 = arith.addi %select_n3A_1237, %add3A_1242 : vector<16xi32>
    %select_n3A_1244 = arith.select %lt3A_1240, %add3A_1243, %select_n3A_1237 : vector<16xi1>, vector<16xi32>
    %broadcast_in_dim3A_1245 = vector.shape_cast %select_n3A_1244 : vector<16xi32> to vector<16x1xi32>
    %gather3A_1246 = vector.shape_cast %broadcast_in_dim3A_1245 : vector<16x1xi32> to vector<16xi32>
    %gather3A_1247 = tpu.dynamic_gather %get3A_2[%gather3A_1246] in [0] : vector<16xf32>, vector<16xi32> -> vector<16xf32>
    %lt3A_1248 = arith.constant 0 : i32
    %lt3A_1249 = vector.broadcast %lt3A_1248 : i32 to vector<16xi32>
    %lt3A_1250 = arith.cmpi slt, %select_n3A_1237, %lt3A_1249 : vector<16xi32>
    %add3A_1251 = arith.constant 16 : i32
    %add3A_1252 = vector.broadcast %add3A_1251 : i32 to vector<16xi32>
    %add3A_1253 = arith.addi %select_n3A_1237, %add3A_1252 : vector<16xi32>
    %select_n3A_1254 = arith.select %lt3A_1250, %add3A_1253, %select_n3A_1237 : vector<16xi1>, vector<16xi32>
    %broadcast_in_dim3A_1255 = vector.shape_cast %select_n3A_1254 : vector<16xi32> to vector<16x1xi32>
    %gather3A_1256 = vector.shape_cast %broadcast_in_dim3A_1255 : vector<16x1xi32> to vector<16xi32>
    %gather3A_1257 = tpu.dynamic_gather %get3A_5[%gather3A_1256] in [0] : vector<16xf32>, vector<16xi32> -> vector<16xf32>
    %gt3A_1258 = arith.constant 0 : i32
    %gt3A_1259 = vector.broadcast %gt3A_1258 : i32 to vector<16xi32>
    %gt3A_1260 = arith.cmpi sgt, %sub3A_1167, %gt3A_1259 : vector<16xi32>
    %select_n3A_1261 = arith.select %gt3A_1260, %gather3A_1257, %gather3A_1247 : vector<16xi1>, vector<16xf32>
    %swap3A_1262 = arith.constant 176 : index
    %swap3A_1263 = tpu.vector_load %arg5[%swap3A_1262] {strides = array<i32>} : memref<256xf32, #tpu.memory_space<vmem>>, vector<16xf32>,
    %swap3A_1264 = vector.shape_cast %swap3A_1263 : vector<16xf32> to vector<16xf32>
    %swap3A_1265 = vector.shape_cast %select_n3A_1261 : vector<16xf32> to vector<16xf32>
    tpu.vector_store %arg5[%swap3A_1262], %swap3A_1265 {strides = array<i32>} : memref<256xf32, #tpu.memory_space<vmem>>, vector<16xf32>,
    %iota3A_1266 = tpu.iota {dimensions = array<i32: 0>} : vector<16xi32>
    %add3A_1267 = arith.constant 192 : i32
    %add3A_1268 = arith.addi %mul3A_0, %add3A_1267 : i32
    %add3A_1269 = vector.broadcast %add3A_1268 : i32 to vector<16xi32>
    %add3A_1270 = arith.addi %iota3A_1266, %add3A_1269 : vector<16xi32>
    %sub3A_1271 = arith.constant 2047 : i32
    %sub3A_1272 = vector.broadcast %sub3A_1271 : i32 to vector<16xi32>
    %sub3A_1273 = arith.subi %add3A_1270, %sub3A_1272 : vector<16xi32>
    %abs3A_1274 = math.absi %sub3A_1273 : vector<16xi32>
    %broadcast_in_dim3A_1275 = arith.constant 8 : i32
    %broadcast_in_dim3A_1276 = vector.broadcast %broadcast_in_dim3A_1275 : i32 to vector<16xi32>
    %ge3A_1277 = arith.constant 12 : i32
    %ge3A_1278 = vector.broadcast %ge3A_1277 : i32 to vector<16xi32>
    %ge3A_1279 = arith.cmpi sge, %abs3A_1274, %ge3A_1278 : vector<16xi32>
    %jit3A_1280 = arith.constant 1 : i32
    %jit3A_1281 = arith.constant 0 : i32
    %broadcast_in_dim3A_1282 = vector.broadcast %jit3A_1280 : i32 to vector<16xi32>
    %broadcast_in_dim3A_1283 = vector.broadcast %jit3A_1281 : i32 to vector<16xi32>
    %select_n3A_1284 = arith.select %ge3A_1279, %broadcast_in_dim3A_1282, %broadcast_in_dim3A_1283 : vector<16xi1>, vector<16xi32>
    %add3A_1285 = arith.addi %broadcast_in_dim3A_1276, %select_n3A_1284 : vector<16xi32>
    %ge3A_1286 = arith.constant 16 : i32
    %ge3A_1287 = vector.broadcast %ge3A_1286 : i32 to vector<16xi32>
    %ge3A_1288 = arith.cmpi sge, %abs3A_1274, %ge3A_1287 : vector<16xi32>
    %jit3A_1289 = arith.constant 1 : i32
    %jit3A_1290 = arith.constant 0 : i32
    %broadcast_in_dim3A_1291 = vector.broadcast %jit3A_1289 : i32 to vector<16xi32>
    %broadcast_in_dim3A_1292 = vector.broadcast %jit3A_1290 : i32 to vector<16xi32>
    %select_n3A_1293 = arith.select %ge3A_1288, %broadcast_in_dim3A_1291, %broadcast_in_dim3A_1292 : vector<16xi1>, vector<16xi32>
    %add3A_1294 = arith.addi %add3A_1285, %select_n3A_1293 : vector<16xi32>
    %ge3A_1295 = arith.constant 23 : i32
    %ge3A_1296 = vector.broadcast %ge3A_1295 : i32 to vector<16xi32>
    %ge3A_1297 = arith.cmpi sge, %abs3A_1274, %ge3A_1296 : vector<16xi32>
    %jit3A_1298 = arith.constant 1 : i32
    %jit3A_1299 = arith.constant 0 : i32
    %broadcast_in_dim3A_1300 = vector.broadcast %jit3A_1298 : i32 to vector<16xi32>
    %broadcast_in_dim3A_1301 = vector.broadcast %jit3A_1299 : i32 to vector<16xi32>
    %select_n3A_1302 = arith.select %ge3A_1297, %broadcast_in_dim3A_1300, %broadcast_in_dim3A_1301 : vector<16xi1>, vector<16xi32>
    %add3A_1303 = arith.addi %add3A_1294, %select_n3A_1302 : vector<16xi32>
    %ge3A_1304 = arith.constant 32 : i32
    %ge3A_1305 = vector.broadcast %ge3A_1304 : i32 to vector<16xi32>
    %ge3A_1306 = arith.cmpi sge, %abs3A_1274, %ge3A_1305 : vector<16xi32>
    %jit3A_1307 = arith.constant 1 : i32
    %jit3A_1308 = arith.constant 0 : i32
    %broadcast_in_dim3A_1309 = vector.broadcast %jit3A_1307 : i32 to vector<16xi32>
    %broadcast_in_dim3A_1310 = vector.broadcast %jit3A_1308 : i32 to vector<16xi32>
    %select_n3A_1311 = arith.select %ge3A_1306, %broadcast_in_dim3A_1309, %broadcast_in_dim3A_1310 : vector<16xi1>, vector<16xi32>
    %add3A_1312 = arith.addi %add3A_1303, %select_n3A_1311 : vector<16xi32>
    %ge3A_1313 = arith.constant 46 : i32
    %ge3A_1314 = vector.broadcast %ge3A_1313 : i32 to vector<16xi32>
    %ge3A_1315 = arith.cmpi sge, %abs3A_1274, %ge3A_1314 : vector<16xi32>
    %jit3A_1316 = arith.constant 1 : i32
    %jit3A_1317 = arith.constant 0 : i32
    %broadcast_in_dim3A_1318 = vector.broadcast %jit3A_1316 : i32 to vector<16xi32>
    %broadcast_in_dim3A_1319 = vector.broadcast %jit3A_1317 : i32 to vector<16xi32>
    %select_n3A_1320 = arith.select %ge3A_1315, %broadcast_in_dim3A_1318, %broadcast_in_dim3A_1319 : vector<16xi1>, vector<16xi32>
    %add3A_1321 = arith.addi %add3A_1312, %select_n3A_1320 : vector<16xi32>
    %ge3A_1322 = arith.constant 64 : i32
    %ge3A_1323 = vector.broadcast %ge3A_1322 : i32 to vector<16xi32>
    %ge3A_1324 = arith.cmpi sge, %abs3A_1274, %ge3A_1323 : vector<16xi32>
    %jit3A_1325 = arith.constant 1 : i32
    %jit3A_1326 = arith.constant 0 : i32
    %broadcast_in_dim3A_1327 = vector.broadcast %jit3A_1325 : i32 to vector<16xi32>
    %broadcast_in_dim3A_1328 = vector.broadcast %jit3A_1326 : i32 to vector<16xi32>
    %select_n3A_1329 = arith.select %ge3A_1324, %broadcast_in_dim3A_1327, %broadcast_in_dim3A_1328 : vector<16xi1>, vector<16xi32>
    %add3A_1330 = arith.addi %add3A_1321, %select_n3A_1329 : vector<16xi32>
    %ge3A_1331 = arith.constant 91 : i32
    %ge3A_1332 = vector.broadcast %ge3A_1331 : i32 to vector<16xi32>
    %ge3A_1333 = arith.cmpi sge, %abs3A_1274, %ge3A_1332 : vector<16xi32>
    %jit3A_1334 = arith.constant 1 : i32
    %jit3A_1335 = arith.constant 0 : i32
    %broadcast_in_dim3A_1336 = vector.broadcast %jit3A_1334 : i32 to vector<16xi32>
    %broadcast_in_dim3A_1337 = vector.broadcast %jit3A_1335 : i32 to vector<16xi32>
    %select_n3A_1338 = arith.select %ge3A_1333, %broadcast_in_dim3A_1336, %broadcast_in_dim3A_1337 : vector<16xi1>, vector<16xi32>
    %add3A_1339 = arith.addi %add3A_1330, %select_n3A_1338 : vector<16xi32>
    %lt3A_1340 = arith.constant 8 : i32
    %lt3A_1341 = vector.broadcast %lt3A_1340 : i32 to vector<16xi32>
    %lt3A_1342 = arith.cmpi slt, %abs3A_1274, %lt3A_1341 : vector<16xi32>
    %select_n3A_1343 = arith.select %lt3A_1342, %abs3A_1274, %add3A_1339 : vector<16xi1>, vector<16xi32>
    %lt3A_1344 = arith.constant 0 : i32
    %lt3A_1345 = vector.broadcast %lt3A_1344 : i32 to vector<16xi32>
    %lt3A_1346 = arith.cmpi slt, %select_n3A_1343, %lt3A_1345 : vector<16xi32>
    %add3A_1347 = arith.constant 16 : i32
    %add3A_1348 = vector.broadcast %add3A_1347 : i32 to vector<16xi32>
    %add3A_1349 = arith.addi %select_n3A_1343, %add3A_1348 : vector<16xi32>
    %select_n3A_1350 = arith.select %lt3A_1346, %add3A_1349, %select_n3A_1343 : vector<16xi1>, vector<16xi32>
    %broadcast_in_dim3A_1351 = vector.shape_cast %select_n3A_1350 : vector<16xi32> to vector<16x1xi32>
    %gather3A_1352 = vector.shape_cast %broadcast_in_dim3A_1351 : vector<16x1xi32> to vector<16xi32>
    %gather3A_1353 = tpu.dynamic_gather %get3A_2[%gather3A_1352] in [0] : vector<16xf32>, vector<16xi32> -> vector<16xf32>
    %lt3A_1354 = arith.constant 0 : i32
    %lt3A_1355 = vector.broadcast %lt3A_1354 : i32 to vector<16xi32>
    %lt3A_1356 = arith.cmpi slt, %select_n3A_1343, %lt3A_1355 : vector<16xi32>
    %add3A_1357 = arith.constant 16 : i32
    %add3A_1358 = vector.broadcast %add3A_1357 : i32 to vector<16xi32>
    %add3A_1359 = arith.addi %select_n3A_1343, %add3A_1358 : vector<16xi32>
    %select_n3A_1360 = arith.select %lt3A_1356, %add3A_1359, %select_n3A_1343 : vector<16xi1>, vector<16xi32>
    %broadcast_in_dim3A_1361 = vector.shape_cast %select_n3A_1360 : vector<16xi32> to vector<16x1xi32>
    %gather3A_1362 = vector.shape_cast %broadcast_in_dim3A_1361 : vector<16x1xi32> to vector<16xi32>
    %gather3A_1363 = tpu.dynamic_gather %get3A_5[%gather3A_1362] in [0] : vector<16xf32>, vector<16xi32> -> vector<16xf32>
    %gt3A_1364 = arith.constant 0 : i32
    %gt3A_1365 = vector.broadcast %gt3A_1364 : i32 to vector<16xi32>
    %gt3A_1366 = arith.cmpi sgt, %sub3A_1273, %gt3A_1365 : vector<16xi32>
    %select_n3A_1367 = arith.select %gt3A_1366, %gather3A_1363, %gather3A_1353 : vector<16xi1>, vector<16xf32>
    %swap3A_1368 = arith.constant 192 : index
    %swap3A_1369 = tpu.vector_load %arg5[%swap3A_1368] {strides = array<i32>} : memref<256xf32, #tpu.memory_space<vmem>>, vector<16xf32>,
    %swap3A_1370 = vector.shape_cast %swap3A_1369 : vector<16xf32> to vector<16xf32>
    %swap3A_1371 = vector.shape_cast %select_n3A_1367 : vector<16xf32> to vector<16xf32>
    tpu.vector_store %arg5[%swap3A_1368], %swap3A_1371 {strides = array<i32>} : memref<256xf32, #tpu.memory_space<vmem>>, vector<16xf32>,
    %iota3A_1372 = tpu.iota {dimensions = array<i32: 0>} : vector<16xi32>
    %add3A_1373 = arith.constant 208 : i32
    %add3A_1374 = arith.addi %mul3A_0, %add3A_1373 : i32
    %add3A_1375 = vector.broadcast %add3A_1374 : i32 to vector<16xi32>
    %add3A_1376 = arith.addi %iota3A_1372, %add3A_1375 : vector<16xi32>
    %sub3A_1377 = arith.constant 2047 : i32
    %sub3A_1378 = vector.broadcast %sub3A_1377 : i32 to vector<16xi32>
    %sub3A_1379 = arith.subi %add3A_1376, %sub3A_1378 : vector<16xi32>
    %abs3A_1380 = math.absi %sub3A_1379 : vector<16xi32>
    %broadcast_in_dim3A_1381 = arith.constant 8 : i32
    %broadcast_in_dim3A_1382 = vector.broadcast %broadcast_in_dim3A_1381 : i32 to vector<16xi32>
    %ge3A_1383 = arith.constant 12 : i32
    %ge3A_1384 = vector.broadcast %ge3A_1383 : i32 to vector<16xi32>
    %ge3A_1385 = arith.cmpi sge, %abs3A_1380, %ge3A_1384 : vector<16xi32>
    %jit3A_1386 = arith.constant 1 : i32
    %jit3A_1387 = arith.constant 0 : i32
    %broadcast_in_dim3A_1388 = vector.broadcast %jit3A_1386 : i32 to vector<16xi32>
    %broadcast_in_dim3A_1389 = vector.broadcast %jit3A_1387 : i32 to vector<16xi32>
    %select_n3A_1390 = arith.select %ge3A_1385, %broadcast_in_dim3A_1388, %broadcast_in_dim3A_1389 : vector<16xi1>, vector<16xi32>
    %add3A_1391 = arith.addi %broadcast_in_dim3A_1382, %select_n3A_1390 : vector<16xi32>
    %ge3A_1392 = arith.constant 16 : i32
    %ge3A_1393 = vector.broadcast %ge3A_1392 : i32 to vector<16xi32>
    %ge3A_1394 = arith.cmpi sge, %abs3A_1380, %ge3A_1393 : vector<16xi32>
    %jit3A_1395 = arith.constant 1 : i32
    %jit3A_1396 = arith.constant 0 : i32
    %broadcast_in_dim3A_1397 = vector.broadcast %jit3A_1395 : i32 to vector<16xi32>
    %broadcast_in_dim3A_1398 = vector.broadcast %jit3A_1396 : i32 to vector<16xi32>
    %select_n3A_1399 = arith.select %ge3A_1394, %broadcast_in_dim3A_1397, %broadcast_in_dim3A_1398 : vector<16xi1>, vector<16xi32>
    %add3A_1400 = arith.addi %add3A_1391, %select_n3A_1399 : vector<16xi32>
    %ge3A_1401 = arith.constant 23 : i32
    %ge3A_1402 = vector.broadcast %ge3A_1401 : i32 to vector<16xi32>
    %ge3A_1403 = arith.cmpi sge, %abs3A_1380, %ge3A_1402 : vector<16xi32>
    %jit3A_1404 = arith.constant 1 : i32
    %jit3A_1405 = arith.constant 0 : i32
    %broadcast_in_dim3A_1406 = vector.broadcast %jit3A_1404 : i32 to vector<16xi32>
    %broadcast_in_dim3A_1407 = vector.broadcast %jit3A_1405 : i32 to vector<16xi32>
    %select_n3A_1408 = arith.select %ge3A_1403, %broadcast_in_dim3A_1406, %broadcast_in_dim3A_1407 : vector<16xi1>, vector<16xi32>
    %add3A_1409 = arith.addi %add3A_1400, %select_n3A_1408 : vector<16xi32>
    %ge3A_1410 = arith.constant 32 : i32
    %ge3A_1411 = vector.broadcast %ge3A_1410 : i32 to vector<16xi32>
    %ge3A_1412 = arith.cmpi sge, %abs3A_1380, %ge3A_1411 : vector<16xi32>
    %jit3A_1413 = arith.constant 1 : i32
    %jit3A_1414 = arith.constant 0 : i32
    %broadcast_in_dim3A_1415 = vector.broadcast %jit3A_1413 : i32 to vector<16xi32>
    %broadcast_in_dim3A_1416 = vector.broadcast %jit3A_1414 : i32 to vector<16xi32>
    %select_n3A_1417 = arith.select %ge3A_1412, %broadcast_in_dim3A_1415, %broadcast_in_dim3A_1416 : vector<16xi1>, vector<16xi32>
    %add3A_1418 = arith.addi %add3A_1409, %select_n3A_1417 : vector<16xi32>
    %ge3A_1419 = arith.constant 46 : i32
    %ge3A_1420 = vector.broadcast %ge3A_1419 : i32 to vector<16xi32>
    %ge3A_1421 = arith.cmpi sge, %abs3A_1380, %ge3A_1420 : vector<16xi32>
    %jit3A_1422 = arith.constant 1 : i32
    %jit3A_1423 = arith.constant 0 : i32
    %broadcast_in_dim3A_1424 = vector.broadcast %jit3A_1422 : i32 to vector<16xi32>
    %broadcast_in_dim3A_1425 = vector.broadcast %jit3A_1423 : i32 to vector<16xi32>
    %select_n3A_1426 = arith.select %ge3A_1421, %broadcast_in_dim3A_1424, %broadcast_in_dim3A_1425 : vector<16xi1>, vector<16xi32>
    %add3A_1427 = arith.addi %add3A_1418, %select_n3A_1426 : vector<16xi32>
    %ge3A_1428 = arith.constant 64 : i32
    %ge3A_1429 = vector.broadcast %ge3A_1428 : i32 to vector<16xi32>
    %ge3A_1430 = arith.cmpi sge, %abs3A_1380, %ge3A_1429 : vector<16xi32>
    %jit3A_1431 = arith.constant 1 : i32
    %jit3A_1432 = arith.constant 0 : i32
    %broadcast_in_dim3A_1433 = vector.broadcast %jit3A_1431 : i32 to vector<16xi32>
    %broadcast_in_dim3A_1434 = vector.broadcast %jit3A_1432 : i32 to vector<16xi32>
    %select_n3A_1435 = arith.select %ge3A_1430, %broadcast_in_dim3A_1433, %broadcast_in_dim3A_1434 : vector<16xi1>, vector<16xi32>
    %add3A_1436 = arith.addi %add3A_1427, %select_n3A_1435 : vector<16xi32>
    %ge3A_1437 = arith.constant 91 : i32
    %ge3A_1438 = vector.broadcast %ge3A_1437 : i32 to vector<16xi32>
    %ge3A_1439 = arith.cmpi sge, %abs3A_1380, %ge3A_1438 : vector<16xi32>
    %jit3A_1440 = arith.constant 1 : i32
    %jit3A_1441 = arith.constant 0 : i32
    %broadcast_in_dim3A_1442 = vector.broadcast %jit3A_1440 : i32 to vector<16xi32>
    %broadcast_in_dim3A_1443 = vector.broadcast %jit3A_1441 : i32 to vector<16xi32>
    %select_n3A_1444 = arith.select %ge3A_1439, %broadcast_in_dim3A_1442, %broadcast_in_dim3A_1443 : vector<16xi1>, vector<16xi32>
    %add3A_1445 = arith.addi %add3A_1436, %select_n3A_1444 : vector<16xi32>
    %lt3A_1446 = arith.constant 8 : i32
    %lt3A_1447 = vector.broadcast %lt3A_1446 : i32 to vector<16xi32>
    %lt3A_1448 = arith.cmpi slt, %abs3A_1380, %lt3A_1447 : vector<16xi32>
    %select_n3A_1449 = arith.select %lt3A_1448, %abs3A_1380, %add3A_1445 : vector<16xi1>, vector<16xi32>
    %lt3A_1450 = arith.constant 0 : i32
    %lt3A_1451 = vector.broadcast %lt3A_1450 : i32 to vector<16xi32>
    %lt3A_1452 = arith.cmpi slt, %select_n3A_1449, %lt3A_1451 : vector<16xi32>
    %add3A_1453 = arith.constant 16 : i32
    %add3A_1454 = vector.broadcast %add3A_1453 : i32 to vector<16xi32>
    %add3A_1455 = arith.addi %select_n3A_1449, %add3A_1454 : vector<16xi32>
    %select_n3A_1456 = arith.select %lt3A_1452, %add3A_1455, %select_n3A_1449 : vector<16xi1>, vector<16xi32>
    %broadcast_in_dim3A_1457 = vector.shape_cast %select_n3A_1456 : vector<16xi32> to vector<16x1xi32>
    %gather3A_1458 = vector.shape_cast %broadcast_in_dim3A_1457 : vector<16x1xi32> to vector<16xi32>
    %gather3A_1459 = tpu.dynamic_gather %get3A_2[%gather3A_1458] in [0] : vector<16xf32>, vector<16xi32> -> vector<16xf32>
    %lt3A_1460 = arith.constant 0 : i32
    %lt3A_1461 = vector.broadcast %lt3A_1460 : i32 to vector<16xi32>
    %lt3A_1462 = arith.cmpi slt, %select_n3A_1449, %lt3A_1461 : vector<16xi32>
    %add3A_1463 = arith.constant 16 : i32
    %add3A_1464 = vector.broadcast %add3A_1463 : i32 to vector<16xi32>
    %add3A_1465 = arith.addi %select_n3A_1449, %add3A_1464 : vector<16xi32>
    %select_n3A_1466 = arith.select %lt3A_1462, %add3A_1465, %select_n3A_1449 : vector<16xi1>, vector<16xi32>
    %broadcast_in_dim3A_1467 = vector.shape_cast %select_n3A_1466 : vector<16xi32> to vector<16x1xi32>
    %gather3A_1468 = vector.shape_cast %broadcast_in_dim3A_1467 : vector<16x1xi32> to vector<16xi32>
    %gather3A_1469 = tpu.dynamic_gather %get3A_5[%gather3A_1468] in [0] : vector<16xf32>, vector<16xi32> -> vector<16xf32>
    %gt3A_1470 = arith.constant 0 : i32
    %gt3A_1471 = vector.broadcast %gt3A_1470 : i32 to vector<16xi32>
    %gt3A_1472 = arith.cmpi sgt, %sub3A_1379, %gt3A_1471 : vector<16xi32>
    %select_n3A_1473 = arith.select %gt3A_1472, %gather3A_1469, %gather3A_1459 : vector<16xi1>, vector<16xf32>
    %swap3A_1474 = arith.constant 208 : index
    %swap3A_1475 = tpu.vector_load %arg5[%swap3A_1474] {strides = array<i32>} : memref<256xf32, #tpu.memory_space<vmem>>, vector<16xf32>,
    %swap3A_1476 = vector.shape_cast %swap3A_1475 : vector<16xf32> to vector<16xf32>
    %swap3A_1477 = vector.shape_cast %select_n3A_1473 : vector<16xf32> to vector<16xf32>
    tpu.vector_store %arg5[%swap3A_1474], %swap3A_1477 {strides = array<i32>} : memref<256xf32, #tpu.memory_space<vmem>>, vector<16xf32>,
    %iota3A_1478 = tpu.iota {dimensions = array<i32: 0>} : vector<16xi32>
    %add3A_1479 = arith.constant 224 : i32
    %add3A_1480 = arith.addi %mul3A_0, %add3A_1479 : i32
    %add3A_1481 = vector.broadcast %add3A_1480 : i32 to vector<16xi32>
    %add3A_1482 = arith.addi %iota3A_1478, %add3A_1481 : vector<16xi32>
    %sub3A_1483 = arith.constant 2047 : i32
    %sub3A_1484 = vector.broadcast %sub3A_1483 : i32 to vector<16xi32>
    %sub3A_1485 = arith.subi %add3A_1482, %sub3A_1484 : vector<16xi32>
    %abs3A_1486 = math.absi %sub3A_1485 : vector<16xi32>
    %broadcast_in_dim3A_1487 = arith.constant 8 : i32
    %broadcast_in_dim3A_1488 = vector.broadcast %broadcast_in_dim3A_1487 : i32 to vector<16xi32>
    %ge3A_1489 = arith.constant 12 : i32
    %ge3A_1490 = vector.broadcast %ge3A_1489 : i32 to vector<16xi32>
    %ge3A_1491 = arith.cmpi sge, %abs3A_1486, %ge3A_1490 : vector<16xi32>
    %jit3A_1492 = arith.constant 1 : i32
    %jit3A_1493 = arith.constant 0 : i32
    %broadcast_in_dim3A_1494 = vector.broadcast %jit3A_1492 : i32 to vector<16xi32>
    %broadcast_in_dim3A_1495 = vector.broadcast %jit3A_1493 : i32 to vector<16xi32>
    %select_n3A_1496 = arith.select %ge3A_1491, %broadcast_in_dim3A_1494, %broadcast_in_dim3A_1495 : vector<16xi1>, vector<16xi32>
    %add3A_1497 = arith.addi %broadcast_in_dim3A_1488, %select_n3A_1496 : vector<16xi32>
    %ge3A_1498 = arith.constant 16 : i32
    %ge3A_1499 = vector.broadcast %ge3A_1498 : i32 to vector<16xi32>
    %ge3A_1500 = arith.cmpi sge, %abs3A_1486, %ge3A_1499 : vector<16xi32>
    %jit3A_1501 = arith.constant 1 : i32
    %jit3A_1502 = arith.constant 0 : i32
    %broadcast_in_dim3A_1503 = vector.broadcast %jit3A_1501 : i32 to vector<16xi32>
    %broadcast_in_dim3A_1504 = vector.broadcast %jit3A_1502 : i32 to vector<16xi32>
    %select_n3A_1505 = arith.select %ge3A_1500, %broadcast_in_dim3A_1503, %broadcast_in_dim3A_1504 : vector<16xi1>, vector<16xi32>
    %add3A_1506 = arith.addi %add3A_1497, %select_n3A_1505 : vector<16xi32>
    %ge3A_1507 = arith.constant 23 : i32
    %ge3A_1508 = vector.broadcast %ge3A_1507 : i32 to vector<16xi32>
    %ge3A_1509 = arith.cmpi sge, %abs3A_1486, %ge3A_1508 : vector<16xi32>
    %jit3A_1510 = arith.constant 1 : i32
    %jit3A_1511 = arith.constant 0 : i32
    %broadcast_in_dim3A_1512 = vector.broadcast %jit3A_1510 : i32 to vector<16xi32>
    %broadcast_in_dim3A_1513 = vector.broadcast %jit3A_1511 : i32 to vector<16xi32>
    %select_n3A_1514 = arith.select %ge3A_1509, %broadcast_in_dim3A_1512, %broadcast_in_dim3A_1513 : vector<16xi1>, vector<16xi32>
    %add3A_1515 = arith.addi %add3A_1506, %select_n3A_1514 : vector<16xi32>
    %ge3A_1516 = arith.constant 32 : i32
    %ge3A_1517 = vector.broadcast %ge3A_1516 : i32 to vector<16xi32>
    %ge3A_1518 = arith.cmpi sge, %abs3A_1486, %ge3A_1517 : vector<16xi32>
    %jit3A_1519 = arith.constant 1 : i32
    %jit3A_1520 = arith.constant 0 : i32
    %broadcast_in_dim3A_1521 = vector.broadcast %jit3A_1519 : i32 to vector<16xi32>
    %broadcast_in_dim3A_1522 = vector.broadcast %jit3A_1520 : i32 to vector<16xi32>
    %select_n3A_1523 = arith.select %ge3A_1518, %broadcast_in_dim3A_1521, %broadcast_in_dim3A_1522 : vector<16xi1>, vector<16xi32>
    %add3A_1524 = arith.addi %add3A_1515, %select_n3A_1523 : vector<16xi32>
    %ge3A_1525 = arith.constant 46 : i32
    %ge3A_1526 = vector.broadcast %ge3A_1525 : i32 to vector<16xi32>
    %ge3A_1527 = arith.cmpi sge, %abs3A_1486, %ge3A_1526 : vector<16xi32>
    %jit3A_1528 = arith.constant 1 : i32
    %jit3A_1529 = arith.constant 0 : i32
    %broadcast_in_dim3A_1530 = vector.broadcast %jit3A_1528 : i32 to vector<16xi32>
    %broadcast_in_dim3A_1531 = vector.broadcast %jit3A_1529 : i32 to vector<16xi32>
    %select_n3A_1532 = arith.select %ge3A_1527, %broadcast_in_dim3A_1530, %broadcast_in_dim3A_1531 : vector<16xi1>, vector<16xi32>
    %add3A_1533 = arith.addi %add3A_1524, %select_n3A_1532 : vector<16xi32>
    %ge3A_1534 = arith.constant 64 : i32
    %ge3A_1535 = vector.broadcast %ge3A_1534 : i32 to vector<16xi32>
    %ge3A_1536 = arith.cmpi sge, %abs3A_1486, %ge3A_1535 : vector<16xi32>
    %jit3A_1537 = arith.constant 1 : i32
    %jit3A_1538 = arith.constant 0 : i32
    %broadcast_in_dim3A_1539 = vector.broadcast %jit3A_1537 : i32 to vector<16xi32>
    %broadcast_in_dim3A_1540 = vector.broadcast %jit3A_1538 : i32 to vector<16xi32>
    %select_n3A_1541 = arith.select %ge3A_1536, %broadcast_in_dim3A_1539, %broadcast_in_dim3A_1540 : vector<16xi1>, vector<16xi32>
    %add3A_1542 = arith.addi %add3A_1533, %select_n3A_1541 : vector<16xi32>
    %ge3A_1543 = arith.constant 91 : i32
    %ge3A_1544 = vector.broadcast %ge3A_1543 : i32 to vector<16xi32>
    %ge3A_1545 = arith.cmpi sge, %abs3A_1486, %ge3A_1544 : vector<16xi32>
    %jit3A_1546 = arith.constant 1 : i32
    %jit3A_1547 = arith.constant 0 : i32
    %broadcast_in_dim3A_1548 = vector.broadcast %jit3A_1546 : i32 to vector<16xi32>
    %broadcast_in_dim3A_1549 = vector.broadcast %jit3A_1547 : i32 to vector<16xi32>
    %select_n3A_1550 = arith.select %ge3A_1545, %broadcast_in_dim3A_1548, %broadcast_in_dim3A_1549 : vector<16xi1>, vector<16xi32>
    %add3A_1551 = arith.addi %add3A_1542, %select_n3A_1550 : vector<16xi32>
    %lt3A_1552 = arith.constant 8 : i32
    %lt3A_1553 = vector.broadcast %lt3A_1552 : i32 to vector<16xi32>
    %lt3A_1554 = arith.cmpi slt, %abs3A_1486, %lt3A_1553 : vector<16xi32>
    %select_n3A_1555 = arith.select %lt3A_1554, %abs3A_1486, %add3A_1551 : vector<16xi1>, vector<16xi32>
    %lt3A_1556 = arith.constant 0 : i32
    %lt3A_1557 = vector.broadcast %lt3A_1556 : i32 to vector<16xi32>
    %lt3A_1558 = arith.cmpi slt, %select_n3A_1555, %lt3A_1557 : vector<16xi32>
    %add3A_1559 = arith.constant 16 : i32
    %add3A_1560 = vector.broadcast %add3A_1559 : i32 to vector<16xi32>
    %add3A_1561 = arith.addi %select_n3A_1555, %add3A_1560 : vector<16xi32>
    %select_n3A_1562 = arith.select %lt3A_1558, %add3A_1561, %select_n3A_1555 : vector<16xi1>, vector<16xi32>
    %broadcast_in_dim3A_1563 = vector.shape_cast %select_n3A_1562 : vector<16xi32> to vector<16x1xi32>
    %gather3A_1564 = vector.shape_cast %broadcast_in_dim3A_1563 : vector<16x1xi32> to vector<16xi32>
    %gather3A_1565 = tpu.dynamic_gather %get3A_2[%gather3A_1564] in [0] : vector<16xf32>, vector<16xi32> -> vector<16xf32>
    %lt3A_1566 = arith.constant 0 : i32
    %lt3A_1567 = vector.broadcast %lt3A_1566 : i32 to vector<16xi32>
    %lt3A_1568 = arith.cmpi slt, %select_n3A_1555, %lt3A_1567 : vector<16xi32>
    %add3A_1569 = arith.constant 16 : i32
    %add3A_1570 = vector.broadcast %add3A_1569 : i32 to vector<16xi32>
    %add3A_1571 = arith.addi %select_n3A_1555, %add3A_1570 : vector<16xi32>
    %select_n3A_1572 = arith.select %lt3A_1568, %add3A_1571, %select_n3A_1555 : vector<16xi1>, vector<16xi32>
    %broadcast_in_dim3A_1573 = vector.shape_cast %select_n3A_1572 : vector<16xi32> to vector<16x1xi32>
    %gather3A_1574 = vector.shape_cast %broadcast_in_dim3A_1573 : vector<16x1xi32> to vector<16xi32>
    %gather3A_1575 = tpu.dynamic_gather %get3A_5[%gather3A_1574] in [0] : vector<16xf32>, vector<16xi32> -> vector<16xf32>
    %gt3A_1576 = arith.constant 0 : i32
    %gt3A_1577 = vector.broadcast %gt3A_1576 : i32 to vector<16xi32>
    %gt3A_1578 = arith.cmpi sgt, %sub3A_1485, %gt3A_1577 : vector<16xi32>
    %select_n3A_1579 = arith.select %gt3A_1578, %gather3A_1575, %gather3A_1565 : vector<16xi1>, vector<16xf32>
    %swap3A_1580 = arith.constant 224 : index
    %swap3A_1581 = tpu.vector_load %arg5[%swap3A_1580] {strides = array<i32>} : memref<256xf32, #tpu.memory_space<vmem>>, vector<16xf32>,
    %swap3A_1582 = vector.shape_cast %swap3A_1581 : vector<16xf32> to vector<16xf32>
    %swap3A_1583 = vector.shape_cast %select_n3A_1579 : vector<16xf32> to vector<16xf32>
    tpu.vector_store %arg5[%swap3A_1580], %swap3A_1583 {strides = array<i32>} : memref<256xf32, #tpu.memory_space<vmem>>, vector<16xf32>,
    %iota3A_1584 = tpu.iota {dimensions = array<i32: 0>} : vector<16xi32>
    %add3A_1585 = arith.constant 240 : i32
    %add3A_1586 = arith.addi %mul3A_0, %add3A_1585 : i32
    %add3A_1587 = vector.broadcast %add3A_1586 : i32 to vector<16xi32>
    %add3A_1588 = arith.addi %iota3A_1584, %add3A_1587 : vector<16xi32>
    %sub3A_1589 = arith.constant 2047 : i32
    %sub3A_1590 = vector.broadcast %sub3A_1589 : i32 to vector<16xi32>
    %sub3A_1591 = arith.subi %add3A_1588, %sub3A_1590 : vector<16xi32>
    %abs3A_1592 = math.absi %sub3A_1591 : vector<16xi32>
    %broadcast_in_dim3A_1593 = arith.constant 8 : i32
    %broadcast_in_dim3A_1594 = vector.broadcast %broadcast_in_dim3A_1593 : i32 to vector<16xi32>
    %ge3A_1595 = arith.constant 12 : i32
    %ge3A_1596 = vector.broadcast %ge3A_1595 : i32 to vector<16xi32>
    %ge3A_1597 = arith.cmpi sge, %abs3A_1592, %ge3A_1596 : vector<16xi32>
    %jit3A_1598 = arith.constant 1 : i32
    %jit3A_1599 = arith.constant 0 : i32
    %broadcast_in_dim3A_1600 = vector.broadcast %jit3A_1598 : i32 to vector<16xi32>
    %broadcast_in_dim3A_1601 = vector.broadcast %jit3A_1599 : i32 to vector<16xi32>
    %select_n3A_1602 = arith.select %ge3A_1597, %broadcast_in_dim3A_1600, %broadcast_in_dim3A_1601 : vector<16xi1>, vector<16xi32>
    %add3A_1603 = arith.addi %broadcast_in_dim3A_1594, %select_n3A_1602 : vector<16xi32>
    %ge3A_1604 = arith.constant 16 : i32
    %ge3A_1605 = vector.broadcast %ge3A_1604 : i32 to vector<16xi32>
    %ge3A_1606 = arith.cmpi sge, %abs3A_1592, %ge3A_1605 : vector<16xi32>
    %jit3A_1607 = arith.constant 1 : i32
    %jit3A_1608 = arith.constant 0 : i32
    %broadcast_in_dim3A_1609 = vector.broadcast %jit3A_1607 : i32 to vector<16xi32>
    %broadcast_in_dim3A_1610 = vector.broadcast %jit3A_1608 : i32 to vector<16xi32>
    %select_n3A_1611 = arith.select %ge3A_1606, %broadcast_in_dim3A_1609, %broadcast_in_dim3A_1610 : vector<16xi1>, vector<16xi32>
    %add3A_1612 = arith.addi %add3A_1603, %select_n3A_1611 : vector<16xi32>
    %ge3A_1613 = arith.constant 23 : i32
    %ge3A_1614 = vector.broadcast %ge3A_1613 : i32 to vector<16xi32>
    %ge3A_1615 = arith.cmpi sge, %abs3A_1592, %ge3A_1614 : vector<16xi32>
    %jit3A_1616 = arith.constant 1 : i32
    %jit3A_1617 = arith.constant 0 : i32
    %broadcast_in_dim3A_1618 = vector.broadcast %jit3A_1616 : i32 to vector<16xi32>
    %broadcast_in_dim3A_1619 = vector.broadcast %jit3A_1617 : i32 to vector<16xi32>
    %select_n3A_1620 = arith.select %ge3A_1615, %broadcast_in_dim3A_1618, %broadcast_in_dim3A_1619 : vector<16xi1>, vector<16xi32>
    %add3A_1621 = arith.addi %add3A_1612, %select_n3A_1620 : vector<16xi32>
    %ge3A_1622 = arith.constant 32 : i32
    %ge3A_1623 = vector.broadcast %ge3A_1622 : i32 to vector<16xi32>
    %ge3A_1624 = arith.cmpi sge, %abs3A_1592, %ge3A_1623 : vector<16xi32>
    %jit3A_1625 = arith.constant 1 : i32
    %jit3A_1626 = arith.constant 0 : i32
    %broadcast_in_dim3A_1627 = vector.broadcast %jit3A_1625 : i32 to vector<16xi32>
    %broadcast_in_dim3A_1628 = vector.broadcast %jit3A_1626 : i32 to vector<16xi32>
    %select_n3A_1629 = arith.select %ge3A_1624, %broadcast_in_dim3A_1627, %broadcast_in_dim3A_1628 : vector<16xi1>, vector<16xi32>
    %add3A_1630 = arith.addi %add3A_1621, %select_n3A_1629 : vector<16xi32>
    %ge3A_1631 = arith.constant 46 : i32
    %ge3A_1632 = vector.broadcast %ge3A_1631 : i32 to vector<16xi32>
    %ge3A_1633 = arith.cmpi sge, %abs3A_1592, %ge3A_1632 : vector<16xi32>
    %jit3A_1634 = arith.constant 1 : i32
    %jit3A_1635 = arith.constant 0 : i32
    %broadcast_in_dim3A_1636 = vector.broadcast %jit3A_1634 : i32 to vector<16xi32>
    %broadcast_in_dim3A_1637 = vector.broadcast %jit3A_1635 : i32 to vector<16xi32>
    %select_n3A_1638 = arith.select %ge3A_1633, %broadcast_in_dim3A_1636, %broadcast_in_dim3A_1637 : vector<16xi1>, vector<16xi32>
    %add3A_1639 = arith.addi %add3A_1630, %select_n3A_1638 : vector<16xi32>
    %ge3A_1640 = arith.constant 64 : i32
    %ge3A_1641 = vector.broadcast %ge3A_1640 : i32 to vector<16xi32>
    %ge3A_1642 = arith.cmpi sge, %abs3A_1592, %ge3A_1641 : vector<16xi32>
    %jit3A_1643 = arith.constant 1 : i32
    %jit3A_1644 = arith.constant 0 : i32
    %broadcast_in_dim3A_1645 = vector.broadcast %jit3A_1643 : i32 to vector<16xi32>
    %broadcast_in_dim3A_1646 = vector.broadcast %jit3A_1644 : i32 to vector<16xi32>
    %select_n3A_1647 = arith.select %ge3A_1642, %broadcast_in_dim3A_1645, %broadcast_in_dim3A_1646 : vector<16xi1>, vector<16xi32>
    %add3A_1648 = arith.addi %add3A_1639, %select_n3A_1647 : vector<16xi32>
    %ge3A_1649 = arith.constant 91 : i32
    %ge3A_1650 = vector.broadcast %ge3A_1649 : i32 to vector<16xi32>
    %ge3A_1651 = arith.cmpi sge, %abs3A_1592, %ge3A_1650 : vector<16xi32>
    %jit3A_1652 = arith.constant 1 : i32
    %jit3A_1653 = arith.constant 0 : i32
    %broadcast_in_dim3A_1654 = vector.broadcast %jit3A_1652 : i32 to vector<16xi32>
    %broadcast_in_dim3A_1655 = vector.broadcast %jit3A_1653 : i32 to vector<16xi32>
    %select_n3A_1656 = arith.select %ge3A_1651, %broadcast_in_dim3A_1654, %broadcast_in_dim3A_1655 : vector<16xi1>, vector<16xi32>
    %add3A_1657 = arith.addi %add3A_1648, %select_n3A_1656 : vector<16xi32>
    %lt3A_1658 = arith.constant 8 : i32
    %lt3A_1659 = vector.broadcast %lt3A_1658 : i32 to vector<16xi32>
    %lt3A_1660 = arith.cmpi slt, %abs3A_1592, %lt3A_1659 : vector<16xi32>
    %select_n3A_1661 = arith.select %lt3A_1660, %abs3A_1592, %add3A_1657 : vector<16xi1>, vector<16xi32>
    %lt3A_1662 = arith.constant 0 : i32
    %lt3A_1663 = vector.broadcast %lt3A_1662 : i32 to vector<16xi32>
    %lt3A_1664 = arith.cmpi slt, %select_n3A_1661, %lt3A_1663 : vector<16xi32>
    %add3A_1665 = arith.constant 16 : i32
    %add3A_1666 = vector.broadcast %add3A_1665 : i32 to vector<16xi32>
    %add3A_1667 = arith.addi %select_n3A_1661, %add3A_1666 : vector<16xi32>
    %select_n3A_1668 = arith.select %lt3A_1664, %add3A_1667, %select_n3A_1661 : vector<16xi1>, vector<16xi32>
    %broadcast_in_dim3A_1669 = vector.shape_cast %select_n3A_1668 : vector<16xi32> to vector<16x1xi32>
    %gather3A_1670 = vector.shape_cast %broadcast_in_dim3A_1669 : vector<16x1xi32> to vector<16xi32>
    %gather3A_1671 = tpu.dynamic_gather %get3A_2[%gather3A_1670] in [0] : vector<16xf32>, vector<16xi32> -> vector<16xf32>
    %lt3A_1672 = arith.constant 0 : i32
    %lt3A_1673 = vector.broadcast %lt3A_1672 : i32 to vector<16xi32>
    %lt3A_1674 = arith.cmpi slt, %select_n3A_1661, %lt3A_1673 : vector<16xi32>
    %add3A_1675 = arith.constant 16 : i32
    %add3A_1676 = vector.broadcast %add3A_1675 : i32 to vector<16xi32>
    %add3A_1677 = arith.addi %select_n3A_1661, %add3A_1676 : vector<16xi32>
    %select_n3A_1678 = arith.select %lt3A_1674, %add3A_1677, %select_n3A_1661 : vector<16xi1>, vector<16xi32>
    %broadcast_in_dim3A_1679 = vector.shape_cast %select_n3A_1678 : vector<16xi32> to vector<16x1xi32>
    %gather3A_1680 = vector.shape_cast %broadcast_in_dim3A_1679 : vector<16x1xi32> to vector<16xi32>
    %gather3A_1681 = tpu.dynamic_gather %get3A_5[%gather3A_1680] in [0] : vector<16xf32>, vector<16xi32> -> vector<16xf32>
    %gt3A_1682 = arith.constant 0 : i32
    %gt3A_1683 = vector.broadcast %gt3A_1682 : i32 to vector<16xi32>
    %gt3A_1684 = arith.cmpi sgt, %sub3A_1591, %gt3A_1683 : vector<16xi32>
    %select_n3A_1685 = arith.select %gt3A_1684, %gather3A_1681, %gather3A_1671 : vector<16xi1>, vector<16xf32>
    %swap3A_1686 = arith.constant 240 : index
    %swap3A_1687 = tpu.vector_load %arg5[%swap3A_1686] {strides = array<i32>} : memref<256xf32, #tpu.memory_space<vmem>>, vector<16xf32>,
    %swap3A_1688 = vector.shape_cast %swap3A_1687 : vector<16xf32> to vector<16xf32>
    %swap3A_1689 = vector.shape_cast %select_n3A_1685 : vector<16xf32> to vector<16xf32>
    tpu.vector_store %arg5[%swap3A_1686], %swap3A_1689 {strides = array<i32>} : memref<256xf32, #tpu.memory_space<vmem>>, vector<16xf32>,
    "tpu.region"() ({
      %run_scoped3A = tpu.sem_alloc : memref<!tpu.dma_semaphore, #tpu.memory_space<semaphore_mem>>
      %dma_start3A = tpu.memref_slice %arg3[%mul3A_0] : memref<4096xf32, #tpu.memory_space<hbm>> -> memref<256xf32, #tpu.memory_space<hbm>>
      %dma_start3A_1690 = tpu.memref_slice %arg3[%mul3A_0] : memref<4096xf32, #tpu.memory_space<hbm>> -> memref<256xf32, #tpu.memory_space<hbm>>
      tpu.enqueue_dma source(%arg5 : memref<256xf32, #tpu.memory_space<vmem>>) target(%dma_start3A_1690 : memref<256xf32, #tpu.memory_space<hbm>>) target_semaphore(%run_scoped3A : memref<!tpu.dma_semaphore, #tpu.memory_space<semaphore_mem>>)
      %dma_wait3A = tpu.memref_slice %arg3[%mul3A_0] : memref<4096xf32, #tpu.memory_space<hbm>> -> memref<256xf32, #tpu.memory_space<hbm>>
      %dma_wait3A_1691 = tpu.memref_slice %arg3[%mul3A_0] : memref<4096xf32, #tpu.memory_space<hbm>> -> memref<256xf32, #tpu.memory_space<hbm>>
      tpu.wait_dma2 semaphore(%run_scoped3A : memref<!tpu.dma_semaphore, #tpu.memory_space<semaphore_mem>>) src(%arg5 : memref<256xf32, #tpu.memory_space<vmem>>) dst(%dma_wait3A_1691 : memref<256xf32, #tpu.memory_space<hbm>>)
      tpu.yield
    }) : () -> ()
    return
  }
}

module attributes {stable_mosaic.version = 14 : i64} {
  func.func @_tc_big_body(%arg0: i32, %arg1: i32, %arg2: memref<16x32xf32, #tpu.memory_space<vmem>>, %arg3: memref<16x2048x2048xf32, #tpu.memory_space<any>>, %arg4: memref<16x4096xf32, #tpu.memory_space<vmem>>, %arg5: memref<8x4352xf32, #tpu.memory_space<vmem>>, %arg6: memref<2x128x4096xf32, #tpu.memory_space<vmem>>, %arg7: memref<8x!tpu.dma_semaphore, #tpu.memory_space<semaphore_mem>>) attributes {dimension_semantics = [#tpu.dimension_semantics<arbitrary>, #tpu.dimension_semantics<arbitrary>], iteration_bounds = array<i64: 15, 16>, scalar_prefetch = 0 : i64, scratch_operands = 4 : i64, tpu.core_type = #tpu.core_type<tc>, window_params = [{pipeline_mode = #tpu.pipeline_mode<synchronous>, transform_indices = @transform_0, window_bounds = array<i64: 16, 32>}, {}]} {
    %add3A = arith.constant 1 : i32
    %add3A_0 = arith.addi %arg0, %add3A : i32
    %mul3A = arith.constant 16 : i32
    %mul3A_1 = arith.muli %arg0, %mul3A : i32
    %add3A_2 = arith.addi %mul3A_1, %arg1 : i32
    %rem3A = arith.constant 2 : i32
    %rem3A_3 = arith.remsi %arg0, %rem3A : i32
    %eq3A = arith.constant 0 : i32
    %eq3A_4 = arith.cmpi eq, %arg0, %eq3A : i32
    %eq3A_5 = arith.constant 0 : i32
    %eq3A_6 = arith.cmpi eq, %arg1, %eq3A_5 : i32
    %and3A = arith.andi %eq3A_4, %eq3A_6 : i1
    %convert_element_type3A = arith.extui %and3A : i1 to i32
    %cond3A = arith.constant 0 : i32
    %cond3A_7 = arith.cmpi ne, %convert_element_type3A, %cond3A : i32
    scf.if %cond3A_7 {
      %iota3A = tpu.iota {dimensions = array<i32: 1>} : vector<1x4096xi32>
      %sub3A_36 = arith.constant 2047 : i32
      %sub3A_37 = vector.broadcast %sub3A_36 : i32 to vector<1x4096xi32>
      %sub3A_38 = arith.subi %iota3A, %sub3A_37 : vector<1x4096xi32>
      %abs3A = math.absi %sub3A_38 : vector<1x4096xi32>
      %gt3A = arith.constant 0 : i32
      %gt3A_39 = vector.broadcast %gt3A : i32 to vector<1x4096xi32>
      %gt3A_40 = arith.cmpi sgt, %sub3A_38, %gt3A_39 : vector<1x4096xi32>
      %jit3A = arith.constant 16 : i32
      %jit3A_41 = arith.constant 0 : i32
      %broadcast_in_dim3A = vector.broadcast %jit3A : i32 to vector<1x4096xi32>
      %broadcast_in_dim3A_42 = vector.broadcast %jit3A_41 : i32 to vector<1x4096xi32>
      %select_n3A = arith.select %gt3A_40, %broadcast_in_dim3A, %broadcast_in_dim3A_42 : vector<1x4096xi1>, vector<1x4096xi32>
      %broadcast_in_dim3A_43 = arith.constant 8 : i32
      %broadcast_in_dim3A_44 = vector.broadcast %broadcast_in_dim3A_43 : i32 to vector<1x4096xi32>
      %ge3A_45 = arith.constant 12 : i32
      %ge3A_46 = vector.broadcast %ge3A_45 : i32 to vector<1x4096xi32>
      %ge3A_47 = arith.cmpi sge, %abs3A, %ge3A_46 : vector<1x4096xi32>
      %jit3A_48 = arith.constant 1 : i32
      %jit3A_49 = arith.constant 0 : i32
      %broadcast_in_dim3A_50 = vector.broadcast %jit3A_48 : i32 to vector<1x4096xi32>
      %broadcast_in_dim3A_51 = vector.broadcast %jit3A_49 : i32 to vector<1x4096xi32>
      %select_n3A_52 = arith.select %ge3A_47, %broadcast_in_dim3A_50, %broadcast_in_dim3A_51 : vector<1x4096xi1>, vector<1x4096xi32>
      %add3A_53 = arith.addi %broadcast_in_dim3A_44, %select_n3A_52 : vector<1x4096xi32>
      %ge3A_54 = arith.constant 16 : i32
      %ge3A_55 = vector.broadcast %ge3A_54 : i32 to vector<1x4096xi32>
      %ge3A_56 = arith.cmpi sge, %abs3A, %ge3A_55 : vector<1x4096xi32>
      %jit3A_57 = arith.constant 1 : i32
      %jit3A_58 = arith.constant 0 : i32
      %broadcast_in_dim3A_59 = vector.broadcast %jit3A_57 : i32 to vector<1x4096xi32>
      %broadcast_in_dim3A_60 = vector.broadcast %jit3A_58 : i32 to vector<1x4096xi32>
      %select_n3A_61 = arith.select %ge3A_56, %broadcast_in_dim3A_59, %broadcast_in_dim3A_60 : vector<1x4096xi1>, vector<1x4096xi32>
      %add3A_62 = arith.addi %add3A_53, %select_n3A_61 : vector<1x4096xi32>
      %ge3A_63 = arith.constant 23 : i32
      %ge3A_64 = vector.broadcast %ge3A_63 : i32 to vector<1x4096xi32>
      %ge3A_65 = arith.cmpi sge, %abs3A, %ge3A_64 : vector<1x4096xi32>
      %jit3A_66 = arith.constant 1 : i32
      %jit3A_67 = arith.constant 0 : i32
      %broadcast_in_dim3A_68 = vector.broadcast %jit3A_66 : i32 to vector<1x4096xi32>
      %broadcast_in_dim3A_69 = vector.broadcast %jit3A_67 : i32 to vector<1x4096xi32>
      %select_n3A_70 = arith.select %ge3A_65, %broadcast_in_dim3A_68, %broadcast_in_dim3A_69 : vector<1x4096xi1>, vector<1x4096xi32>
      %add3A_71 = arith.addi %add3A_62, %select_n3A_70 : vector<1x4096xi32>
      %ge3A_72 = arith.constant 32 : i32
      %ge3A_73 = vector.broadcast %ge3A_72 : i32 to vector<1x4096xi32>
      %ge3A_74 = arith.cmpi sge, %abs3A, %ge3A_73 : vector<1x4096xi32>
      %jit3A_75 = arith.constant 1 : i32
      %jit3A_76 = arith.constant 0 : i32
      %broadcast_in_dim3A_77 = vector.broadcast %jit3A_75 : i32 to vector<1x4096xi32>
      %broadcast_in_dim3A_78 = vector.broadcast %jit3A_76 : i32 to vector<1x4096xi32>
      %select_n3A_79 = arith.select %ge3A_74, %broadcast_in_dim3A_77, %broadcast_in_dim3A_78 : vector<1x4096xi1>, vector<1x4096xi32>
      %add3A_80 = arith.addi %add3A_71, %select_n3A_79 : vector<1x4096xi32>
      %ge3A_81 = arith.constant 46 : i32
      %ge3A_82 = vector.broadcast %ge3A_81 : i32 to vector<1x4096xi32>
      %ge3A_83 = arith.cmpi sge, %abs3A, %ge3A_82 : vector<1x4096xi32>
      %jit3A_84 = arith.constant 1 : i32
      %jit3A_85 = arith.constant 0 : i32
      %broadcast_in_dim3A_86 = vector.broadcast %jit3A_84 : i32 to vector<1x4096xi32>
      %broadcast_in_dim3A_87 = vector.broadcast %jit3A_85 : i32 to vector<1x4096xi32>
      %select_n3A_88 = arith.select %ge3A_83, %broadcast_in_dim3A_86, %broadcast_in_dim3A_87 : vector<1x4096xi1>, vector<1x4096xi32>
      %add3A_89 = arith.addi %add3A_80, %select_n3A_88 : vector<1x4096xi32>
      %ge3A_90 = arith.constant 64 : i32
      %ge3A_91 = vector.broadcast %ge3A_90 : i32 to vector<1x4096xi32>
      %ge3A_92 = arith.cmpi sge, %abs3A, %ge3A_91 : vector<1x4096xi32>
      %jit3A_93 = arith.constant 1 : i32
      %jit3A_94 = arith.constant 0 : i32
      %broadcast_in_dim3A_95 = vector.broadcast %jit3A_93 : i32 to vector<1x4096xi32>
      %broadcast_in_dim3A_96 = vector.broadcast %jit3A_94 : i32 to vector<1x4096xi32>
      %select_n3A_97 = arith.select %ge3A_92, %broadcast_in_dim3A_95, %broadcast_in_dim3A_96 : vector<1x4096xi1>, vector<1x4096xi32>
      %add3A_98 = arith.addi %add3A_89, %select_n3A_97 : vector<1x4096xi32>
      %ge3A_99 = arith.constant 91 : i32
      %ge3A_100 = vector.broadcast %ge3A_99 : i32 to vector<1x4096xi32>
      %ge3A_101 = arith.cmpi sge, %abs3A, %ge3A_100 : vector<1x4096xi32>
      %jit3A_102 = arith.constant 1 : i32
      %jit3A_103 = arith.constant 0 : i32
      %broadcast_in_dim3A_104 = vector.broadcast %jit3A_102 : i32 to vector<1x4096xi32>
      %broadcast_in_dim3A_105 = vector.broadcast %jit3A_103 : i32 to vector<1x4096xi32>
      %select_n3A_106 = arith.select %ge3A_101, %broadcast_in_dim3A_104, %broadcast_in_dim3A_105 : vector<1x4096xi1>, vector<1x4096xi32>
      %add3A_107 = arith.addi %add3A_98, %select_n3A_106 : vector<1x4096xi32>
      %lt3A = arith.constant 8 : i32
      %lt3A_108 = vector.broadcast %lt3A : i32 to vector<1x4096xi32>
      %lt3A_109 = arith.cmpi slt, %abs3A, %lt3A_108 : vector<1x4096xi32>
      %select_n3A_110 = arith.select %lt3A_109, %abs3A, %add3A_107 : vector<1x4096xi1>, vector<1x4096xi32>
      %add3A_111 = arith.addi %select_n3A, %select_n3A_110 : vector<1x4096xi32>
      %broadcast_in_dim3A_112 = arith.constant 0.000000e+00 : f32
      %broadcast_in_dim3A_113 = vector.broadcast %broadcast_in_dim3A_112 : f32 to vector<16x4096xf32>
      %eq3A_114 = arith.constant 0 : i32
      %eq3A_115 = vector.broadcast %eq3A_114 : i32 to vector<1x4096xi32>
      %eq3A_116 = arith.cmpi eq, %add3A_111, %eq3A_115 : vector<1x4096xi32>
      %get3A = arith.constant 0 : index
      %get3A_117 = arith.constant 0 : index
      %get3A_118 = vector.load %arg2[%get3A, %get3A_117] : memref<16x32xf32, #tpu.memory_space<vmem>>, vector<16x1xf32>
      %broadcast_in_dim3A_119 = vector.shape_cast %eq3A_116 : vector<1x4096xi1> to vector<1x4096xi1>
      %broadcast_in_dim3A_120 = vector.broadcast %broadcast_in_dim3A_119 : vector<1x4096xi1> to vector<16x4096xi1>
      %broadcast_in_dim3A_121 = vector.shape_cast %get3A_118 : vector<16x1xf32> to vector<16x1xf32>
      %broadcast_in_dim3A_122 = vector.broadcast %broadcast_in_dim3A_121 : vector<16x1xf32> to vector<16x4096xf32>
      %select_n3A_123 = arith.select %broadcast_in_dim3A_120, %broadcast_in_dim3A_122, %broadcast_in_dim3A_113 : vector<16x4096xi1>, vector<16x4096xf32>
      %eq3A_124 = arith.constant 1 : i32
      %eq3A_125 = vector.broadcast %eq3A_124 : i32 to vector<1x4096xi32>
      %eq3A_126 = arith.cmpi eq, %add3A_111, %eq3A_125 : vector<1x4096xi32>
      %get3A_127 = arith.constant 0 : index
      %get3A_128 = arith.constant 1 : index
      %get3A_129 = vector.load %arg2[%get3A_127, %get3A_128] : memref<16x32xf32, #tpu.memory_space<vmem>>, vector<16x1xf32>
      %broadcast_in_dim3A_130 = vector.shape_cast %eq3A_126 : vector<1x4096xi1> to vector<1x4096xi1>
      %broadcast_in_dim3A_131 = vector.broadcast %broadcast_in_dim3A_130 : vector<1x4096xi1> to vector<16x4096xi1>
      %broadcast_in_dim3A_132 = vector.shape_cast %get3A_129 : vector<16x1xf32> to vector<16x1xf32>
      %broadcast_in_dim3A_133 = vector.broadcast %broadcast_in_dim3A_132 : vector<16x1xf32> to vector<16x4096xf32>
      %select_n3A_134 = arith.select %broadcast_in_dim3A_131, %broadcast_in_dim3A_133, %select_n3A_123 : vector<16x4096xi1>, vector<16x4096xf32>
      %eq3A_135 = arith.constant 2 : i32
      %eq3A_136 = vector.broadcast %eq3A_135 : i32 to vector<1x4096xi32>
      %eq3A_137 = arith.cmpi eq, %add3A_111, %eq3A_136 : vector<1x4096xi32>
      %get3A_138 = arith.constant 0 : index
      %get3A_139 = arith.constant 2 : index
      %get3A_140 = vector.load %arg2[%get3A_138, %get3A_139] : memref<16x32xf32, #tpu.memory_space<vmem>>, vector<16x1xf32>
      %broadcast_in_dim3A_141 = vector.shape_cast %eq3A_137 : vector<1x4096xi1> to vector<1x4096xi1>
      %broadcast_in_dim3A_142 = vector.broadcast %broadcast_in_dim3A_141 : vector<1x4096xi1> to vector<16x4096xi1>
      %broadcast_in_dim3A_143 = vector.shape_cast %get3A_140 : vector<16x1xf32> to vector<16x1xf32>
      %broadcast_in_dim3A_144 = vector.broadcast %broadcast_in_dim3A_143 : vector<16x1xf32> to vector<16x4096xf32>
      %select_n3A_145 = arith.select %broadcast_in_dim3A_142, %broadcast_in_dim3A_144, %select_n3A_134 : vector<16x4096xi1>, vector<16x4096xf32>
      %eq3A_146 = arith.constant 3 : i32
      %eq3A_147 = vector.broadcast %eq3A_146 : i32 to vector<1x4096xi32>
      %eq3A_148 = arith.cmpi eq, %add3A_111, %eq3A_147 : vector<1x4096xi32>
      %get3A_149 = arith.constant 0 : index
      %get3A_150 = arith.constant 3 : index
      %get3A_151 = vector.load %arg2[%get3A_149, %get3A_150] : memref<16x32xf32, #tpu.memory_space<vmem>>, vector<16x1xf32>
      %broadcast_in_dim3A_152 = vector.shape_cast %eq3A_148 : vector<1x4096xi1> to vector<1x4096xi1>
      %broadcast_in_dim3A_153 = vector.broadcast %broadcast_in_dim3A_152 : vector<1x4096xi1> to vector<16x4096xi1>
      %broadcast_in_dim3A_154 = vector.shape_cast %get3A_151 : vector<16x1xf32> to vector<16x1xf32>
      %broadcast_in_dim3A_155 = vector.broadcast %broadcast_in_dim3A_154 : vector<16x1xf32> to vector<16x4096xf32>
      %select_n3A_156 = arith.select %broadcast_in_dim3A_153, %broadcast_in_dim3A_155, %select_n3A_145 : vector<16x4096xi1>, vector<16x4096xf32>
      %eq3A_157 = arith.constant 4 : i32
      %eq3A_158 = vector.broadcast %eq3A_157 : i32 to vector<1x4096xi32>
      %eq3A_159 = arith.cmpi eq, %add3A_111, %eq3A_158 : vector<1x4096xi32>
      %get3A_160 = arith.constant 0 : index
      %get3A_161 = arith.constant 4 : index
      %get3A_162 = vector.load %arg2[%get3A_160, %get3A_161] : memref<16x32xf32, #tpu.memory_space<vmem>>, vector<16x1xf32>
      %broadcast_in_dim3A_163 = vector.shape_cast %eq3A_159 : vector<1x4096xi1> to vector<1x4096xi1>
      %broadcast_in_dim3A_164 = vector.broadcast %broadcast_in_dim3A_163 : vector<1x4096xi1> to vector<16x4096xi1>
      %broadcast_in_dim3A_165 = vector.shape_cast %get3A_162 : vector<16x1xf32> to vector<16x1xf32>
      %broadcast_in_dim3A_166 = vector.broadcast %broadcast_in_dim3A_165 : vector<16x1xf32> to vector<16x4096xf32>
      %select_n3A_167 = arith.select %broadcast_in_dim3A_164, %broadcast_in_dim3A_166, %select_n3A_156 : vector<16x4096xi1>, vector<16x4096xf32>
      %eq3A_168 = arith.constant 5 : i32
      %eq3A_169 = vector.broadcast %eq3A_168 : i32 to vector<1x4096xi32>
      %eq3A_170 = arith.cmpi eq, %add3A_111, %eq3A_169 : vector<1x4096xi32>
      %get3A_171 = arith.constant 0 : index
      %get3A_172 = arith.constant 5 : index
      %get3A_173 = vector.load %arg2[%get3A_171, %get3A_172] : memref<16x32xf32, #tpu.memory_space<vmem>>, vector<16x1xf32>
      %broadcast_in_dim3A_174 = vector.shape_cast %eq3A_170 : vector<1x4096xi1> to vector<1x4096xi1>
      %broadcast_in_dim3A_175 = vector.broadcast %broadcast_in_dim3A_174 : vector<1x4096xi1> to vector<16x4096xi1>
      %broadcast_in_dim3A_176 = vector.shape_cast %get3A_173 : vector<16x1xf32> to vector<16x1xf32>
      %broadcast_in_dim3A_177 = vector.broadcast %broadcast_in_dim3A_176 : vector<16x1xf32> to vector<16x4096xf32>
      %select_n3A_178 = arith.select %broadcast_in_dim3A_175, %broadcast_in_dim3A_177, %select_n3A_167 : vector<16x4096xi1>, vector<16x4096xf32>
      %eq3A_179 = arith.constant 6 : i32
      %eq3A_180 = vector.broadcast %eq3A_179 : i32 to vector<1x4096xi32>
      %eq3A_181 = arith.cmpi eq, %add3A_111, %eq3A_180 : vector<1x4096xi32>
      %get3A_182 = arith.constant 0 : index
      %get3A_183 = arith.constant 6 : index
      %get3A_184 = vector.load %arg2[%get3A_182, %get3A_183] : memref<16x32xf32, #tpu.memory_space<vmem>>, vector<16x1xf32>
      %broadcast_in_dim3A_185 = vector.shape_cast %eq3A_181 : vector<1x4096xi1> to vector<1x4096xi1>
      %broadcast_in_dim3A_186 = vector.broadcast %broadcast_in_dim3A_185 : vector<1x4096xi1> to vector<16x4096xi1>
      %broadcast_in_dim3A_187 = vector.shape_cast %get3A_184 : vector<16x1xf32> to vector<16x1xf32>
      %broadcast_in_dim3A_188 = vector.broadcast %broadcast_in_dim3A_187 : vector<16x1xf32> to vector<16x4096xf32>
      %select_n3A_189 = arith.select %broadcast_in_dim3A_186, %broadcast_in_dim3A_188, %select_n3A_178 : vector<16x4096xi1>, vector<16x4096xf32>
      %eq3A_190 = arith.constant 7 : i32
      %eq3A_191 = vector.broadcast %eq3A_190 : i32 to vector<1x4096xi32>
      %eq3A_192 = arith.cmpi eq, %add3A_111, %eq3A_191 : vector<1x4096xi32>
      %get3A_193 = arith.constant 0 : index
      %get3A_194 = arith.constant 7 : index
      %get3A_195 = vector.load %arg2[%get3A_193, %get3A_194] : memref<16x32xf32, #tpu.memory_space<vmem>>, vector<16x1xf32>
      %broadcast_in_dim3A_196 = vector.shape_cast %eq3A_192 : vector<1x4096xi1> to vector<1x4096xi1>
      %broadcast_in_dim3A_197 = vector.broadcast %broadcast_in_dim3A_196 : vector<1x4096xi1> to vector<16x4096xi1>
      %broadcast_in_dim3A_198 = vector.shape_cast %get3A_195 : vector<16x1xf32> to vector<16x1xf32>
      %broadcast_in_dim3A_199 = vector.broadcast %broadcast_in_dim3A_198 : vector<16x1xf32> to vector<16x4096xf32>
      %select_n3A_200 = arith.select %broadcast_in_dim3A_197, %broadcast_in_dim3A_199, %select_n3A_189 : vector<16x4096xi1>, vector<16x4096xf32>
      %eq3A_201 = arith.constant 8 : i32
      %eq3A_202 = vector.broadcast %eq3A_201 : i32 to vector<1x4096xi32>
      %eq3A_203 = arith.cmpi eq, %add3A_111, %eq3A_202 : vector<1x4096xi32>
      %get3A_204 = arith.constant 0 : index
      %get3A_205 = arith.constant 8 : index
      %get3A_206 = vector.load %arg2[%get3A_204, %get3A_205] : memref<16x32xf32, #tpu.memory_space<vmem>>, vector<16x1xf32>
      %broadcast_in_dim3A_207 = vector.shape_cast %eq3A_203 : vector<1x4096xi1> to vector<1x4096xi1>
      %broadcast_in_dim3A_208 = vector.broadcast %broadcast_in_dim3A_207 : vector<1x4096xi1> to vector<16x4096xi1>
      %broadcast_in_dim3A_209 = vector.shape_cast %get3A_206 : vector<16x1xf32> to vector<16x1xf32>
      %broadcast_in_dim3A_210 = vector.broadcast %broadcast_in_dim3A_209 : vector<16x1xf32> to vector<16x4096xf32>
      %select_n3A_211 = arith.select %broadcast_in_dim3A_208, %broadcast_in_dim3A_210, %select_n3A_200 : vector<16x4096xi1>, vector<16x4096xf32>
      %eq3A_212 = arith.constant 9 : i32
      %eq3A_213 = vector.broadcast %eq3A_212 : i32 to vector<1x4096xi32>
      %eq3A_214 = arith.cmpi eq, %add3A_111, %eq3A_213 : vector<1x4096xi32>
      %get3A_215 = arith.constant 0 : index
      %get3A_216 = arith.constant 9 : index
      %get3A_217 = vector.load %arg2[%get3A_215, %get3A_216] : memref<16x32xf32, #tpu.memory_space<vmem>>, vector<16x1xf32>
      %broadcast_in_dim3A_218 = vector.shape_cast %eq3A_214 : vector<1x4096xi1> to vector<1x4096xi1>
      %broadcast_in_dim3A_219 = vector.broadcast %broadcast_in_dim3A_218 : vector<1x4096xi1> to vector<16x4096xi1>
      %broadcast_in_dim3A_220 = vector.shape_cast %get3A_217 : vector<16x1xf32> to vector<16x1xf32>
      %broadcast_in_dim3A_221 = vector.broadcast %broadcast_in_dim3A_220 : vector<16x1xf32> to vector<16x4096xf32>
      %select_n3A_222 = arith.select %broadcast_in_dim3A_219, %broadcast_in_dim3A_221, %select_n3A_211 : vector<16x4096xi1>, vector<16x4096xf32>
      %eq3A_223 = arith.constant 10 : i32
      %eq3A_224 = vector.broadcast %eq3A_223 : i32 to vector<1x4096xi32>
      %eq3A_225 = arith.cmpi eq, %add3A_111, %eq3A_224 : vector<1x4096xi32>
      %get3A_226 = arith.constant 0 : index
      %get3A_227 = arith.constant 10 : index
      %get3A_228 = vector.load %arg2[%get3A_226, %get3A_227] : memref<16x32xf32, #tpu.memory_space<vmem>>, vector<16x1xf32>
      %broadcast_in_dim3A_229 = vector.shape_cast %eq3A_225 : vector<1x4096xi1> to vector<1x4096xi1>
      %broadcast_in_dim3A_230 = vector.broadcast %broadcast_in_dim3A_229 : vector<1x4096xi1> to vector<16x4096xi1>
      %broadcast_in_dim3A_231 = vector.shape_cast %get3A_228 : vector<16x1xf32> to vector<16x1xf32>
      %broadcast_in_dim3A_232 = vector.broadcast %broadcast_in_dim3A_231 : vector<16x1xf32> to vector<16x4096xf32>
      %select_n3A_233 = arith.select %broadcast_in_dim3A_230, %broadcast_in_dim3A_232, %select_n3A_222 : vector<16x4096xi1>, vector<16x4096xf32>
      %eq3A_234 = arith.constant 11 : i32
      %eq3A_235 = vector.broadcast %eq3A_234 : i32 to vector<1x4096xi32>
      %eq3A_236 = arith.cmpi eq, %add3A_111, %eq3A_235 : vector<1x4096xi32>
      %get3A_237 = arith.constant 0 : index
      %get3A_238 = arith.constant 11 : index
      %get3A_239 = vector.load %arg2[%get3A_237, %get3A_238] : memref<16x32xf32, #tpu.memory_space<vmem>>, vector<16x1xf32>
      %broadcast_in_dim3A_240 = vector.shape_cast %eq3A_236 : vector<1x4096xi1> to vector<1x4096xi1>
      %broadcast_in_dim3A_241 = vector.broadcast %broadcast_in_dim3A_240 : vector<1x4096xi1> to vector<16x4096xi1>
      %broadcast_in_dim3A_242 = vector.shape_cast %get3A_239 : vector<16x1xf32> to vector<16x1xf32>
      %broadcast_in_dim3A_243 = vector.broadcast %broadcast_in_dim3A_242 : vector<16x1xf32> to vector<16x4096xf32>
      %select_n3A_244 = arith.select %broadcast_in_dim3A_241, %broadcast_in_dim3A_243, %select_n3A_233 : vector<16x4096xi1>, vector<16x4096xf32>
      %eq3A_245 = arith.constant 12 : i32
      %eq3A_246 = vector.broadcast %eq3A_245 : i32 to vector<1x4096xi32>
      %eq3A_247 = arith.cmpi eq, %add3A_111, %eq3A_246 : vector<1x4096xi32>
      %get3A_248 = arith.constant 0 : index
      %get3A_249 = arith.constant 12 : index
      %get3A_250 = vector.load %arg2[%get3A_248, %get3A_249] : memref<16x32xf32, #tpu.memory_space<vmem>>, vector<16x1xf32>
      %broadcast_in_dim3A_251 = vector.shape_cast %eq3A_247 : vector<1x4096xi1> to vector<1x4096xi1>
      %broadcast_in_dim3A_252 = vector.broadcast %broadcast_in_dim3A_251 : vector<1x4096xi1> to vector<16x4096xi1>
      %broadcast_in_dim3A_253 = vector.shape_cast %get3A_250 : vector<16x1xf32> to vector<16x1xf32>
      %broadcast_in_dim3A_254 = vector.broadcast %broadcast_in_dim3A_253 : vector<16x1xf32> to vector<16x4096xf32>
      %select_n3A_255 = arith.select %broadcast_in_dim3A_252, %broadcast_in_dim3A_254, %select_n3A_244 : vector<16x4096xi1>, vector<16x4096xf32>
      %eq3A_256 = arith.constant 13 : i32
      %eq3A_257 = vector.broadcast %eq3A_256 : i32 to vector<1x4096xi32>
      %eq3A_258 = arith.cmpi eq, %add3A_111, %eq3A_257 : vector<1x4096xi32>
      %get3A_259 = arith.constant 0 : index
      %get3A_260 = arith.constant 13 : index
      %get3A_261 = vector.load %arg2[%get3A_259, %get3A_260] : memref<16x32xf32, #tpu.memory_space<vmem>>, vector<16x1xf32>
      %broadcast_in_dim3A_262 = vector.shape_cast %eq3A_258 : vector<1x4096xi1> to vector<1x4096xi1>
      %broadcast_in_dim3A_263 = vector.broadcast %broadcast_in_dim3A_262 : vector<1x4096xi1> to vector<16x4096xi1>
      %broadcast_in_dim3A_264 = vector.shape_cast %get3A_261 : vector<16x1xf32> to vector<16x1xf32>
      %broadcast_in_dim3A_265 = vector.broadcast %broadcast_in_dim3A_264 : vector<16x1xf32> to vector<16x4096xf32>
      %select_n3A_266 = arith.select %broadcast_in_dim3A_263, %broadcast_in_dim3A_265, %select_n3A_255 : vector<16x4096xi1>, vector<16x4096xf32>
      %eq3A_267 = arith.constant 14 : i32
      %eq3A_268 = vector.broadcast %eq3A_267 : i32 to vector<1x4096xi32>
      %eq3A_269 = arith.cmpi eq, %add3A_111, %eq3A_268 : vector<1x4096xi32>
      %get3A_270 = arith.constant 0 : index
      %get3A_271 = arith.constant 14 : index
      %get3A_272 = vector.load %arg2[%get3A_270, %get3A_271] : memref<16x32xf32, #tpu.memory_space<vmem>>, vector<16x1xf32>
      %broadcast_in_dim3A_273 = vector.shape_cast %eq3A_269 : vector<1x4096xi1> to vector<1x4096xi1>
      %broadcast_in_dim3A_274 = vector.broadcast %broadcast_in_dim3A_273 : vector<1x4096xi1> to vector<16x4096xi1>
      %broadcast_in_dim3A_275 = vector.shape_cast %get3A_272 : vector<16x1xf32> to vector<16x1xf32>
      %broadcast_in_dim3A_276 = vector.broadcast %broadcast_in_dim3A_275 : vector<16x1xf32> to vector<16x4096xf32>
      %select_n3A_277 = arith.select %broadcast_in_dim3A_274, %broadcast_in_dim3A_276, %select_n3A_266 : vector<16x4096xi1>, vector<16x4096xf32>
      %eq3A_278 = arith.constant 15 : i32
      %eq3A_279 = vector.broadcast %eq3A_278 : i32 to vector<1x4096xi32>
      %eq3A_280 = arith.cmpi eq, %add3A_111, %eq3A_279 : vector<1x4096xi32>
      %get3A_281 = arith.constant 0 : index
      %get3A_282 = arith.constant 15 : index
      %get3A_283 = vector.load %arg2[%get3A_281, %get3A_282] : memref<16x32xf32, #tpu.memory_space<vmem>>, vector<16x1xf32>
      %broadcast_in_dim3A_284 = vector.shape_cast %eq3A_280 : vector<1x4096xi1> to vector<1x4096xi1>
      %broadcast_in_dim3A_285 = vector.broadcast %broadcast_in_dim3A_284 : vector<1x4096xi1> to vector<16x4096xi1>
      %broadcast_in_dim3A_286 = vector.shape_cast %get3A_283 : vector<16x1xf32> to vector<16x1xf32>
      %broadcast_in_dim3A_287 = vector.broadcast %broadcast_in_dim3A_286 : vector<16x1xf32> to vector<16x4096xf32>
      %select_n3A_288 = arith.select %broadcast_in_dim3A_285, %broadcast_in_dim3A_287, %select_n3A_277 : vector<16x4096xi1>, vector<16x4096xf32>
      %eq3A_289 = arith.constant 16 : i32
      %eq3A_290 = vector.broadcast %eq3A_289 : i32 to vector<1x4096xi32>
      %eq3A_291 = arith.cmpi eq, %add3A_111, %eq3A_290 : vector<1x4096xi32>
      %get3A_292 = arith.constant 0 : index
      %get3A_293 = arith.constant 16 : index
      %get3A_294 = vector.load %arg2[%get3A_292, %get3A_293] : memref<16x32xf32, #tpu.memory_space<vmem>>, vector<16x1xf32>
      %broadcast_in_dim3A_295 = vector.shape_cast %eq3A_291 : vector<1x4096xi1> to vector<1x4096xi1>
      %broadcast_in_dim3A_296 = vector.broadcast %broadcast_in_dim3A_295 : vector<1x4096xi1> to vector<16x4096xi1>
      %broadcast_in_dim3A_297 = vector.shape_cast %get3A_294 : vector<16x1xf32> to vector<16x1xf32>
      %broadcast_in_dim3A_298 = vector.broadcast %broadcast_in_dim3A_297 : vector<16x1xf32> to vector<16x4096xf32>
      %select_n3A_299 = arith.select %broadcast_in_dim3A_296, %broadcast_in_dim3A_298, %select_n3A_288 : vector<16x4096xi1>, vector<16x4096xf32>
      %eq3A_300 = arith.constant 17 : i32
      %eq3A_301 = vector.broadcast %eq3A_300 : i32 to vector<1x4096xi32>
      %eq3A_302 = arith.cmpi eq, %add3A_111, %eq3A_301 : vector<1x4096xi32>
      %get3A_303 = arith.constant 0 : index
      %get3A_304 = arith.constant 17 : index
      %get3A_305 = vector.load %arg2[%get3A_303, %get3A_304] : memref<16x32xf32, #tpu.memory_space<vmem>>, vector<16x1xf32>
      %broadcast_in_dim3A_306 = vector.shape_cast %eq3A_302 : vector<1x4096xi1> to vector<1x4096xi1>
      %broadcast_in_dim3A_307 = vector.broadcast %broadcast_in_dim3A_306 : vector<1x4096xi1> to vector<16x4096xi1>
      %broadcast_in_dim3A_308 = vector.shape_cast %get3A_305 : vector<16x1xf32> to vector<16x1xf32>
      %broadcast_in_dim3A_309 = vector.broadcast %broadcast_in_dim3A_308 : vector<16x1xf32> to vector<16x4096xf32>
      %select_n3A_310 = arith.select %broadcast_in_dim3A_307, %broadcast_in_dim3A_309, %select_n3A_299 : vector<16x4096xi1>, vector<16x4096xf32>
      %eq3A_311 = arith.constant 18 : i32
      %eq3A_312 = vector.broadcast %eq3A_311 : i32 to vector<1x4096xi32>
      %eq3A_313 = arith.cmpi eq, %add3A_111, %eq3A_312 : vector<1x4096xi32>
      %get3A_314 = arith.constant 0 : index
      %get3A_315 = arith.constant 18 : index
      %get3A_316 = vector.load %arg2[%get3A_314, %get3A_315] : memref<16x32xf32, #tpu.memory_space<vmem>>, vector<16x1xf32>
      %broadcast_in_dim3A_317 = vector.shape_cast %eq3A_313 : vector<1x4096xi1> to vector<1x4096xi1>
      %broadcast_in_dim3A_318 = vector.broadcast %broadcast_in_dim3A_317 : vector<1x4096xi1> to vector<16x4096xi1>
      %broadcast_in_dim3A_319 = vector.shape_cast %get3A_316 : vector<16x1xf32> to vector<16x1xf32>
      %broadcast_in_dim3A_320 = vector.broadcast %broadcast_in_dim3A_319 : vector<16x1xf32> to vector<16x4096xf32>
      %select_n3A_321 = arith.select %broadcast_in_dim3A_318, %broadcast_in_dim3A_320, %select_n3A_310 : vector<16x4096xi1>, vector<16x4096xf32>
      %eq3A_322 = arith.constant 19 : i32
      %eq3A_323 = vector.broadcast %eq3A_322 : i32 to vector<1x4096xi32>
      %eq3A_324 = arith.cmpi eq, %add3A_111, %eq3A_323 : vector<1x4096xi32>
      %get3A_325 = arith.constant 0 : index
      %get3A_326 = arith.constant 19 : index
      %get3A_327 = vector.load %arg2[%get3A_325, %get3A_326] : memref<16x32xf32, #tpu.memory_space<vmem>>, vector<16x1xf32>
      %broadcast_in_dim3A_328 = vector.shape_cast %eq3A_324 : vector<1x4096xi1> to vector<1x4096xi1>
      %broadcast_in_dim3A_329 = vector.broadcast %broadcast_in_dim3A_328 : vector<1x4096xi1> to vector<16x4096xi1>
      %broadcast_in_dim3A_330 = vector.shape_cast %get3A_327 : vector<16x1xf32> to vector<16x1xf32>
      %broadcast_in_dim3A_331 = vector.broadcast %broadcast_in_dim3A_330 : vector<16x1xf32> to vector<16x4096xf32>
      %select_n3A_332 = arith.select %broadcast_in_dim3A_329, %broadcast_in_dim3A_331, %select_n3A_321 : vector<16x4096xi1>, vector<16x4096xf32>
      %eq3A_333 = arith.constant 20 : i32
      %eq3A_334 = vector.broadcast %eq3A_333 : i32 to vector<1x4096xi32>
      %eq3A_335 = arith.cmpi eq, %add3A_111, %eq3A_334 : vector<1x4096xi32>
      %get3A_336 = arith.constant 0 : index
      %get3A_337 = arith.constant 20 : index
      %get3A_338 = vector.load %arg2[%get3A_336, %get3A_337] : memref<16x32xf32, #tpu.memory_space<vmem>>, vector<16x1xf32>
      %broadcast_in_dim3A_339 = vector.shape_cast %eq3A_335 : vector<1x4096xi1> to vector<1x4096xi1>
      %broadcast_in_dim3A_340 = vector.broadcast %broadcast_in_dim3A_339 : vector<1x4096xi1> to vector<16x4096xi1>
      %broadcast_in_dim3A_341 = vector.shape_cast %get3A_338 : vector<16x1xf32> to vector<16x1xf32>
      %broadcast_in_dim3A_342 = vector.broadcast %broadcast_in_dim3A_341 : vector<16x1xf32> to vector<16x4096xf32>
      %select_n3A_343 = arith.select %broadcast_in_dim3A_340, %broadcast_in_dim3A_342, %select_n3A_332 : vector<16x4096xi1>, vector<16x4096xf32>
      %eq3A_344 = arith.constant 21 : i32
      %eq3A_345 = vector.broadcast %eq3A_344 : i32 to vector<1x4096xi32>
      %eq3A_346 = arith.cmpi eq, %add3A_111, %eq3A_345 : vector<1x4096xi32>
      %get3A_347 = arith.constant 0 : index
      %get3A_348 = arith.constant 21 : index
      %get3A_349 = vector.load %arg2[%get3A_347, %get3A_348] : memref<16x32xf32, #tpu.memory_space<vmem>>, vector<16x1xf32>
      %broadcast_in_dim3A_350 = vector.shape_cast %eq3A_346 : vector<1x4096xi1> to vector<1x4096xi1>
      %broadcast_in_dim3A_351 = vector.broadcast %broadcast_in_dim3A_350 : vector<1x4096xi1> to vector<16x4096xi1>
      %broadcast_in_dim3A_352 = vector.shape_cast %get3A_349 : vector<16x1xf32> to vector<16x1xf32>
      %broadcast_in_dim3A_353 = vector.broadcast %broadcast_in_dim3A_352 : vector<16x1xf32> to vector<16x4096xf32>
      %select_n3A_354 = arith.select %broadcast_in_dim3A_351, %broadcast_in_dim3A_353, %select_n3A_343 : vector<16x4096xi1>, vector<16x4096xf32>
      %eq3A_355 = arith.constant 22 : i32
      %eq3A_356 = vector.broadcast %eq3A_355 : i32 to vector<1x4096xi32>
      %eq3A_357 = arith.cmpi eq, %add3A_111, %eq3A_356 : vector<1x4096xi32>
      %get3A_358 = arith.constant 0 : index
      %get3A_359 = arith.constant 22 : index
      %get3A_360 = vector.load %arg2[%get3A_358, %get3A_359] : memref<16x32xf32, #tpu.memory_space<vmem>>, vector<16x1xf32>
      %broadcast_in_dim3A_361 = vector.shape_cast %eq3A_357 : vector<1x4096xi1> to vector<1x4096xi1>
      %broadcast_in_dim3A_362 = vector.broadcast %broadcast_in_dim3A_361 : vector<1x4096xi1> to vector<16x4096xi1>
      %broadcast_in_dim3A_363 = vector.shape_cast %get3A_360 : vector<16x1xf32> to vector<16x1xf32>
      %broadcast_in_dim3A_364 = vector.broadcast %broadcast_in_dim3A_363 : vector<16x1xf32> to vector<16x4096xf32>
      %select_n3A_365 = arith.select %broadcast_in_dim3A_362, %broadcast_in_dim3A_364, %select_n3A_354 : vector<16x4096xi1>, vector<16x4096xf32>
      %eq3A_366 = arith.constant 23 : i32
      %eq3A_367 = vector.broadcast %eq3A_366 : i32 to vector<1x4096xi32>
      %eq3A_368 = arith.cmpi eq, %add3A_111, %eq3A_367 : vector<1x4096xi32>
      %get3A_369 = arith.constant 0 : index
      %get3A_370 = arith.constant 23 : index
      %get3A_371 = vector.load %arg2[%get3A_369, %get3A_370] : memref<16x32xf32, #tpu.memory_space<vmem>>, vector<16x1xf32>
      %broadcast_in_dim3A_372 = vector.shape_cast %eq3A_368 : vector<1x4096xi1> to vector<1x4096xi1>
      %broadcast_in_dim3A_373 = vector.broadcast %broadcast_in_dim3A_372 : vector<1x4096xi1> to vector<16x4096xi1>
      %broadcast_in_dim3A_374 = vector.shape_cast %get3A_371 : vector<16x1xf32> to vector<16x1xf32>
      %broadcast_in_dim3A_375 = vector.broadcast %broadcast_in_dim3A_374 : vector<16x1xf32> to vector<16x4096xf32>
      %select_n3A_376 = arith.select %broadcast_in_dim3A_373, %broadcast_in_dim3A_375, %select_n3A_365 : vector<16x4096xi1>, vector<16x4096xf32>
      %eq3A_377 = arith.constant 24 : i32
      %eq3A_378 = vector.broadcast %eq3A_377 : i32 to vector<1x4096xi32>
      %eq3A_379 = arith.cmpi eq, %add3A_111, %eq3A_378 : vector<1x4096xi32>
      %get3A_380 = arith.constant 0 : index
      %get3A_381 = arith.constant 24 : index
      %get3A_382 = vector.load %arg2[%get3A_380, %get3A_381] : memref<16x32xf32, #tpu.memory_space<vmem>>, vector<16x1xf32>
      %broadcast_in_dim3A_383 = vector.shape_cast %eq3A_379 : vector<1x4096xi1> to vector<1x4096xi1>
      %broadcast_in_dim3A_384 = vector.broadcast %broadcast_in_dim3A_383 : vector<1x4096xi1> to vector<16x4096xi1>
      %broadcast_in_dim3A_385 = vector.shape_cast %get3A_382 : vector<16x1xf32> to vector<16x1xf32>
      %broadcast_in_dim3A_386 = vector.broadcast %broadcast_in_dim3A_385 : vector<16x1xf32> to vector<16x4096xf32>
      %select_n3A_387 = arith.select %broadcast_in_dim3A_384, %broadcast_in_dim3A_386, %select_n3A_376 : vector<16x4096xi1>, vector<16x4096xf32>
      %eq3A_388 = arith.constant 25 : i32
      %eq3A_389 = vector.broadcast %eq3A_388 : i32 to vector<1x4096xi32>
      %eq3A_390 = arith.cmpi eq, %add3A_111, %eq3A_389 : vector<1x4096xi32>
      %get3A_391 = arith.constant 0 : index
      %get3A_392 = arith.constant 25 : index
      %get3A_393 = vector.load %arg2[%get3A_391, %get3A_392] : memref<16x32xf32, #tpu.memory_space<vmem>>, vector<16x1xf32>
      %broadcast_in_dim3A_394 = vector.shape_cast %eq3A_390 : vector<1x4096xi1> to vector<1x4096xi1>
      %broadcast_in_dim3A_395 = vector.broadcast %broadcast_in_dim3A_394 : vector<1x4096xi1> to vector<16x4096xi1>
      %broadcast_in_dim3A_396 = vector.shape_cast %get3A_393 : vector<16x1xf32> to vector<16x1xf32>
      %broadcast_in_dim3A_397 = vector.broadcast %broadcast_in_dim3A_396 : vector<16x1xf32> to vector<16x4096xf32>
      %select_n3A_398 = arith.select %broadcast_in_dim3A_395, %broadcast_in_dim3A_397, %select_n3A_387 : vector<16x4096xi1>, vector<16x4096xf32>
      %eq3A_399 = arith.constant 26 : i32
      %eq3A_400 = vector.broadcast %eq3A_399 : i32 to vector<1x4096xi32>
      %eq3A_401 = arith.cmpi eq, %add3A_111, %eq3A_400 : vector<1x4096xi32>
      %get3A_402 = arith.constant 0 : index
      %get3A_403 = arith.constant 26 : index
      %get3A_404 = vector.load %arg2[%get3A_402, %get3A_403] : memref<16x32xf32, #tpu.memory_space<vmem>>, vector<16x1xf32>
      %broadcast_in_dim3A_405 = vector.shape_cast %eq3A_401 : vector<1x4096xi1> to vector<1x4096xi1>
      %broadcast_in_dim3A_406 = vector.broadcast %broadcast_in_dim3A_405 : vector<1x4096xi1> to vector<16x4096xi1>
      %broadcast_in_dim3A_407 = vector.shape_cast %get3A_404 : vector<16x1xf32> to vector<16x1xf32>
      %broadcast_in_dim3A_408 = vector.broadcast %broadcast_in_dim3A_407 : vector<16x1xf32> to vector<16x4096xf32>
      %select_n3A_409 = arith.select %broadcast_in_dim3A_406, %broadcast_in_dim3A_408, %select_n3A_398 : vector<16x4096xi1>, vector<16x4096xf32>
      %eq3A_410 = arith.constant 27 : i32
      %eq3A_411 = vector.broadcast %eq3A_410 : i32 to vector<1x4096xi32>
      %eq3A_412 = arith.cmpi eq, %add3A_111, %eq3A_411 : vector<1x4096xi32>
      %get3A_413 = arith.constant 0 : index
      %get3A_414 = arith.constant 27 : index
      %get3A_415 = vector.load %arg2[%get3A_413, %get3A_414] : memref<16x32xf32, #tpu.memory_space<vmem>>, vector<16x1xf32>
      %broadcast_in_dim3A_416 = vector.shape_cast %eq3A_412 : vector<1x4096xi1> to vector<1x4096xi1>
      %broadcast_in_dim3A_417 = vector.broadcast %broadcast_in_dim3A_416 : vector<1x4096xi1> to vector<16x4096xi1>
      %broadcast_in_dim3A_418 = vector.shape_cast %get3A_415 : vector<16x1xf32> to vector<16x1xf32>
      %broadcast_in_dim3A_419 = vector.broadcast %broadcast_in_dim3A_418 : vector<16x1xf32> to vector<16x4096xf32>
      %select_n3A_420 = arith.select %broadcast_in_dim3A_417, %broadcast_in_dim3A_419, %select_n3A_409 : vector<16x4096xi1>, vector<16x4096xf32>
      %eq3A_421 = arith.constant 28 : i32
      %eq3A_422 = vector.broadcast %eq3A_421 : i32 to vector<1x4096xi32>
      %eq3A_423 = arith.cmpi eq, %add3A_111, %eq3A_422 : vector<1x4096xi32>
      %get3A_424 = arith.constant 0 : index
      %get3A_425 = arith.constant 28 : index
      %get3A_426 = vector.load %arg2[%get3A_424, %get3A_425] : memref<16x32xf32, #tpu.memory_space<vmem>>, vector<16x1xf32>
      %broadcast_in_dim3A_427 = vector.shape_cast %eq3A_423 : vector<1x4096xi1> to vector<1x4096xi1>
      %broadcast_in_dim3A_428 = vector.broadcast %broadcast_in_dim3A_427 : vector<1x4096xi1> to vector<16x4096xi1>
      %broadcast_in_dim3A_429 = vector.shape_cast %get3A_426 : vector<16x1xf32> to vector<16x1xf32>
      %broadcast_in_dim3A_430 = vector.broadcast %broadcast_in_dim3A_429 : vector<16x1xf32> to vector<16x4096xf32>
      %select_n3A_431 = arith.select %broadcast_in_dim3A_428, %broadcast_in_dim3A_430, %select_n3A_420 : vector<16x4096xi1>, vector<16x4096xf32>
      %eq3A_432 = arith.constant 29 : i32
      %eq3A_433 = vector.broadcast %eq3A_432 : i32 to vector<1x4096xi32>
      %eq3A_434 = arith.cmpi eq, %add3A_111, %eq3A_433 : vector<1x4096xi32>
      %get3A_435 = arith.constant 0 : index
      %get3A_436 = arith.constant 29 : index
      %get3A_437 = vector.load %arg2[%get3A_435, %get3A_436] : memref<16x32xf32, #tpu.memory_space<vmem>>, vector<16x1xf32>
      %broadcast_in_dim3A_438 = vector.shape_cast %eq3A_434 : vector<1x4096xi1> to vector<1x4096xi1>
      %broadcast_in_dim3A_439 = vector.broadcast %broadcast_in_dim3A_438 : vector<1x4096xi1> to vector<16x4096xi1>
      %broadcast_in_dim3A_440 = vector.shape_cast %get3A_437 : vector<16x1xf32> to vector<16x1xf32>
      %broadcast_in_dim3A_441 = vector.broadcast %broadcast_in_dim3A_440 : vector<16x1xf32> to vector<16x4096xf32>
      %select_n3A_442 = arith.select %broadcast_in_dim3A_439, %broadcast_in_dim3A_441, %select_n3A_431 : vector<16x4096xi1>, vector<16x4096xf32>
      %eq3A_443 = arith.constant 30 : i32
      %eq3A_444 = vector.broadcast %eq3A_443 : i32 to vector<1x4096xi32>
      %eq3A_445 = arith.cmpi eq, %add3A_111, %eq3A_444 : vector<1x4096xi32>
      %get3A_446 = arith.constant 0 : index
      %get3A_447 = arith.constant 30 : index
      %get3A_448 = vector.load %arg2[%get3A_446, %get3A_447] : memref<16x32xf32, #tpu.memory_space<vmem>>, vector<16x1xf32>
      %broadcast_in_dim3A_449 = vector.shape_cast %eq3A_445 : vector<1x4096xi1> to vector<1x4096xi1>
      %broadcast_in_dim3A_450 = vector.broadcast %broadcast_in_dim3A_449 : vector<1x4096xi1> to vector<16x4096xi1>
      %broadcast_in_dim3A_451 = vector.shape_cast %get3A_448 : vector<16x1xf32> to vector<16x1xf32>
      %broadcast_in_dim3A_452 = vector.broadcast %broadcast_in_dim3A_451 : vector<16x1xf32> to vector<16x4096xf32>
      %select_n3A_453 = arith.select %broadcast_in_dim3A_450, %broadcast_in_dim3A_452, %select_n3A_442 : vector<16x4096xi1>, vector<16x4096xf32>
      %eq3A_454 = arith.constant 31 : i32
      %eq3A_455 = vector.broadcast %eq3A_454 : i32 to vector<1x4096xi32>
      %eq3A_456 = arith.cmpi eq, %add3A_111, %eq3A_455 : vector<1x4096xi32>
      %get3A_457 = arith.constant 0 : index
      %get3A_458 = arith.constant 31 : index
      %get3A_459 = vector.load %arg2[%get3A_457, %get3A_458] : memref<16x32xf32, #tpu.memory_space<vmem>>, vector<16x1xf32>
      %broadcast_in_dim3A_460 = vector.shape_cast %eq3A_456 : vector<1x4096xi1> to vector<1x4096xi1>
      %broadcast_in_dim3A_461 = vector.broadcast %broadcast_in_dim3A_460 : vector<1x4096xi1> to vector<16x4096xi1>
      %broadcast_in_dim3A_462 = vector.shape_cast %get3A_459 : vector<16x1xf32> to vector<16x1xf32>
      %broadcast_in_dim3A_463 = vector.broadcast %broadcast_in_dim3A_462 : vector<16x1xf32> to vector<16x4096xf32>
      %select_n3A_464 = arith.select %broadcast_in_dim3A_461, %broadcast_in_dim3A_463, %select_n3A_453 : vector<16x4096xi1>, vector<16x4096xf32>
      %swap3A = arith.constant 0 : index
      %swap3A_465 = arith.constant 0 : index
      %swap3A_466 = vector.load %arg4[%swap3A, %swap3A_465] : memref<16x4096xf32, #tpu.memory_space<vmem>>, vector<16x4096xf32>
      tpu.vector_store %arg4[%swap3A, %swap3A_465], %select_n3A_464 {strides = array<i32>} : memref<16x4096xf32, #tpu.memory_space<vmem>>, vector<16x4096xf32>,
    } else {
    }
    %eq3A_8 = arith.constant 0 : i32
    %eq3A_9 = arith.cmpi eq, %arg1, %eq3A_8 : i32
    %convert_element_type3A_10 = arith.extui %eq3A_9 : i1 to i32
    %cond3A_11 = arith.constant 0 : i32
    %cond3A_12 = arith.cmpi ne, %convert_element_type3A_10, %cond3A_11 : i32
    scf.if %cond3A_12 {
      %get3A = arith.index_cast %add3A_0 : i32 to index
      %get3A_36 = arith.constant 0 : index
      %get3A_37 = vector.load %arg4[%get3A, %get3A_36] : memref<16x4096xf32, #tpu.memory_space<vmem>>, vector<1x4096xf32>
      %get3A_38 = vector.shape_cast %get3A_37 : vector<1x4096xf32> to vector<4096xf32>
      %swap3A = arith.constant 0 : index
      %swap3A_39 = arith.constant 0 : index
      %swap3A_40 = vector.load %arg5[%swap3A, %swap3A_39] : memref<8x4352xf32, #tpu.memory_space<vmem>>, vector<1x4096xf32>
      %swap3A_41 = vector.shape_cast %swap3A_40 : vector<1x4096xf32> to vector<4096xf32>
      %swap3A_42 = vector.shape_cast %get3A_38 : vector<4096xf32> to vector<1x4096xf32>
      tpu.vector_store %arg5[%swap3A, %swap3A_39], %swap3A_42 {strides = array<i32>} : memref<8x4352xf32, #tpu.memory_space<vmem>>, vector<1x4096xf32>,
      %get3A_43 = arith.index_cast %add3A_0 : i32 to index
      %get3A_44 = arith.constant 0 : index
      %get3A_45 = vector.load %arg4[%get3A_43, %get3A_44] : memref<16x4096xf32, #tpu.memory_space<vmem>>, vector<1x4096xf32>
      %get3A_46 = vector.shape_cast %get3A_45 : vector<1x4096xf32> to vector<4096xf32>
      %swap3A_47 = arith.constant 1 : index
      %swap3A_48 = arith.constant 1 : index
      %swap3A_49 = vector.load %arg5[%swap3A_47, %swap3A_48] : memref<8x4352xf32, #tpu.memory_space<vmem>>, vector<1x4096xf32>
      %swap3A_50 = vector.shape_cast %swap3A_49 : vector<1x4096xf32> to vector<4096xf32>
      %swap3A_51 = vector.shape_cast %get3A_46 : vector<4096xf32> to vector<1x4096xf32>
      tpu.vector_store %arg5[%swap3A_47, %swap3A_48], %swap3A_51 {strides = array<i32>} : memref<8x4352xf32, #tpu.memory_space<vmem>>, vector<1x4096xf32>,
      %get3A_52 = arith.index_cast %add3A_0 : i32 to index
      %get3A_53 = arith.constant 0 : index
      %get3A_54 = vector.load %arg4[%get3A_52, %get3A_53] : memref<16x4096xf32, #tpu.memory_space<vmem>>, vector<1x4096xf32>
      %get3A_55 = vector.shape_cast %get3A_54 : vector<1x4096xf32> to vector<4096xf32>
      %swap3A_56 = arith.constant 2 : index
      %swap3A_57 = arith.constant 2 : index
      %swap3A_58 = vector.load %arg5[%swap3A_56, %swap3A_57] : memref<8x4352xf32, #tpu.memory_space<vmem>>, vector<1x4096xf32>
      %swap3A_59 = vector.shape_cast %swap3A_58 : vector<1x4096xf32> to vector<4096xf32>
      %swap3A_60 = vector.shape_cast %get3A_55 : vector<4096xf32> to vector<1x4096xf32>
      tpu.vector_store %arg5[%swap3A_56, %swap3A_57], %swap3A_60 {strides = array<i32>} : memref<8x4352xf32, #tpu.memory_space<vmem>>, vector<1x4096xf32>,
      %get3A_61 = arith.index_cast %add3A_0 : i32 to index
      %get3A_62 = arith.constant 0 : index
      %get3A_63 = vector.load %arg4[%get3A_61, %get3A_62] : memref<16x4096xf32, #tpu.memory_space<vmem>>, vector<1x4096xf32>
      %get3A_64 = vector.shape_cast %get3A_63 : vector<1x4096xf32> to vector<4096xf32>
      %swap3A_65 = arith.constant 3 : index
      %swap3A_66 = arith.constant 3 : index
      %swap3A_67 = vector.load %arg5[%swap3A_65, %swap3A_66] : memref<8x4352xf32, #tpu.memory_space<vmem>>, vector<1x4096xf32>
      %swap3A_68 = vector.shape_cast %swap3A_67 : vector<1x4096xf32> to vector<4096xf32>
      %swap3A_69 = vector.shape_cast %get3A_64 : vector<4096xf32> to vector<1x4096xf32>
      tpu.vector_store %arg5[%swap3A_65, %swap3A_66], %swap3A_69 {strides = array<i32>} : memref<8x4352xf32, #tpu.memory_space<vmem>>, vector<1x4096xf32>,
      %get3A_70 = arith.index_cast %add3A_0 : i32 to index
      %get3A_71 = arith.constant 0 : index
      %get3A_72 = vector.load %arg4[%get3A_70, %get3A_71] : memref<16x4096xf32, #tpu.memory_space<vmem>>, vector<1x4096xf32>
      %get3A_73 = vector.shape_cast %get3A_72 : vector<1x4096xf32> to vector<4096xf32>
      %swap3A_74 = arith.constant 4 : index
      %swap3A_75 = arith.constant 4 : index
      %swap3A_76 = vector.load %arg5[%swap3A_74, %swap3A_75] : memref<8x4352xf32, #tpu.memory_space<vmem>>, vector<1x4096xf32>
      %swap3A_77 = vector.shape_cast %swap3A_76 : vector<1x4096xf32> to vector<4096xf32>
      %swap3A_78 = vector.shape_cast %get3A_73 : vector<4096xf32> to vector<1x4096xf32>
      tpu.vector_store %arg5[%swap3A_74, %swap3A_75], %swap3A_78 {strides = array<i32>} : memref<8x4352xf32, #tpu.memory_space<vmem>>, vector<1x4096xf32>,
      %get3A_79 = arith.index_cast %add3A_0 : i32 to index
      %get3A_80 = arith.constant 0 : index
      %get3A_81 = vector.load %arg4[%get3A_79, %get3A_80] : memref<16x4096xf32, #tpu.memory_space<vmem>>, vector<1x4096xf32>
      %get3A_82 = vector.shape_cast %get3A_81 : vector<1x4096xf32> to vector<4096xf32>
      %swap3A_83 = arith.constant 5 : index
      %swap3A_84 = arith.constant 5 : index
      %swap3A_85 = vector.load %arg5[%swap3A_83, %swap3A_84] : memref<8x4352xf32, #tpu.memory_space<vmem>>, vector<1x4096xf32>
      %swap3A_86 = vector.shape_cast %swap3A_85 : vector<1x4096xf32> to vector<4096xf32>
      %swap3A_87 = vector.shape_cast %get3A_82 : vector<4096xf32> to vector<1x4096xf32>
      tpu.vector_store %arg5[%swap3A_83, %swap3A_84], %swap3A_87 {strides = array<i32>} : memref<8x4352xf32, #tpu.memory_space<vmem>>, vector<1x4096xf32>,
      %get3A_88 = arith.index_cast %add3A_0 : i32 to index
      %get3A_89 = arith.constant 0 : index
      %get3A_90 = vector.load %arg4[%get3A_88, %get3A_89] : memref<16x4096xf32, #tpu.memory_space<vmem>>, vector<1x4096xf32>
      %get3A_91 = vector.shape_cast %get3A_90 : vector<1x4096xf32> to vector<4096xf32>
      %swap3A_92 = arith.constant 6 : index
      %swap3A_93 = arith.constant 6 : index
      %swap3A_94 = vector.load %arg5[%swap3A_92, %swap3A_93] : memref<8x4352xf32, #tpu.memory_space<vmem>>, vector<1x4096xf32>
      %swap3A_95 = vector.shape_cast %swap3A_94 : vector<1x4096xf32> to vector<4096xf32>
      %swap3A_96 = vector.shape_cast %get3A_91 : vector<4096xf32> to vector<1x4096xf32>
      tpu.vector_store %arg5[%swap3A_92, %swap3A_93], %swap3A_96 {strides = array<i32>} : memref<8x4352xf32, #tpu.memory_space<vmem>>, vector<1x4096xf32>,
      %get3A_97 = arith.index_cast %add3A_0 : i32 to index
      %get3A_98 = arith.constant 0 : index
      %get3A_99 = vector.load %arg4[%get3A_97, %get3A_98] : memref<16x4096xf32, #tpu.memory_space<vmem>>, vector<1x4096xf32>
      %get3A_100 = vector.shape_cast %get3A_99 : vector<1x4096xf32> to vector<4096xf32>
      %swap3A_101 = arith.constant 7 : index
      %swap3A_102 = arith.constant 7 : index
      %swap3A_103 = vector.load %arg5[%swap3A_101, %swap3A_102] : memref<8x4352xf32, #tpu.memory_space<vmem>>, vector<1x4096xf32>
      %swap3A_104 = vector.shape_cast %swap3A_103 : vector<1x4096xf32> to vector<4096xf32>
      %swap3A_105 = vector.shape_cast %get3A_100 : vector<4096xf32> to vector<1x4096xf32>
      tpu.vector_store %arg5[%swap3A_101, %swap3A_102], %swap3A_105 {strides = array<i32>} : memref<8x4352xf32, #tpu.memory_space<vmem>>, vector<1x4096xf32>,
      %get3A_106 = arith.constant 0 : index
      %get3A_107 = arith.constant 127 : index
      %get3A_108 = vector.load %arg5[%get3A_106, %get3A_107] : memref<8x4352xf32, #tpu.memory_space<vmem>>, vector<8x4096xf32>
      %swap3A_109 = arith.index_cast %rem3A_3 : i32 to index
      %swap3A_110 = arith.constant 0 : index
      %swap3A_111 = arith.constant 0 : index
      %swap3A_112 = vector.load %arg6[%swap3A_109, %swap3A_110, %swap3A_111] : memref<2x128x4096xf32, #tpu.memory_space<vmem>>, vector<1x8x4096xf32>
      %swap3A_113 = vector.shape_cast %swap3A_112 : vector<1x8x4096xf32> to vector<8x4096xf32>
      %swap3A_114 = vector.shape_cast %get3A_108 : vector<8x4096xf32> to vector<1x8x4096xf32>
      tpu.vector_store %arg6[%swap3A_109, %swap3A_110, %swap3A_111], %swap3A_114 {strides = array<i32>} : memref<2x128x4096xf32, #tpu.memory_space<vmem>>, vector<1x8x4096xf32>,
      %get3A_115 = arith.constant 0 : index
      %get3A_116 = arith.constant 119 : index
      %get3A_117 = vector.load %arg5[%get3A_115, %get3A_116] : memref<8x4352xf32, #tpu.memory_space<vmem>>, vector<8x4096xf32>
      %swap3A_118 = arith.index_cast %rem3A_3 : i32 to index
      %swap3A_119 = arith.constant 8 : index
      %swap3A_120 = arith.constant 0 : index
      %swap3A_121 = vector.load %arg6[%swap3A_118, %swap3A_119, %swap3A_120] : memref<2x128x4096xf32, #tpu.memory_space<vmem>>, vector<1x8x4096xf32>
      %swap3A_122 = vector.shape_cast %swap3A_121 : vector<1x8x4096xf32> to vector<8x4096xf32>
      %swap3A_123 = vector.shape_cast %get3A_117 : vector<8x4096xf32> to vector<1x8x4096xf32>
      tpu.vector_store %arg6[%swap3A_118, %swap3A_119, %swap3A_120], %swap3A_123 {strides = array<i32>} : memref<2x128x4096xf32, #tpu.memory_space<vmem>>, vector<1x8x4096xf32>,
      %get3A_124 = arith.constant 0 : index
      %get3A_125 = arith.constant 111 : index
      %get3A_126 = vector.load %arg5[%get3A_124, %get3A_125] : memref<8x4352xf32, #tpu.memory_space<vmem>>, vector<8x4096xf32>
      %swap3A_127 = arith.index_cast %rem3A_3 : i32 to index
      %swap3A_128 = arith.constant 16 : index
      %swap3A_129 = arith.constant 0 : index
      %swap3A_130 = vector.load %arg6[%swap3A_127, %swap3A_128, %swap3A_129] : memref<2x128x4096xf32, #tpu.memory_space<vmem>>, vector<1x8x4096xf32>
      %swap3A_131 = vector.shape_cast %swap3A_130 : vector<1x8x4096xf32> to vector<8x4096xf32>
      %swap3A_132 = vector.shape_cast %get3A_126 : vector<8x4096xf32> to vector<1x8x4096xf32>
      tpu.vector_store %arg6[%swap3A_127, %swap3A_128, %swap3A_129], %swap3A_132 {strides = array<i32>} : memref<2x128x4096xf32, #tpu.memory_space<vmem>>, vector<1x8x4096xf32>,
      %get3A_133 = arith.constant 0 : index
      %get3A_134 = arith.constant 103 : index
      %get3A_135 = vector.load %arg5[%get3A_133, %get3A_134] : memref<8x4352xf32, #tpu.memory_space<vmem>>, vector<8x4096xf32>
      %swap3A_136 = arith.index_cast %rem3A_3 : i32 to index
      %swap3A_137 = arith.constant 24 : index
      %swap3A_138 = arith.constant 0 : index
      %swap3A_139 = vector.load %arg6[%swap3A_136, %swap3A_137, %swap3A_138] : memref<2x128x4096xf32, #tpu.memory_space<vmem>>, vector<1x8x4096xf32>
      %swap3A_140 = vector.shape_cast %swap3A_139 : vector<1x8x4096xf32> to vector<8x4096xf32>
      %swap3A_141 = vector.shape_cast %get3A_135 : vector<8x4096xf32> to vector<1x8x4096xf32>
      tpu.vector_store %arg6[%swap3A_136, %swap3A_137, %swap3A_138], %swap3A_141 {strides = array<i32>} : memref<2x128x4096xf32, #tpu.memory_space<vmem>>, vector<1x8x4096xf32>,
      %get3A_142 = arith.constant 0 : index
      %get3A_143 = arith.constant 95 : index
      %get3A_144 = vector.load %arg5[%get3A_142, %get3A_143] : memref<8x4352xf32, #tpu.memory_space<vmem>>, vector<8x4096xf32>
      %swap3A_145 = arith.index_cast %rem3A_3 : i32 to index
      %swap3A_146 = arith.constant 32 : index
      %swap3A_147 = arith.constant 0 : index
      %swap3A_148 = vector.load %arg6[%swap3A_145, %swap3A_146, %swap3A_147] : memref<2x128x4096xf32, #tpu.memory_space<vmem>>, vector<1x8x4096xf32>
      %swap3A_149 = vector.shape_cast %swap3A_148 : vector<1x8x4096xf32> to vector<8x4096xf32>
      %swap3A_150 = vector.shape_cast %get3A_144 : vector<8x4096xf32> to vector<1x8x4096xf32>
      tpu.vector_store %arg6[%swap3A_145, %swap3A_146, %swap3A_147], %swap3A_150 {strides = array<i32>} : memref<2x128x4096xf32, #tpu.memory_space<vmem>>, vector<1x8x4096xf32>,
      %get3A_151 = arith.constant 0 : index
      %get3A_152 = arith.constant 87 : index
      %get3A_153 = vector.load %arg5[%get3A_151, %get3A_152] : memref<8x4352xf32, #tpu.memory_space<vmem>>, vector<8x4096xf32>
      %swap3A_154 = arith.index_cast %rem3A_3 : i32 to index
      %swap3A_155 = arith.constant 40 : index
      %swap3A_156 = arith.constant 0 : index
      %swap3A_157 = vector.load %arg6[%swap3A_154, %swap3A_155, %swap3A_156] : memref<2x128x4096xf32, #tpu.memory_space<vmem>>, vector<1x8x4096xf32>
      %swap3A_158 = vector.shape_cast %swap3A_157 : vector<1x8x4096xf32> to vector<8x4096xf32>
      %swap3A_159 = vector.shape_cast %get3A_153 : vector<8x4096xf32> to vector<1x8x4096xf32>
      tpu.vector_store %arg6[%swap3A_154, %swap3A_155, %swap3A_156], %swap3A_159 {strides = array<i32>} : memref<2x128x4096xf32, #tpu.memory_space<vmem>>, vector<1x8x4096xf32>,
      %get3A_160 = arith.constant 0 : index
      %get3A_161 = arith.constant 79 : index
      %get3A_162 = vector.load %arg5[%get3A_160, %get3A_161] : memref<8x4352xf32, #tpu.memory_space<vmem>>, vector<8x4096xf32>
      %swap3A_163 = arith.index_cast %rem3A_3 : i32 to index
      %swap3A_164 = arith.constant 48 : index
      %swap3A_165 = arith.constant 0 : index
      %swap3A_166 = vector.load %arg6[%swap3A_163, %swap3A_164, %swap3A_165] : memref<2x128x4096xf32, #tpu.memory_space<vmem>>, vector<1x8x4096xf32>
      %swap3A_167 = vector.shape_cast %swap3A_166 : vector<1x8x4096xf32> to vector<8x4096xf32>
      %swap3A_168 = vector.shape_cast %get3A_162 : vector<8x4096xf32> to vector<1x8x4096xf32>
      tpu.vector_store %arg6[%swap3A_163, %swap3A_164, %swap3A_165], %swap3A_168 {strides = array<i32>} : memref<2x128x4096xf32, #tpu.memory_space<vmem>>, vector<1x8x4096xf32>,
      %get3A_169 = arith.constant 0 : index
      %get3A_170 = arith.constant 71 : index
      %get3A_171 = vector.load %arg5[%get3A_169, %get3A_170] : memref<8x4352xf32, #tpu.memory_space<vmem>>, vector<8x4096xf32>
      %swap3A_172 = arith.index_cast %rem3A_3 : i32 to index
      %swap3A_173 = arith.constant 56 : index
      %swap3A_174 = arith.constant 0 : index
      %swap3A_175 = vector.load %arg6[%swap3A_172, %swap3A_173, %swap3A_174] : memref<2x128x4096xf32, #tpu.memory_space<vmem>>, vector<1x8x4096xf32>
      %swap3A_176 = vector.shape_cast %swap3A_175 : vector<1x8x4096xf32> to vector<8x4096xf32>
      %swap3A_177 = vector.shape_cast %get3A_171 : vector<8x4096xf32> to vector<1x8x4096xf32>
      tpu.vector_store %arg6[%swap3A_172, %swap3A_173, %swap3A_174], %swap3A_177 {strides = array<i32>} : memref<2x128x4096xf32, #tpu.memory_space<vmem>>, vector<1x8x4096xf32>,
      %get3A_178 = arith.constant 0 : index
      %get3A_179 = arith.constant 63 : index
      %get3A_180 = vector.load %arg5[%get3A_178, %get3A_179] : memref<8x4352xf32, #tpu.memory_space<vmem>>, vector<8x4096xf32>
      %swap3A_181 = arith.index_cast %rem3A_3 : i32 to index
      %swap3A_182 = arith.constant 64 : index
      %swap3A_183 = arith.constant 0 : index
      %swap3A_184 = vector.load %arg6[%swap3A_181, %swap3A_182, %swap3A_183] : memref<2x128x4096xf32, #tpu.memory_space<vmem>>, vector<1x8x4096xf32>
      %swap3A_185 = vector.shape_cast %swap3A_184 : vector<1x8x4096xf32> to vector<8x4096xf32>
      %swap3A_186 = vector.shape_cast %get3A_180 : vector<8x4096xf32> to vector<1x8x4096xf32>
      tpu.vector_store %arg6[%swap3A_181, %swap3A_182, %swap3A_183], %swap3A_186 {strides = array<i32>} : memref<2x128x4096xf32, #tpu.memory_space<vmem>>, vector<1x8x4096xf32>,
      %get3A_187 = arith.constant 0 : index
      %get3A_188 = arith.constant 55 : index
      %get3A_189 = vector.load %arg5[%get3A_187, %get3A_188] : memref<8x4352xf32, #tpu.memory_space<vmem>>, vector<8x4096xf32>
      %swap3A_190 = arith.index_cast %rem3A_3 : i32 to index
      %swap3A_191 = arith.constant 72 : index
      %swap3A_192 = arith.constant 0 : index
      %swap3A_193 = vector.load %arg6[%swap3A_190, %swap3A_191, %swap3A_192] : memref<2x128x4096xf32, #tpu.memory_space<vmem>>, vector<1x8x4096xf32>
      %swap3A_194 = vector.shape_cast %swap3A_193 : vector<1x8x4096xf32> to vector<8x4096xf32>
      %swap3A_195 = vector.shape_cast %get3A_189 : vector<8x4096xf32> to vector<1x8x4096xf32>
      tpu.vector_store %arg6[%swap3A_190, %swap3A_191, %swap3A_192], %swap3A_195 {strides = array<i32>} : memref<2x128x4096xf32, #tpu.memory_space<vmem>>, vector<1x8x4096xf32>,
      %get3A_196 = arith.constant 0 : index
      %get3A_197 = arith.constant 47 : index
      %get3A_198 = vector.load %arg5[%get3A_196, %get3A_197] : memref<8x4352xf32, #tpu.memory_space<vmem>>, vector<8x4096xf32>
      %swap3A_199 = arith.index_cast %rem3A_3 : i32 to index
      %swap3A_200 = arith.constant 80 : index
      %swap3A_201 = arith.constant 0 : index
      %swap3A_202 = vector.load %arg6[%swap3A_199, %swap3A_200, %swap3A_201] : memref<2x128x4096xf32, #tpu.memory_space<vmem>>, vector<1x8x4096xf32>
      %swap3A_203 = vector.shape_cast %swap3A_202 : vector<1x8x4096xf32> to vector<8x4096xf32>
      %swap3A_204 = vector.shape_cast %get3A_198 : vector<8x4096xf32> to vector<1x8x4096xf32>
      tpu.vector_store %arg6[%swap3A_199, %swap3A_200, %swap3A_201], %swap3A_204 {strides = array<i32>} : memref<2x128x4096xf32, #tpu.memory_space<vmem>>, vector<1x8x4096xf32>,
      %get3A_205 = arith.constant 0 : index
      %get3A_206 = arith.constant 39 : index
      %get3A_207 = vector.load %arg5[%get3A_205, %get3A_206] : memref<8x4352xf32, #tpu.memory_space<vmem>>, vector<8x4096xf32>
      %swap3A_208 = arith.index_cast %rem3A_3 : i32 to index
      %swap3A_209 = arith.constant 88 : index
      %swap3A_210 = arith.constant 0 : index
      %swap3A_211 = vector.load %arg6[%swap3A_208, %swap3A_209, %swap3A_210] : memref<2x128x4096xf32, #tpu.memory_space<vmem>>, vector<1x8x4096xf32>
      %swap3A_212 = vector.shape_cast %swap3A_211 : vector<1x8x4096xf32> to vector<8x4096xf32>
      %swap3A_213 = vector.shape_cast %get3A_207 : vector<8x4096xf32> to vector<1x8x4096xf32>
      tpu.vector_store %arg6[%swap3A_208, %swap3A_209, %swap3A_210], %swap3A_213 {strides = array<i32>} : memref<2x128x4096xf32, #tpu.memory_space<vmem>>, vector<1x8x4096xf32>,
      %get3A_214 = arith.constant 0 : index
      %get3A_215 = arith.constant 31 : index
      %get3A_216 = vector.load %arg5[%get3A_214, %get3A_215] : memref<8x4352xf32, #tpu.memory_space<vmem>>, vector<8x4096xf32>
      %swap3A_217 = arith.index_cast %rem3A_3 : i32 to index
      %swap3A_218 = arith.constant 96 : index
      %swap3A_219 = arith.constant 0 : index
      %swap3A_220 = vector.load %arg6[%swap3A_217, %swap3A_218, %swap3A_219] : memref<2x128x4096xf32, #tpu.memory_space<vmem>>, vector<1x8x4096xf32>
      %swap3A_221 = vector.shape_cast %swap3A_220 : vector<1x8x4096xf32> to vector<8x4096xf32>
      %swap3A_222 = vector.shape_cast %get3A_216 : vector<8x4096xf32> to vector<1x8x4096xf32>
      tpu.vector_store %arg6[%swap3A_217, %swap3A_218, %swap3A_219], %swap3A_222 {strides = array<i32>} : memref<2x128x4096xf32, #tpu.memory_space<vmem>>, vector<1x8x4096xf32>,
      %get3A_223 = arith.constant 0 : index
      %get3A_224 = arith.constant 23 : index
      %get3A_225 = vector.load %arg5[%get3A_223, %get3A_224] : memref<8x4352xf32, #tpu.memory_space<vmem>>, vector<8x4096xf32>
      %swap3A_226 = arith.index_cast %rem3A_3 : i32 to index
      %swap3A_227 = arith.constant 104 : index
      %swap3A_228 = arith.constant 0 : index
      %swap3A_229 = vector.load %arg6[%swap3A_226, %swap3A_227, %swap3A_228] : memref<2x128x4096xf32, #tpu.memory_space<vmem>>, vector<1x8x4096xf32>
      %swap3A_230 = vector.shape_cast %swap3A_229 : vector<1x8x4096xf32> to vector<8x4096xf32>
      %swap3A_231 = vector.shape_cast %get3A_225 : vector<8x4096xf32> to vector<1x8x4096xf32>
      tpu.vector_store %arg6[%swap3A_226, %swap3A_227, %swap3A_228], %swap3A_231 {strides = array<i32>} : memref<2x128x4096xf32, #tpu.memory_space<vmem>>, vector<1x8x4096xf32>,
      %get3A_232 = arith.constant 0 : index
      %get3A_233 = arith.constant 15 : index
      %get3A_234 = vector.load %arg5[%get3A_232, %get3A_233] : memref<8x4352xf32, #tpu.memory_space<vmem>>, vector<8x4096xf32>
      %swap3A_235 = arith.index_cast %rem3A_3 : i32 to index
      %swap3A_236 = arith.constant 112 : index
      %swap3A_237 = arith.constant 0 : index
      %swap3A_238 = vector.load %arg6[%swap3A_235, %swap3A_236, %swap3A_237] : memref<2x128x4096xf32, #tpu.memory_space<vmem>>, vector<1x8x4096xf32>
      %swap3A_239 = vector.shape_cast %swap3A_238 : vector<1x8x4096xf32> to vector<8x4096xf32>
      %swap3A_240 = vector.shape_cast %get3A_234 : vector<8x4096xf32> to vector<1x8x4096xf32>
      tpu.vector_store %arg6[%swap3A_235, %swap3A_236, %swap3A_237], %swap3A_240 {strides = array<i32>} : memref<2x128x4096xf32, #tpu.memory_space<vmem>>, vector<1x8x4096xf32>,
      %get3A_241 = arith.constant 0 : index
      %get3A_242 = arith.constant 7 : index
      %get3A_243 = vector.load %arg5[%get3A_241, %get3A_242] : memref<8x4352xf32, #tpu.memory_space<vmem>>, vector<8x4096xf32>
      %swap3A_244 = arith.index_cast %rem3A_3 : i32 to index
      %swap3A_245 = arith.constant 120 : index
      %swap3A_246 = arith.constant 0 : index
      %swap3A_247 = vector.load %arg6[%swap3A_244, %swap3A_245, %swap3A_246] : memref<2x128x4096xf32, #tpu.memory_space<vmem>>, vector<1x8x4096xf32>
      %swap3A_248 = vector.shape_cast %swap3A_247 : vector<1x8x4096xf32> to vector<8x4096xf32>
      %swap3A_249 = vector.shape_cast %get3A_243 : vector<8x4096xf32> to vector<1x8x4096xf32>
      tpu.vector_store %arg6[%swap3A_244, %swap3A_245, %swap3A_246], %swap3A_249 {strides = array<i32>} : memref<2x128x4096xf32, #tpu.memory_space<vmem>>, vector<1x8x4096xf32>,
    } else {
    }
    %mul3A_13 = arith.constant 128 : i32
    %mul3A_14 = arith.muli %mul3A_13, %arg1 : i32
    %sub3A = arith.constant 1920 : i32
    %sub3A_15 = arith.subi %sub3A, %mul3A_14 : i32
    %multiple_of3A = tpu.assume_multiple %sub3A_15, 128 : i32
    %mul3A_16 = arith.constant 128 : i32
    %mul3A_17 = arith.muli %arg1, %mul3A_16 : i32
    %rem3A_18 = arith.constant 8 : i32
    %rem3A_19 = arith.remsi %add3A_2, %rem3A_18 : i32
    %ge3A = arith.constant 8 : i32
    %ge3A_20 = arith.cmpi sge, %add3A_2, %ge3A : i32
    %convert_element_type3A_21 = arith.extui %ge3A_20 : i1 to i32
    %cond3A_22 = arith.constant 0 : i32
    %cond3A_23 = arith.cmpi ne, %convert_element_type3A_21, %cond3A_22 : i32
    scf.if %cond3A_23 {
      %dma_wait3A = tpu.memref_slice %arg7[%rem3A_19] : memref<8x!tpu.dma_semaphore, #tpu.memory_space<semaphore_mem>> -> memref<1x!tpu.dma_semaphore, #tpu.memory_space<semaphore_mem>>
      %dma_wait3A_36 = tpu.memref_squeeze %dma_wait3A : memref<1x!tpu.dma_semaphore, #tpu.memory_space<semaphore_mem>> -> memref<!tpu.dma_semaphore, #tpu.memory_space<semaphore_mem>>
      %dma_wait3A_37 = arith.constant 0 : i32
      %dma_wait3A_38 = tpu.memref_slice %arg3[%add3A_0, %mul3A_17, %dma_wait3A_37] : memref<16x2048x2048xf32, #tpu.memory_space<any>> -> memref<1x128x2048xf32, #tpu.memory_space<any>>
      %dma_wait3A_39 = tpu.memref_squeeze %dma_wait3A_38 : memref<1x128x2048xf32, #tpu.memory_space<any>> -> memref<128x2048xf32, #tpu.memory_space<any>>
      %dma_wait3A_40 = arith.constant 0 : i32
      %dma_wait3A_41 = tpu.memref_slice %arg6[%rem3A_3, %dma_wait3A_40, %multiple_of3A] : memref<2x128x4096xf32, #tpu.memory_space<vmem>> -> memref<1x128x2048xf32, #tpu.memory_space<vmem>>
      %dma_wait3A_42 = tpu.memref_squeeze %dma_wait3A_41 : memref<1x128x2048xf32, #tpu.memory_space<vmem>> -> memref<128x2048xf32, #tpu.memory_space<vmem>>
      tpu.wait_dma2 semaphore(%dma_wait3A_36 : memref<!tpu.dma_semaphore, #tpu.memory_space<semaphore_mem>>) src(%dma_wait3A_42 : memref<128x2048xf32, #tpu.memory_space<vmem>>) dst(%dma_wait3A_39 : memref<128x2048xf32, #tpu.memory_space<any>>)
    } else {
    }
    %dma_start3A = tpu.memref_slice %arg7[%rem3A_19] : memref<8x!tpu.dma_semaphore, #tpu.memory_space<semaphore_mem>> -> memref<1x!tpu.dma_semaphore, #tpu.memory_space<semaphore_mem>>
    %dma_start3A_24 = tpu.memref_squeeze %dma_start3A : memref<1x!tpu.dma_semaphore, #tpu.memory_space<semaphore_mem>> -> memref<!tpu.dma_semaphore, #tpu.memory_space<semaphore_mem>>
    %dma_start3A_25 = arith.constant 0 : i32
    %dma_start3A_26 = tpu.memref_slice %arg3[%add3A_0, %mul3A_17, %dma_start3A_25] : memref<16x2048x2048xf32, #tpu.memory_space<any>> -> memref<1x128x2048xf32, #tpu.memory_space<any>>
    %dma_start3A_27 = tpu.memref_squeeze %dma_start3A_26 : memref<1x128x2048xf32, #tpu.memory_space<any>> -> memref<128x2048xf32, #tpu.memory_space<any>>
    %dma_start3A_28 = arith.constant 0 : i32
    %dma_start3A_29 = tpu.memref_slice %arg6[%rem3A_3, %dma_start3A_28, %multiple_of3A] : memref<2x128x4096xf32, #tpu.memory_space<vmem>> -> memref<1x128x2048xf32, #tpu.memory_space<vmem>>
    %dma_start3A_30 = tpu.memref_squeeze %dma_start3A_29 : memref<1x128x2048xf32, #tpu.memory_space<vmem>> -> memref<128x2048xf32, #tpu.memory_space<vmem>>
    tpu.enqueue_dma source(%dma_start3A_30 : memref<128x2048xf32, #tpu.memory_space<vmem>>) target(%dma_start3A_27 : memref<128x2048xf32, #tpu.memory_space<any>>) target_semaphore(%dma_start3A_24 : memref<!tpu.dma_semaphore, #tpu.memory_space<semaphore_mem>>)
    %eq3A_31 = arith.constant 239 : i32
    %eq3A_32 = arith.cmpi eq, %add3A_2, %eq3A_31 : i32
    %convert_element_type3A_33 = arith.extui %eq3A_32 : i1 to i32
    %cond3A_34 = arith.constant 0 : i32
    %cond3A_35 = arith.cmpi ne, %convert_element_type3A_33, %cond3A_34 : i32
    scf.if %cond3A_35 {
      %dma_wait3A = arith.constant 0 : i32
      %dma_wait3A_36 = tpu.memref_slice %arg7[%dma_wait3A] : memref<8x!tpu.dma_semaphore, #tpu.memory_space<semaphore_mem>> -> memref<1x!tpu.dma_semaphore, #tpu.memory_space<semaphore_mem>>
      %dma_wait3A_37 = tpu.memref_squeeze %dma_wait3A_36 : memref<1x!tpu.dma_semaphore, #tpu.memory_space<semaphore_mem>> -> memref<!tpu.dma_semaphore, #tpu.memory_space<semaphore_mem>>
      %dma_wait3A_38 = arith.constant 0 : i32
      %dma_wait3A_39 = tpu.memref_slice %arg3[%add3A_0, %mul3A_17, %dma_wait3A_38] : memref<16x2048x2048xf32, #tpu.memory_space<any>> -> memref<1x128x2048xf32, #tpu.memory_space<any>>
      %dma_wait3A_40 = tpu.memref_squeeze %dma_wait3A_39 : memref<1x128x2048xf32, #tpu.memory_space<any>> -> memref<128x2048xf32, #tpu.memory_space<any>>
      %dma_wait3A_41 = arith.constant 0 : i32
      %dma_wait3A_42 = tpu.memref_slice %arg6[%rem3A_3, %dma_wait3A_41, %multiple_of3A] : memref<2x128x4096xf32, #tpu.memory_space<vmem>> -> memref<1x128x2048xf32, #tpu.memory_space<vmem>>
      %dma_wait3A_43 = tpu.memref_squeeze %dma_wait3A_42 : memref<1x128x2048xf32, #tpu.memory_space<vmem>> -> memref<128x2048xf32, #tpu.memory_space<vmem>>
      tpu.wait_dma2 semaphore(%dma_wait3A_37 : memref<!tpu.dma_semaphore, #tpu.memory_space<semaphore_mem>>) src(%dma_wait3A_43 : memref<128x2048xf32, #tpu.memory_space<vmem>>) dst(%dma_wait3A_40 : memref<128x2048xf32, #tpu.memory_space<any>>)
      %dma_wait3A_44 = arith.constant 1 : i32
      %dma_wait3A_45 = tpu.memref_slice %arg7[%dma_wait3A_44] : memref<8x!tpu.dma_semaphore, #tpu.memory_space<semaphore_mem>> -> memref<1x!tpu.dma_semaphore, #tpu.memory_space<semaphore_mem>>
      %dma_wait3A_46 = tpu.memref_squeeze %dma_wait3A_45 : memref<1x!tpu.dma_semaphore, #tpu.memory_space<semaphore_mem>> -> memref<!tpu.dma_semaphore, #tpu.memory_space<semaphore_mem>>
      %dma_wait3A_47 = arith.constant 0 : i32
      %dma_wait3A_48 = tpu.memref_slice %arg3[%add3A_0, %mul3A_17, %dma_wait3A_47] : memref<16x2048x2048xf32, #tpu.memory_space<any>> -> memref<1x128x2048xf32, #tpu.memory_space<any>>
      %dma_wait3A_49 = tpu.memref_squeeze %dma_wait3A_48 : memref<1x128x2048xf32, #tpu.memory_space<any>> -> memref<128x2048xf32, #tpu.memory_space<any>>
      %dma_wait3A_50 = arith.constant 0 : i32
      %dma_wait3A_51 = tpu.memref_slice %arg6[%rem3A_3, %dma_wait3A_50, %multiple_of3A] : memref<2x128x4096xf32, #tpu.memory_space<vmem>> -> memref<1x128x2048xf32, #tpu.memory_space<vmem>>
      %dma_wait3A_52 = tpu.memref_squeeze %dma_wait3A_51 : memref<1x128x2048xf32, #tpu.memory_space<vmem>> -> memref<128x2048xf32, #tpu.memory_space<vmem>>
      tpu.wait_dma2 semaphore(%dma_wait3A_46 : memref<!tpu.dma_semaphore, #tpu.memory_space<semaphore_mem>>) src(%dma_wait3A_52 : memref<128x2048xf32, #tpu.memory_space<vmem>>) dst(%dma_wait3A_49 : memref<128x2048xf32, #tpu.memory_space<any>>)
      %dma_wait3A_53 = arith.constant 2 : i32
      %dma_wait3A_54 = tpu.memref_slice %arg7[%dma_wait3A_53] : memref<8x!tpu.dma_semaphore, #tpu.memory_space<semaphore_mem>> -> memref<1x!tpu.dma_semaphore, #tpu.memory_space<semaphore_mem>>
      %dma_wait3A_55 = tpu.memref_squeeze %dma_wait3A_54 : memref<1x!tpu.dma_semaphore, #tpu.memory_space<semaphore_mem>> -> memref<!tpu.dma_semaphore, #tpu.memory_space<semaphore_mem>>
      %dma_wait3A_56 = arith.constant 0 : i32
      %dma_wait3A_57 = tpu.memref_slice %arg3[%add3A_0, %mul3A_17, %dma_wait3A_56] : memref<16x2048x2048xf32, #tpu.memory_space<any>> -> memref<1x128x2048xf32, #tpu.memory_space<any>>
      %dma_wait3A_58 = tpu.memref_squeeze %dma_wait3A_57 : memref<1x128x2048xf32, #tpu.memory_space<any>> -> memref<128x2048xf32, #tpu.memory_space<any>>
      %dma_wait3A_59 = arith.constant 0 : i32
      %dma_wait3A_60 = tpu.memref_slice %arg6[%rem3A_3, %dma_wait3A_59, %multiple_of3A] : memref<2x128x4096xf32, #tpu.memory_space<vmem>> -> memref<1x128x2048xf32, #tpu.memory_space<vmem>>
      %dma_wait3A_61 = tpu.memref_squeeze %dma_wait3A_60 : memref<1x128x2048xf32, #tpu.memory_space<vmem>> -> memref<128x2048xf32, #tpu.memory_space<vmem>>
      tpu.wait_dma2 semaphore(%dma_wait3A_55 : memref<!tpu.dma_semaphore, #tpu.memory_space<semaphore_mem>>) src(%dma_wait3A_61 : memref<128x2048xf32, #tpu.memory_space<vmem>>) dst(%dma_wait3A_58 : memref<128x2048xf32, #tpu.memory_space<any>>)
      %dma_wait3A_62 = arith.constant 3 : i32
      %dma_wait3A_63 = tpu.memref_slice %arg7[%dma_wait3A_62] : memref<8x!tpu.dma_semaphore, #tpu.memory_space<semaphore_mem>> -> memref<1x!tpu.dma_semaphore, #tpu.memory_space<semaphore_mem>>
      %dma_wait3A_64 = tpu.memref_squeeze %dma_wait3A_63 : memref<1x!tpu.dma_semaphore, #tpu.memory_space<semaphore_mem>> -> memref<!tpu.dma_semaphore, #tpu.memory_space<semaphore_mem>>
      %dma_wait3A_65 = arith.constant 0 : i32
      %dma_wait3A_66 = tpu.memref_slice %arg3[%add3A_0, %mul3A_17, %dma_wait3A_65] : memref<16x2048x2048xf32, #tpu.memory_space<any>> -> memref<1x128x2048xf32, #tpu.memory_space<any>>
      %dma_wait3A_67 = tpu.memref_squeeze %dma_wait3A_66 : memref<1x128x2048xf32, #tpu.memory_space<any>> -> memref<128x2048xf32, #tpu.memory_space<any>>
      %dma_wait3A_68 = arith.constant 0 : i32
      %dma_wait3A_69 = tpu.memref_slice %arg6[%rem3A_3, %dma_wait3A_68, %multiple_of3A] : memref<2x128x4096xf32, #tpu.memory_space<vmem>> -> memref<1x128x2048xf32, #tpu.memory_space<vmem>>
      %dma_wait3A_70 = tpu.memref_squeeze %dma_wait3A_69 : memref<1x128x2048xf32, #tpu.memory_space<vmem>> -> memref<128x2048xf32, #tpu.memory_space<vmem>>
      tpu.wait_dma2 semaphore(%dma_wait3A_64 : memref<!tpu.dma_semaphore, #tpu.memory_space<semaphore_mem>>) src(%dma_wait3A_70 : memref<128x2048xf32, #tpu.memory_space<vmem>>) dst(%dma_wait3A_67 : memref<128x2048xf32, #tpu.memory_space<any>>)
      %dma_wait3A_71 = arith.constant 4 : i32
      %dma_wait3A_72 = tpu.memref_slice %arg7[%dma_wait3A_71] : memref<8x!tpu.dma_semaphore, #tpu.memory_space<semaphore_mem>> -> memref<1x!tpu.dma_semaphore, #tpu.memory_space<semaphore_mem>>
      %dma_wait3A_73 = tpu.memref_squeeze %dma_wait3A_72 : memref<1x!tpu.dma_semaphore, #tpu.memory_space<semaphore_mem>> -> memref<!tpu.dma_semaphore, #tpu.memory_space<semaphore_mem>>
      %dma_wait3A_74 = arith.constant 0 : i32
      %dma_wait3A_75 = tpu.memref_slice %arg3[%add3A_0, %mul3A_17, %dma_wait3A_74] : memref<16x2048x2048xf32, #tpu.memory_space<any>> -> memref<1x128x2048xf32, #tpu.memory_space<any>>
      %dma_wait3A_76 = tpu.memref_squeeze %dma_wait3A_75 : memref<1x128x2048xf32, #tpu.memory_space<any>> -> memref<128x2048xf32, #tpu.memory_space<any>>
      %dma_wait3A_77 = arith.constant 0 : i32
      %dma_wait3A_78 = tpu.memref_slice %arg6[%rem3A_3, %dma_wait3A_77, %multiple_of3A] : memref<2x128x4096xf32, #tpu.memory_space<vmem>> -> memref<1x128x2048xf32, #tpu.memory_space<vmem>>
      %dma_wait3A_79 = tpu.memref_squeeze %dma_wait3A_78 : memref<1x128x2048xf32, #tpu.memory_space<vmem>> -> memref<128x2048xf32, #tpu.memory_space<vmem>>
      tpu.wait_dma2 semaphore(%dma_wait3A_73 : memref<!tpu.dma_semaphore, #tpu.memory_space<semaphore_mem>>) src(%dma_wait3A_79 : memref<128x2048xf32, #tpu.memory_space<vmem>>) dst(%dma_wait3A_76 : memref<128x2048xf32, #tpu.memory_space<any>>)
      %dma_wait3A_80 = arith.constant 5 : i32
      %dma_wait3A_81 = tpu.memref_slice %arg7[%dma_wait3A_80] : memref<8x!tpu.dma_semaphore, #tpu.memory_space<semaphore_mem>> -> memref<1x!tpu.dma_semaphore, #tpu.memory_space<semaphore_mem>>
      %dma_wait3A_82 = tpu.memref_squeeze %dma_wait3A_81 : memref<1x!tpu.dma_semaphore, #tpu.memory_space<semaphore_mem>> -> memref<!tpu.dma_semaphore, #tpu.memory_space<semaphore_mem>>
      %dma_wait3A_83 = arith.constant 0 : i32
      %dma_wait3A_84 = tpu.memref_slice %arg3[%add3A_0, %mul3A_17, %dma_wait3A_83] : memref<16x2048x2048xf32, #tpu.memory_space<any>> -> memref<1x128x2048xf32, #tpu.memory_space<any>>
      %dma_wait3A_85 = tpu.memref_squeeze %dma_wait3A_84 : memref<1x128x2048xf32, #tpu.memory_space<any>> -> memref<128x2048xf32, #tpu.memory_space<any>>
      %dma_wait3A_86 = arith.constant 0 : i32
      %dma_wait3A_87 = tpu.memref_slice %arg6[%rem3A_3, %dma_wait3A_86, %multiple_of3A] : memref<2x128x4096xf32, #tpu.memory_space<vmem>> -> memref<1x128x2048xf32, #tpu.memory_space<vmem>>
      %dma_wait3A_88 = tpu.memref_squeeze %dma_wait3A_87 : memref<1x128x2048xf32, #tpu.memory_space<vmem>> -> memref<128x2048xf32, #tpu.memory_space<vmem>>
      tpu.wait_dma2 semaphore(%dma_wait3A_82 : memref<!tpu.dma_semaphore, #tpu.memory_space<semaphore_mem>>) src(%dma_wait3A_88 : memref<128x2048xf32, #tpu.memory_space<vmem>>) dst(%dma_wait3A_85 : memref<128x2048xf32, #tpu.memory_space<any>>)
      %dma_wait3A_89 = arith.constant 6 : i32
      %dma_wait3A_90 = tpu.memref_slice %arg7[%dma_wait3A_89] : memref<8x!tpu.dma_semaphore, #tpu.memory_space<semaphore_mem>> -> memref<1x!tpu.dma_semaphore, #tpu.memory_space<semaphore_mem>>
      %dma_wait3A_91 = tpu.memref_squeeze %dma_wait3A_90 : memref<1x!tpu.dma_semaphore, #tpu.memory_space<semaphore_mem>> -> memref<!tpu.dma_semaphore, #tpu.memory_space<semaphore_mem>>
      %dma_wait3A_92 = arith.constant 0 : i32
      %dma_wait3A_93 = tpu.memref_slice %arg3[%add3A_0, %mul3A_17, %dma_wait3A_92] : memref<16x2048x2048xf32, #tpu.memory_space<any>> -> memref<1x128x2048xf32, #tpu.memory_space<any>>
      %dma_wait3A_94 = tpu.memref_squeeze %dma_wait3A_93 : memref<1x128x2048xf32, #tpu.memory_space<any>> -> memref<128x2048xf32, #tpu.memory_space<any>>
      %dma_wait3A_95 = arith.constant 0 : i32
      %dma_wait3A_96 = tpu.memref_slice %arg6[%rem3A_3, %dma_wait3A_95, %multiple_of3A] : memref<2x128x4096xf32, #tpu.memory_space<vmem>> -> memref<1x128x2048xf32, #tpu.memory_space<vmem>>
      %dma_wait3A_97 = tpu.memref_squeeze %dma_wait3A_96 : memref<1x128x2048xf32, #tpu.memory_space<vmem>> -> memref<128x2048xf32, #tpu.memory_space<vmem>>
      tpu.wait_dma2 semaphore(%dma_wait3A_91 : memref<!tpu.dma_semaphore, #tpu.memory_space<semaphore_mem>>) src(%dma_wait3A_97 : memref<128x2048xf32, #tpu.memory_space<vmem>>) dst(%dma_wait3A_94 : memref<128x2048xf32, #tpu.memory_space<any>>)
      %dma_wait3A_98 = arith.constant 7 : i32
      %dma_wait3A_99 = tpu.memref_slice %arg7[%dma_wait3A_98] : memref<8x!tpu.dma_semaphore, #tpu.memory_space<semaphore_mem>> -> memref<1x!tpu.dma_semaphore, #tpu.memory_space<semaphore_mem>>
      %dma_wait3A_100 = tpu.memref_squeeze %dma_wait3A_99 : memref<1x!tpu.dma_semaphore, #tpu.memory_space<semaphore_mem>> -> memref<!tpu.dma_semaphore, #tpu.memory_space<semaphore_mem>>
      %dma_wait3A_101 = arith.constant 0 : i32
      %dma_wait3A_102 = tpu.memref_slice %arg3[%add3A_0, %mul3A_17, %dma_wait3A_101] : memref<16x2048x2048xf32, #tpu.memory_space<any>> -> memref<1x128x2048xf32, #tpu.memory_space<any>>
      %dma_wait3A_103 = tpu.memref_squeeze %dma_wait3A_102 : memref<1x128x2048xf32, #tpu.memory_space<any>> -> memref<128x2048xf32, #tpu.memory_space<any>>
      %dma_wait3A_104 = arith.constant 0 : i32
      %dma_wait3A_105 = tpu.memref_slice %arg6[%rem3A_3, %dma_wait3A_104, %multiple_of3A] : memref<2x128x4096xf32, #tpu.memory_space<vmem>> -> memref<1x128x2048xf32, #tpu.memory_space<vmem>>
      %dma_wait3A_106 = tpu.memref_squeeze %dma_wait3A_105 : memref<1x128x2048xf32, #tpu.memory_space<vmem>> -> memref<128x2048xf32, #tpu.memory_space<vmem>>
      tpu.wait_dma2 semaphore(%dma_wait3A_100 : memref<!tpu.dma_semaphore, #tpu.memory_space<semaphore_mem>>) src(%dma_wait3A_106 : memref<128x2048xf32, #tpu.memory_space<vmem>>) dst(%dma_wait3A_103 : memref<128x2048xf32, #tpu.memory_space<any>>)
    } else {
    }
    return
  }
  func.func @transform_0(%arg0: i32, %arg1: i32) -> (i32, i32) {
    %c0_i32 = arith.constant 0 : i32
    %c0_i32_0 = arith.constant 0 : i32
    %c0_i32_1 = arith.constant 0 : i32
    return %c0_i32, %c0_i32_0 : i32, i32
  }
}

module attributes {stable_mosaic.version = 14 : i64} {
  func.func @_tc_head0_body(%arg0: i32, %arg1: memref<16x2048x2048xf32, #tpu.memory_space<any>>, %arg2: memref<1x4096xf32, #tpu.memory_space<vmem>>, %arg3: memref<16x2048x2048xf32, #tpu.memory_space<any>>, %arg4: memref<128x4096xf32, #tpu.memory_space<vmem>>, %arg5: memref<8x4352xf32, #tpu.memory_space<vmem>>, %arg6: memref<8x!tpu.dma_semaphore, #tpu.memory_space<semaphore_mem>>) attributes {dimension_semantics = [#tpu.dimension_semantics<arbitrary>], iteration_bounds = array<i64: 16>, scalar_prefetch = 0 : i64, scratch_operands = 3 : i64, tpu.core_type = #tpu.core_type<tc>, window_params = [{}, {pipeline_mode = #tpu.pipeline_mode<synchronous>, transform_indices = @transform_1, window_bounds = array<i64: 1, 4096>}, {}]} {
    %eq3A = arith.constant 0 : i32
    %eq3A_0 = arith.cmpi eq, %arg0, %eq3A : i32
    %convert_element_type3A = arith.extui %eq3A_0 : i1 to i32
    %cond3A = arith.constant 0 : i32
    %cond3A_1 = arith.cmpi ne, %convert_element_type3A, %cond3A : i32
    scf.if %cond3A_1 {
      %get3A = arith.constant 0 : index
      %get3A_25 = arith.constant 0 : index
      %get3A_26 = vector.load %arg2[%get3A, %get3A_25] : memref<1x4096xf32, #tpu.memory_space<vmem>>, vector<1x4096xf32>
      %get3A_27 = vector.shape_cast %get3A_26 : vector<1x4096xf32> to vector<4096xf32>
      %swap3A = arith.constant 0 : index
      %swap3A_28 = arith.constant 0 : index
      %swap3A_29 = vector.load %arg5[%swap3A, %swap3A_28] : memref<8x4352xf32, #tpu.memory_space<vmem>>, vector<1x4096xf32>
      %swap3A_30 = vector.shape_cast %swap3A_29 : vector<1x4096xf32> to vector<4096xf32>
      %swap3A_31 = vector.shape_cast %get3A_27 : vector<4096xf32> to vector<1x4096xf32>
      tpu.vector_store %arg5[%swap3A, %swap3A_28], %swap3A_31 {strides = array<i32>} : memref<8x4352xf32, #tpu.memory_space<vmem>>, vector<1x4096xf32>,
      %get3A_32 = arith.constant 0 : index
      %get3A_33 = arith.constant 0 : index
      %get3A_34 = vector.load %arg2[%get3A_32, %get3A_33] : memref<1x4096xf32, #tpu.memory_space<vmem>>, vector<1x4096xf32>
      %get3A_35 = vector.shape_cast %get3A_34 : vector<1x4096xf32> to vector<4096xf32>
      %swap3A_36 = arith.constant 1 : index
      %swap3A_37 = arith.constant 1 : index
      %swap3A_38 = vector.load %arg5[%swap3A_36, %swap3A_37] : memref<8x4352xf32, #tpu.memory_space<vmem>>, vector<1x4096xf32>
      %swap3A_39 = vector.shape_cast %swap3A_38 : vector<1x4096xf32> to vector<4096xf32>
      %swap3A_40 = vector.shape_cast %get3A_35 : vector<4096xf32> to vector<1x4096xf32>
      tpu.vector_store %arg5[%swap3A_36, %swap3A_37], %swap3A_40 {strides = array<i32>} : memref<8x4352xf32, #tpu.memory_space<vmem>>, vector<1x4096xf32>,
      %get3A_41 = arith.constant 0 : index
      %get3A_42 = arith.constant 0 : index
      %get3A_43 = vector.load %arg2[%get3A_41, %get3A_42] : memref<1x4096xf32, #tpu.memory_space<vmem>>, vector<1x4096xf32>
      %get3A_44 = vector.shape_cast %get3A_43 : vector<1x4096xf32> to vector<4096xf32>
      %swap3A_45 = arith.constant 2 : index
      %swap3A_46 = arith.constant 2 : index
      %swap3A_47 = vector.load %arg5[%swap3A_45, %swap3A_46] : memref<8x4352xf32, #tpu.memory_space<vmem>>, vector<1x4096xf32>
      %swap3A_48 = vector.shape_cast %swap3A_47 : vector<1x4096xf32> to vector<4096xf32>
      %swap3A_49 = vector.shape_cast %get3A_44 : vector<4096xf32> to vector<1x4096xf32>
      tpu.vector_store %arg5[%swap3A_45, %swap3A_46], %swap3A_49 {strides = array<i32>} : memref<8x4352xf32, #tpu.memory_space<vmem>>, vector<1x4096xf32>,
      %get3A_50 = arith.constant 0 : index
      %get3A_51 = arith.constant 0 : index
      %get3A_52 = vector.load %arg2[%get3A_50, %get3A_51] : memref<1x4096xf32, #tpu.memory_space<vmem>>, vector<1x4096xf32>
      %get3A_53 = vector.shape_cast %get3A_52 : vector<1x4096xf32> to vector<4096xf32>
      %swap3A_54 = arith.constant 3 : index
      %swap3A_55 = arith.constant 3 : index
      %swap3A_56 = vector.load %arg5[%swap3A_54, %swap3A_55] : memref<8x4352xf32, #tpu.memory_space<vmem>>, vector<1x4096xf32>
      %swap3A_57 = vector.shape_cast %swap3A_56 : vector<1x4096xf32> to vector<4096xf32>
      %swap3A_58 = vector.shape_cast %get3A_53 : vector<4096xf32> to vector<1x4096xf32>
      tpu.vector_store %arg5[%swap3A_54, %swap3A_55], %swap3A_58 {strides = array<i32>} : memref<8x4352xf32, #tpu.memory_space<vmem>>, vector<1x4096xf32>,
      %get3A_59 = arith.constant 0 : index
      %get3A_60 = arith.constant 0 : index
      %get3A_61 = vector.load %arg2[%get3A_59, %get3A_60] : memref<1x4096xf32, #tpu.memory_space<vmem>>, vector<1x4096xf32>
      %get3A_62 = vector.shape_cast %get3A_61 : vector<1x4096xf32> to vector<4096xf32>
      %swap3A_63 = arith.constant 4 : index
      %swap3A_64 = arith.constant 4 : index
      %swap3A_65 = vector.load %arg5[%swap3A_63, %swap3A_64] : memref<8x4352xf32, #tpu.memory_space<vmem>>, vector<1x4096xf32>
      %swap3A_66 = vector.shape_cast %swap3A_65 : vector<1x4096xf32> to vector<4096xf32>
      %swap3A_67 = vector.shape_cast %get3A_62 : vector<4096xf32> to vector<1x4096xf32>
      tpu.vector_store %arg5[%swap3A_63, %swap3A_64], %swap3A_67 {strides = array<i32>} : memref<8x4352xf32, #tpu.memory_space<vmem>>, vector<1x4096xf32>,
      %get3A_68 = arith.constant 0 : index
      %get3A_69 = arith.constant 0 : index
      %get3A_70 = vector.load %arg2[%get3A_68, %get3A_69] : memref<1x4096xf32, #tpu.memory_space<vmem>>, vector<1x4096xf32>
      %get3A_71 = vector.shape_cast %get3A_70 : vector<1x4096xf32> to vector<4096xf32>
      %swap3A_72 = arith.constant 5 : index
      %swap3A_73 = arith.constant 5 : index
      %swap3A_74 = vector.load %arg5[%swap3A_72, %swap3A_73] : memref<8x4352xf32, #tpu.memory_space<vmem>>, vector<1x4096xf32>
      %swap3A_75 = vector.shape_cast %swap3A_74 : vector<1x4096xf32> to vector<4096xf32>
      %swap3A_76 = vector.shape_cast %get3A_71 : vector<4096xf32> to vector<1x4096xf32>
      tpu.vector_store %arg5[%swap3A_72, %swap3A_73], %swap3A_76 {strides = array<i32>} : memref<8x4352xf32, #tpu.memory_space<vmem>>, vector<1x4096xf32>,
      %get3A_77 = arith.constant 0 : index
      %get3A_78 = arith.constant 0 : index
      %get3A_79 = vector.load %arg2[%get3A_77, %get3A_78] : memref<1x4096xf32, #tpu.memory_space<vmem>>, vector<1x4096xf32>
      %get3A_80 = vector.shape_cast %get3A_79 : vector<1x4096xf32> to vector<4096xf32>
      %swap3A_81 = arith.constant 6 : index
      %swap3A_82 = arith.constant 6 : index
      %swap3A_83 = vector.load %arg5[%swap3A_81, %swap3A_82] : memref<8x4352xf32, #tpu.memory_space<vmem>>, vector<1x4096xf32>
      %swap3A_84 = vector.shape_cast %swap3A_83 : vector<1x4096xf32> to vector<4096xf32>
      %swap3A_85 = vector.shape_cast %get3A_80 : vector<4096xf32> to vector<1x4096xf32>
      tpu.vector_store %arg5[%swap3A_81, %swap3A_82], %swap3A_85 {strides = array<i32>} : memref<8x4352xf32, #tpu.memory_space<vmem>>, vector<1x4096xf32>,
      %get3A_86 = arith.constant 0 : index
      %get3A_87 = arith.constant 0 : index
      %get3A_88 = vector.load %arg2[%get3A_86, %get3A_87] : memref<1x4096xf32, #tpu.memory_space<vmem>>, vector<1x4096xf32>
      %get3A_89 = vector.shape_cast %get3A_88 : vector<1x4096xf32> to vector<4096xf32>
      %swap3A_90 = arith.constant 7 : index
      %swap3A_91 = arith.constant 7 : index
      %swap3A_92 = vector.load %arg5[%swap3A_90, %swap3A_91] : memref<8x4352xf32, #tpu.memory_space<vmem>>, vector<1x4096xf32>
      %swap3A_93 = vector.shape_cast %swap3A_92 : vector<1x4096xf32> to vector<4096xf32>
      %swap3A_94 = vector.shape_cast %get3A_89 : vector<4096xf32> to vector<1x4096xf32>
      tpu.vector_store %arg5[%swap3A_90, %swap3A_91], %swap3A_94 {strides = array<i32>} : memref<8x4352xf32, #tpu.memory_space<vmem>>, vector<1x4096xf32>,
      %get3A_95 = arith.constant 0 : index
      %get3A_96 = arith.constant 127 : index
      %get3A_97 = vector.load %arg5[%get3A_95, %get3A_96] : memref<8x4352xf32, #tpu.memory_space<vmem>>, vector<8x4096xf32>
      %swap3A_98 = arith.constant 0 : index
      %swap3A_99 = arith.constant 0 : index
      %swap3A_100 = vector.load %arg4[%swap3A_98, %swap3A_99] : memref<128x4096xf32, #tpu.memory_space<vmem>>, vector<8x4096xf32>
      tpu.vector_store %arg4[%swap3A_98, %swap3A_99], %get3A_97 {strides = array<i32>} : memref<128x4096xf32, #tpu.memory_space<vmem>>, vector<8x4096xf32>,
      %get3A_101 = arith.constant 0 : index
      %get3A_102 = arith.constant 119 : index
      %get3A_103 = vector.load %arg5[%get3A_101, %get3A_102] : memref<8x4352xf32, #tpu.memory_space<vmem>>, vector<8x4096xf32>
      %swap3A_104 = arith.constant 8 : index
      %swap3A_105 = arith.constant 0 : index
      %swap3A_106 = vector.load %arg4[%swap3A_104, %swap3A_105] : memref<128x4096xf32, #tpu.memory_space<vmem>>, vector<8x4096xf32>
      tpu.vector_store %arg4[%swap3A_104, %swap3A_105], %get3A_103 {strides = array<i32>} : memref<128x4096xf32, #tpu.memory_space<vmem>>, vector<8x4096xf32>,
      %get3A_107 = arith.constant 0 : index
      %get3A_108 = arith.constant 111 : index
      %get3A_109 = vector.load %arg5[%get3A_107, %get3A_108] : memref<8x4352xf32, #tpu.memory_space<vmem>>, vector<8x4096xf32>
      %swap3A_110 = arith.constant 16 : index
      %swap3A_111 = arith.constant 0 : index
      %swap3A_112 = vector.load %arg4[%swap3A_110, %swap3A_111] : memref<128x4096xf32, #tpu.memory_space<vmem>>, vector<8x4096xf32>
      tpu.vector_store %arg4[%swap3A_110, %swap3A_111], %get3A_109 {strides = array<i32>} : memref<128x4096xf32, #tpu.memory_space<vmem>>, vector<8x4096xf32>,
      %get3A_113 = arith.constant 0 : index
      %get3A_114 = arith.constant 103 : index
      %get3A_115 = vector.load %arg5[%get3A_113, %get3A_114] : memref<8x4352xf32, #tpu.memory_space<vmem>>, vector<8x4096xf32>
      %swap3A_116 = arith.constant 24 : index
      %swap3A_117 = arith.constant 0 : index
      %swap3A_118 = vector.load %arg4[%swap3A_116, %swap3A_117] : memref<128x4096xf32, #tpu.memory_space<vmem>>, vector<8x4096xf32>
      tpu.vector_store %arg4[%swap3A_116, %swap3A_117], %get3A_115 {strides = array<i32>} : memref<128x4096xf32, #tpu.memory_space<vmem>>, vector<8x4096xf32>,
      %get3A_119 = arith.constant 0 : index
      %get3A_120 = arith.constant 95 : index
      %get3A_121 = vector.load %arg5[%get3A_119, %get3A_120] : memref<8x4352xf32, #tpu.memory_space<vmem>>, vector<8x4096xf32>
      %swap3A_122 = arith.constant 32 : index
      %swap3A_123 = arith.constant 0 : index
      %swap3A_124 = vector.load %arg4[%swap3A_122, %swap3A_123] : memref<128x4096xf32, #tpu.memory_space<vmem>>, vector<8x4096xf32>
      tpu.vector_store %arg4[%swap3A_122, %swap3A_123], %get3A_121 {strides = array<i32>} : memref<128x4096xf32, #tpu.memory_space<vmem>>, vector<8x4096xf32>,
      %get3A_125 = arith.constant 0 : index
      %get3A_126 = arith.constant 87 : index
      %get3A_127 = vector.load %arg5[%get3A_125, %get3A_126] : memref<8x4352xf32, #tpu.memory_space<vmem>>, vector<8x4096xf32>
      %swap3A_128 = arith.constant 40 : index
      %swap3A_129 = arith.constant 0 : index
      %swap3A_130 = vector.load %arg4[%swap3A_128, %swap3A_129] : memref<128x4096xf32, #tpu.memory_space<vmem>>, vector<8x4096xf32>
      tpu.vector_store %arg4[%swap3A_128, %swap3A_129], %get3A_127 {strides = array<i32>} : memref<128x4096xf32, #tpu.memory_space<vmem>>, vector<8x4096xf32>,
      %get3A_131 = arith.constant 0 : index
      %get3A_132 = arith.constant 79 : index
      %get3A_133 = vector.load %arg5[%get3A_131, %get3A_132] : memref<8x4352xf32, #tpu.memory_space<vmem>>, vector<8x4096xf32>
      %swap3A_134 = arith.constant 48 : index
      %swap3A_135 = arith.constant 0 : index
      %swap3A_136 = vector.load %arg4[%swap3A_134, %swap3A_135] : memref<128x4096xf32, #tpu.memory_space<vmem>>, vector<8x4096xf32>
      tpu.vector_store %arg4[%swap3A_134, %swap3A_135], %get3A_133 {strides = array<i32>} : memref<128x4096xf32, #tpu.memory_space<vmem>>, vector<8x4096xf32>,
      %get3A_137 = arith.constant 0 : index
      %get3A_138 = arith.constant 71 : index
      %get3A_139 = vector.load %arg5[%get3A_137, %get3A_138] : memref<8x4352xf32, #tpu.memory_space<vmem>>, vector<8x4096xf32>
      %swap3A_140 = arith.constant 56 : index
      %swap3A_141 = arith.constant 0 : index
      %swap3A_142 = vector.load %arg4[%swap3A_140, %swap3A_141] : memref<128x4096xf32, #tpu.memory_space<vmem>>, vector<8x4096xf32>
      tpu.vector_store %arg4[%swap3A_140, %swap3A_141], %get3A_139 {strides = array<i32>} : memref<128x4096xf32, #tpu.memory_space<vmem>>, vector<8x4096xf32>,
      %get3A_143 = arith.constant 0 : index
      %get3A_144 = arith.constant 63 : index
      %get3A_145 = vector.load %arg5[%get3A_143, %get3A_144] : memref<8x4352xf32, #tpu.memory_space<vmem>>, vector<8x4096xf32>
      %swap3A_146 = arith.constant 64 : index
      %swap3A_147 = arith.constant 0 : index
      %swap3A_148 = vector.load %arg4[%swap3A_146, %swap3A_147] : memref<128x4096xf32, #tpu.memory_space<vmem>>, vector<8x4096xf32>
      tpu.vector_store %arg4[%swap3A_146, %swap3A_147], %get3A_145 {strides = array<i32>} : memref<128x4096xf32, #tpu.memory_space<vmem>>, vector<8x4096xf32>,
      %get3A_149 = arith.constant 0 : index
      %get3A_150 = arith.constant 55 : index
      %get3A_151 = vector.load %arg5[%get3A_149, %get3A_150] : memref<8x4352xf32, #tpu.memory_space<vmem>>, vector<8x4096xf32>
      %swap3A_152 = arith.constant 72 : index
      %swap3A_153 = arith.constant 0 : index
      %swap3A_154 = vector.load %arg4[%swap3A_152, %swap3A_153] : memref<128x4096xf32, #tpu.memory_space<vmem>>, vector<8x4096xf32>
      tpu.vector_store %arg4[%swap3A_152, %swap3A_153], %get3A_151 {strides = array<i32>} : memref<128x4096xf32, #tpu.memory_space<vmem>>, vector<8x4096xf32>,
      %get3A_155 = arith.constant 0 : index
      %get3A_156 = arith.constant 47 : index
      %get3A_157 = vector.load %arg5[%get3A_155, %get3A_156] : memref<8x4352xf32, #tpu.memory_space<vmem>>, vector<8x4096xf32>
      %swap3A_158 = arith.constant 80 : index
      %swap3A_159 = arith.constant 0 : index
      %swap3A_160 = vector.load %arg4[%swap3A_158, %swap3A_159] : memref<128x4096xf32, #tpu.memory_space<vmem>>, vector<8x4096xf32>
      tpu.vector_store %arg4[%swap3A_158, %swap3A_159], %get3A_157 {strides = array<i32>} : memref<128x4096xf32, #tpu.memory_space<vmem>>, vector<8x4096xf32>,
      %get3A_161 = arith.constant 0 : index
      %get3A_162 = arith.constant 39 : index
      %get3A_163 = vector.load %arg5[%get3A_161, %get3A_162] : memref<8x4352xf32, #tpu.memory_space<vmem>>, vector<8x4096xf32>
      %swap3A_164 = arith.constant 88 : index
      %swap3A_165 = arith.constant 0 : index
      %swap3A_166 = vector.load %arg4[%swap3A_164, %swap3A_165] : memref<128x4096xf32, #tpu.memory_space<vmem>>, vector<8x4096xf32>
      tpu.vector_store %arg4[%swap3A_164, %swap3A_165], %get3A_163 {strides = array<i32>} : memref<128x4096xf32, #tpu.memory_space<vmem>>, vector<8x4096xf32>,
      %get3A_167 = arith.constant 0 : index
      %get3A_168 = arith.constant 31 : index
      %get3A_169 = vector.load %arg5[%get3A_167, %get3A_168] : memref<8x4352xf32, #tpu.memory_space<vmem>>, vector<8x4096xf32>
      %swap3A_170 = arith.constant 96 : index
      %swap3A_171 = arith.constant 0 : index
      %swap3A_172 = vector.load %arg4[%swap3A_170, %swap3A_171] : memref<128x4096xf32, #tpu.memory_space<vmem>>, vector<8x4096xf32>
      tpu.vector_store %arg4[%swap3A_170, %swap3A_171], %get3A_169 {strides = array<i32>} : memref<128x4096xf32, #tpu.memory_space<vmem>>, vector<8x4096xf32>,
      %get3A_173 = arith.constant 0 : index
      %get3A_174 = arith.constant 23 : index
      %get3A_175 = vector.load %arg5[%get3A_173, %get3A_174] : memref<8x4352xf32, #tpu.memory_space<vmem>>, vector<8x4096xf32>
      %swap3A_176 = arith.constant 104 : index
      %swap3A_177 = arith.constant 0 : index
      %swap3A_178 = vector.load %arg4[%swap3A_176, %swap3A_177] : memref<128x4096xf32, #tpu.memory_space<vmem>>, vector<8x4096xf32>
      tpu.vector_store %arg4[%swap3A_176, %swap3A_177], %get3A_175 {strides = array<i32>} : memref<128x4096xf32, #tpu.memory_space<vmem>>, vector<8x4096xf32>,
      %get3A_179 = arith.constant 0 : index
      %get3A_180 = arith.constant 15 : index
      %get3A_181 = vector.load %arg5[%get3A_179, %get3A_180] : memref<8x4352xf32, #tpu.memory_space<vmem>>, vector<8x4096xf32>
      %swap3A_182 = arith.constant 112 : index
      %swap3A_183 = arith.constant 0 : index
      %swap3A_184 = vector.load %arg4[%swap3A_182, %swap3A_183] : memref<128x4096xf32, #tpu.memory_space<vmem>>, vector<8x4096xf32>
      tpu.vector_store %arg4[%swap3A_182, %swap3A_183], %get3A_181 {strides = array<i32>} : memref<128x4096xf32, #tpu.memory_space<vmem>>, vector<8x4096xf32>,
      %get3A_185 = arith.constant 0 : index
      %get3A_186 = arith.constant 7 : index
      %get3A_187 = vector.load %arg5[%get3A_185, %get3A_186] : memref<8x4352xf32, #tpu.memory_space<vmem>>, vector<8x4096xf32>
      %swap3A_188 = arith.constant 120 : index
      %swap3A_189 = arith.constant 0 : index
      %swap3A_190 = vector.load %arg4[%swap3A_188, %swap3A_189] : memref<128x4096xf32, #tpu.memory_space<vmem>>, vector<8x4096xf32>
      tpu.vector_store %arg4[%swap3A_188, %swap3A_189], %get3A_187 {strides = array<i32>} : memref<128x4096xf32, #tpu.memory_space<vmem>>, vector<8x4096xf32>,
    } else {
    }
    %mul3A = arith.constant 128 : i32
    %mul3A_2 = arith.muli %mul3A, %arg0 : i32
    %sub3A = arith.constant 1920 : i32
    %sub3A_3 = arith.subi %sub3A, %mul3A_2 : i32
    %multiple_of3A = tpu.assume_multiple %sub3A_3, 128 : i32
    %mul3A_4 = arith.constant 128 : i32
    %mul3A_5 = arith.muli %arg0, %mul3A_4 : i32
    %rem3A = arith.constant 8 : i32
    %rem3A_6 = arith.remsi %arg0, %rem3A : i32
    %ge3A = arith.constant 8 : i32
    %ge3A_7 = arith.cmpi sge, %arg0, %ge3A : i32
    %convert_element_type3A_8 = arith.extui %ge3A_7 : i1 to i32
    %cond3A_9 = arith.constant 0 : i32
    %cond3A_10 = arith.constant 0 : i32
    %cond3A_11 = arith.cmpi ne, %convert_element_type3A_8, %cond3A_10 : i32
    scf.if %cond3A_11 {
      %dma_wait3A = tpu.memref_slice %arg6[%rem3A_6] : memref<8x!tpu.dma_semaphore, #tpu.memory_space<semaphore_mem>> -> memref<1x!tpu.dma_semaphore, #tpu.memory_space<semaphore_mem>>
      %dma_wait3A_25 = tpu.memref_squeeze %dma_wait3A : memref<1x!tpu.dma_semaphore, #tpu.memory_space<semaphore_mem>> -> memref<!tpu.dma_semaphore, #tpu.memory_space<semaphore_mem>>
      %dma_wait3A_26 = arith.constant 0 : i32
      %dma_wait3A_27 = tpu.memref_slice %arg3[%cond3A_9, %mul3A_5, %dma_wait3A_26] : memref<16x2048x2048xf32, #tpu.memory_space<any>> -> memref<1x128x2048xf32, #tpu.memory_space<any>>
      %dma_wait3A_28 = tpu.memref_squeeze %dma_wait3A_27 : memref<1x128x2048xf32, #tpu.memory_space<any>> -> memref<128x2048xf32, #tpu.memory_space<any>>
      %dma_wait3A_29 = arith.constant 0 : i32
      %dma_wait3A_30 = tpu.memref_slice %arg4[%dma_wait3A_29, %multiple_of3A] : memref<128x4096xf32, #tpu.memory_space<vmem>> -> memref<128x2048xf32, #tpu.memory_space<vmem>>
      tpu.wait_dma2 semaphore(%dma_wait3A_25 : memref<!tpu.dma_semaphore, #tpu.memory_space<semaphore_mem>>) src(%dma_wait3A_30 : memref<128x2048xf32, #tpu.memory_space<vmem>>) dst(%dma_wait3A_28 : memref<128x2048xf32, #tpu.memory_space<any>>)
    } else {
    }
    %dma_start3A = arith.constant 0 : i32
    %dma_start3A_12 = tpu.memref_slice %arg6[%rem3A_6] : memref<8x!tpu.dma_semaphore, #tpu.memory_space<semaphore_mem>> -> memref<1x!tpu.dma_semaphore, #tpu.memory_space<semaphore_mem>>
    %dma_start3A_13 = tpu.memref_squeeze %dma_start3A_12 : memref<1x!tpu.dma_semaphore, #tpu.memory_space<semaphore_mem>> -> memref<!tpu.dma_semaphore, #tpu.memory_space<semaphore_mem>>
    %dma_start3A_14 = arith.constant 0 : i32
    %dma_start3A_15 = tpu.memref_slice %arg3[%dma_start3A, %mul3A_5, %dma_start3A_14] : memref<16x2048x2048xf32, #tpu.memory_space<any>> -> memref<1x128x2048xf32, #tpu.memory_space<any>>
    %dma_start3A_16 = tpu.memref_squeeze %dma_start3A_15 : memref<1x128x2048xf32, #tpu.memory_space<any>> -> memref<128x2048xf32, #tpu.memory_space<any>>
    %dma_start3A_17 = arith.constant 0 : i32
    %dma_start3A_18 = tpu.memref_slice %arg4[%dma_start3A_17, %multiple_of3A] : memref<128x4096xf32, #tpu.memory_space<vmem>> -> memref<128x2048xf32, #tpu.memory_space<vmem>>
    tpu.enqueue_dma source(%dma_start3A_18 : memref<128x2048xf32, #tpu.memory_space<vmem>>) target(%dma_start3A_16 : memref<128x2048xf32, #tpu.memory_space<any>>) target_semaphore(%dma_start3A_13 : memref<!tpu.dma_semaphore, #tpu.memory_space<semaphore_mem>>)
    %eq3A_19 = arith.constant 15 : i32
    %eq3A_20 = arith.cmpi eq, %arg0, %eq3A_19 : i32
    %convert_element_type3A_21 = arith.extui %eq3A_20 : i1 to i32
    %cond3A_22 = arith.constant 0 : i32
    %cond3A_23 = arith.constant 0 : i32
    %cond3A_24 = arith.cmpi ne, %convert_element_type3A_21, %cond3A_23 : i32
    scf.if %cond3A_24 {
      %dma_wait3A = arith.constant 0 : i32
      %dma_wait3A_25 = tpu.memref_slice %arg6[%dma_wait3A] : memref<8x!tpu.dma_semaphore, #tpu.memory_space<semaphore_mem>> -> memref<1x!tpu.dma_semaphore, #tpu.memory_space<semaphore_mem>>
      %dma_wait3A_26 = tpu.memref_squeeze %dma_wait3A_25 : memref<1x!tpu.dma_semaphore, #tpu.memory_space<semaphore_mem>> -> memref<!tpu.dma_semaphore, #tpu.memory_space<semaphore_mem>>
      %dma_wait3A_27 = arith.constant 0 : i32
      %dma_wait3A_28 = tpu.memref_slice %arg3[%cond3A_22, %mul3A_5, %dma_wait3A_27] : memref<16x2048x2048xf32, #tpu.memory_space<any>> -> memref<1x128x2048xf32, #tpu.memory_space<any>>
      %dma_wait3A_29 = tpu.memref_squeeze %dma_wait3A_28 : memref<1x128x2048xf32, #tpu.memory_space<any>> -> memref<128x2048xf32, #tpu.memory_space<any>>
      %dma_wait3A_30 = arith.constant 0 : i32
      %dma_wait3A_31 = tpu.memref_slice %arg4[%dma_wait3A_30, %multiple_of3A] : memref<128x4096xf32, #tpu.memory_space<vmem>> -> memref<128x2048xf32, #tpu.memory_space<vmem>>
      tpu.wait_dma2 semaphore(%dma_wait3A_26 : memref<!tpu.dma_semaphore, #tpu.memory_space<semaphore_mem>>) src(%dma_wait3A_31 : memref<128x2048xf32, #tpu.memory_space<vmem>>) dst(%dma_wait3A_29 : memref<128x2048xf32, #tpu.memory_space<any>>)
      %dma_wait3A_32 = arith.constant 1 : i32
      %dma_wait3A_33 = tpu.memref_slice %arg6[%dma_wait3A_32] : memref<8x!tpu.dma_semaphore, #tpu.memory_space<semaphore_mem>> -> memref<1x!tpu.dma_semaphore, #tpu.memory_space<semaphore_mem>>
      %dma_wait3A_34 = tpu.memref_squeeze %dma_wait3A_33 : memref<1x!tpu.dma_semaphore, #tpu.memory_space<semaphore_mem>> -> memref<!tpu.dma_semaphore, #tpu.memory_space<semaphore_mem>>
      %dma_wait3A_35 = arith.constant 0 : i32
      %dma_wait3A_36 = tpu.memref_slice %arg3[%cond3A_22, %mul3A_5, %dma_wait3A_35] : memref<16x2048x2048xf32, #tpu.memory_space<any>> -> memref<1x128x2048xf32, #tpu.memory_space<any>>
      %dma_wait3A_37 = tpu.memref_squeeze %dma_wait3A_36 : memref<1x128x2048xf32, #tpu.memory_space<any>> -> memref<128x2048xf32, #tpu.memory_space<any>>
      %dma_wait3A_38 = arith.constant 0 : i32
      %dma_wait3A_39 = tpu.memref_slice %arg4[%dma_wait3A_38, %multiple_of3A] : memref<128x4096xf32, #tpu.memory_space<vmem>> -> memref<128x2048xf32, #tpu.memory_space<vmem>>
      tpu.wait_dma2 semaphore(%dma_wait3A_34 : memref<!tpu.dma_semaphore, #tpu.memory_space<semaphore_mem>>) src(%dma_wait3A_39 : memref<128x2048xf32, #tpu.memory_space<vmem>>) dst(%dma_wait3A_37 : memref<128x2048xf32, #tpu.memory_space<any>>)
      %dma_wait3A_40 = arith.constant 2 : i32
      %dma_wait3A_41 = tpu.memref_slice %arg6[%dma_wait3A_40] : memref<8x!tpu.dma_semaphore, #tpu.memory_space<semaphore_mem>> -> memref<1x!tpu.dma_semaphore, #tpu.memory_space<semaphore_mem>>
      %dma_wait3A_42 = tpu.memref_squeeze %dma_wait3A_41 : memref<1x!tpu.dma_semaphore, #tpu.memory_space<semaphore_mem>> -> memref<!tpu.dma_semaphore, #tpu.memory_space<semaphore_mem>>
      %dma_wait3A_43 = arith.constant 0 : i32
      %dma_wait3A_44 = tpu.memref_slice %arg3[%cond3A_22, %mul3A_5, %dma_wait3A_43] : memref<16x2048x2048xf32, #tpu.memory_space<any>> -> memref<1x128x2048xf32, #tpu.memory_space<any>>
      %dma_wait3A_45 = tpu.memref_squeeze %dma_wait3A_44 : memref<1x128x2048xf32, #tpu.memory_space<any>> -> memref<128x2048xf32, #tpu.memory_space<any>>
      %dma_wait3A_46 = arith.constant 0 : i32
      %dma_wait3A_47 = tpu.memref_slice %arg4[%dma_wait3A_46, %multiple_of3A] : memref<128x4096xf32, #tpu.memory_space<vmem>> -> memref<128x2048xf32, #tpu.memory_space<vmem>>
      tpu.wait_dma2 semaphore(%dma_wait3A_42 : memref<!tpu.dma_semaphore, #tpu.memory_space<semaphore_mem>>) src(%dma_wait3A_47 : memref<128x2048xf32, #tpu.memory_space<vmem>>) dst(%dma_wait3A_45 : memref<128x2048xf32, #tpu.memory_space<any>>)
      %dma_wait3A_48 = arith.constant 3 : i32
      %dma_wait3A_49 = tpu.memref_slice %arg6[%dma_wait3A_48] : memref<8x!tpu.dma_semaphore, #tpu.memory_space<semaphore_mem>> -> memref<1x!tpu.dma_semaphore, #tpu.memory_space<semaphore_mem>>
      %dma_wait3A_50 = tpu.memref_squeeze %dma_wait3A_49 : memref<1x!tpu.dma_semaphore, #tpu.memory_space<semaphore_mem>> -> memref<!tpu.dma_semaphore, #tpu.memory_space<semaphore_mem>>
      %dma_wait3A_51 = arith.constant 0 : i32
      %dma_wait3A_52 = tpu.memref_slice %arg3[%cond3A_22, %mul3A_5, %dma_wait3A_51] : memref<16x2048x2048xf32, #tpu.memory_space<any>> -> memref<1x128x2048xf32, #tpu.memory_space<any>>
      %dma_wait3A_53 = tpu.memref_squeeze %dma_wait3A_52 : memref<1x128x2048xf32, #tpu.memory_space<any>> -> memref<128x2048xf32, #tpu.memory_space<any>>
      %dma_wait3A_54 = arith.constant 0 : i32
      %dma_wait3A_55 = tpu.memref_slice %arg4[%dma_wait3A_54, %multiple_of3A] : memref<128x4096xf32, #tpu.memory_space<vmem>> -> memref<128x2048xf32, #tpu.memory_space<vmem>>
      tpu.wait_dma2 semaphore(%dma_wait3A_50 : memref<!tpu.dma_semaphore, #tpu.memory_space<semaphore_mem>>) src(%dma_wait3A_55 : memref<128x2048xf32, #tpu.memory_space<vmem>>) dst(%dma_wait3A_53 : memref<128x2048xf32, #tpu.memory_space<any>>)
      %dma_wait3A_56 = arith.constant 4 : i32
      %dma_wait3A_57 = tpu.memref_slice %arg6[%dma_wait3A_56] : memref<8x!tpu.dma_semaphore, #tpu.memory_space<semaphore_mem>> -> memref<1x!tpu.dma_semaphore, #tpu.memory_space<semaphore_mem>>
      %dma_wait3A_58 = tpu.memref_squeeze %dma_wait3A_57 : memref<1x!tpu.dma_semaphore, #tpu.memory_space<semaphore_mem>> -> memref<!tpu.dma_semaphore, #tpu.memory_space<semaphore_mem>>
      %dma_wait3A_59 = arith.constant 0 : i32
      %dma_wait3A_60 = tpu.memref_slice %arg3[%cond3A_22, %mul3A_5, %dma_wait3A_59] : memref<16x2048x2048xf32, #tpu.memory_space<any>> -> memref<1x128x2048xf32, #tpu.memory_space<any>>
      %dma_wait3A_61 = tpu.memref_squeeze %dma_wait3A_60 : memref<1x128x2048xf32, #tpu.memory_space<any>> -> memref<128x2048xf32, #tpu.memory_space<any>>
      %dma_wait3A_62 = arith.constant 0 : i32
      %dma_wait3A_63 = tpu.memref_slice %arg4[%dma_wait3A_62, %multiple_of3A] : memref<128x4096xf32, #tpu.memory_space<vmem>> -> memref<128x2048xf32, #tpu.memory_space<vmem>>
      tpu.wait_dma2 semaphore(%dma_wait3A_58 : memref<!tpu.dma_semaphore, #tpu.memory_space<semaphore_mem>>) src(%dma_wait3A_63 : memref<128x2048xf32, #tpu.memory_space<vmem>>) dst(%dma_wait3A_61 : memref<128x2048xf32, #tpu.memory_space<any>>)
      %dma_wait3A_64 = arith.constant 5 : i32
      %dma_wait3A_65 = tpu.memref_slice %arg6[%dma_wait3A_64] : memref<8x!tpu.dma_semaphore, #tpu.memory_space<semaphore_mem>> -> memref<1x!tpu.dma_semaphore, #tpu.memory_space<semaphore_mem>>
      %dma_wait3A_66 = tpu.memref_squeeze %dma_wait3A_65 : memref<1x!tpu.dma_semaphore, #tpu.memory_space<semaphore_mem>> -> memref<!tpu.dma_semaphore, #tpu.memory_space<semaphore_mem>>
      %dma_wait3A_67 = arith.constant 0 : i32
      %dma_wait3A_68 = tpu.memref_slice %arg3[%cond3A_22, %mul3A_5, %dma_wait3A_67] : memref<16x2048x2048xf32, #tpu.memory_space<any>> -> memref<1x128x2048xf32, #tpu.memory_space<any>>
      %dma_wait3A_69 = tpu.memref_squeeze %dma_wait3A_68 : memref<1x128x2048xf32, #tpu.memory_space<any>> -> memref<128x2048xf32, #tpu.memory_space<any>>
      %dma_wait3A_70 = arith.constant 0 : i32
      %dma_wait3A_71 = tpu.memref_slice %arg4[%dma_wait3A_70, %multiple_of3A] : memref<128x4096xf32, #tpu.memory_space<vmem>> -> memref<128x2048xf32, #tpu.memory_space<vmem>>
      tpu.wait_dma2 semaphore(%dma_wait3A_66 : memref<!tpu.dma_semaphore, #tpu.memory_space<semaphore_mem>>) src(%dma_wait3A_71 : memref<128x2048xf32, #tpu.memory_space<vmem>>) dst(%dma_wait3A_69 : memref<128x2048xf32, #tpu.memory_space<any>>)
      %dma_wait3A_72 = arith.constant 6 : i32
      %dma_wait3A_73 = tpu.memref_slice %arg6[%dma_wait3A_72] : memref<8x!tpu.dma_semaphore, #tpu.memory_space<semaphore_mem>> -> memref<1x!tpu.dma_semaphore, #tpu.memory_space<semaphore_mem>>
      %dma_wait3A_74 = tpu.memref_squeeze %dma_wait3A_73 : memref<1x!tpu.dma_semaphore, #tpu.memory_space<semaphore_mem>> -> memref<!tpu.dma_semaphore, #tpu.memory_space<semaphore_mem>>
      %dma_wait3A_75 = arith.constant 0 : i32
      %dma_wait3A_76 = tpu.memref_slice %arg3[%cond3A_22, %mul3A_5, %dma_wait3A_75] : memref<16x2048x2048xf32, #tpu.memory_space<any>> -> memref<1x128x2048xf32, #tpu.memory_space<any>>
      %dma_wait3A_77 = tpu.memref_squeeze %dma_wait3A_76 : memref<1x128x2048xf32, #tpu.memory_space<any>> -> memref<128x2048xf32, #tpu.memory_space<any>>
      %dma_wait3A_78 = arith.constant 0 : i32
      %dma_wait3A_79 = tpu.memref_slice %arg4[%dma_wait3A_78, %multiple_of3A] : memref<128x4096xf32, #tpu.memory_space<vmem>> -> memref<128x2048xf32, #tpu.memory_space<vmem>>
      tpu.wait_dma2 semaphore(%dma_wait3A_74 : memref<!tpu.dma_semaphore, #tpu.memory_space<semaphore_mem>>) src(%dma_wait3A_79 : memref<128x2048xf32, #tpu.memory_space<vmem>>) dst(%dma_wait3A_77 : memref<128x2048xf32, #tpu.memory_space<any>>)
      %dma_wait3A_80 = arith.constant 7 : i32
      %dma_wait3A_81 = tpu.memref_slice %arg6[%dma_wait3A_80] : memref<8x!tpu.dma_semaphore, #tpu.memory_space<semaphore_mem>> -> memref<1x!tpu.dma_semaphore, #tpu.memory_space<semaphore_mem>>
      %dma_wait3A_82 = tpu.memref_squeeze %dma_wait3A_81 : memref<1x!tpu.dma_semaphore, #tpu.memory_space<semaphore_mem>> -> memref<!tpu.dma_semaphore, #tpu.memory_space<semaphore_mem>>
      %dma_wait3A_83 = arith.constant 0 : i32
      %dma_wait3A_84 = tpu.memref_slice %arg3[%cond3A_22, %mul3A_5, %dma_wait3A_83] : memref<16x2048x2048xf32, #tpu.memory_space<any>> -> memref<1x128x2048xf32, #tpu.memory_space<any>>
      %dma_wait3A_85 = tpu.memref_squeeze %dma_wait3A_84 : memref<1x128x2048xf32, #tpu.memory_space<any>> -> memref<128x2048xf32, #tpu.memory_space<any>>
      %dma_wait3A_86 = arith.constant 0 : i32
      %dma_wait3A_87 = tpu.memref_slice %arg4[%dma_wait3A_86, %multiple_of3A] : memref<128x4096xf32, #tpu.memory_space<vmem>> -> memref<128x2048xf32, #tpu.memory_space<vmem>>
      tpu.wait_dma2 semaphore(%dma_wait3A_82 : memref<!tpu.dma_semaphore, #tpu.memory_space<semaphore_mem>>) src(%dma_wait3A_87 : memref<128x2048xf32, #tpu.memory_space<vmem>>) dst(%dma_wait3A_85 : memref<128x2048xf32, #tpu.memory_space<any>>)
    } else {
    }
    return
  }
  func.func @transform_1(%arg0: i32) -> (i32, i32) {
    %c0_i32 = arith.constant 0 : i32
    %c0_i32_0 = arith.constant 0 : i32
    %c0_i32_1 = arith.constant 0 : i32
    return %c0_i32, %c0_i32_0 : i32, i32
  }
}

</mosaic_0001>

<sc_bundles>
// kernel: kernel.5.cloned.1.call-start
scs
__scs_entry_jumppad:
0x0: {  	(pc) =	sbr.rel $0x88, $3  }
0x1: {  	(tag) =	ssettag $0x0;
	lr =	simm.s32 $0x1  }
0x2: {  	[smem:$0x3FA0] =	sst lr;
	_ =	strace $0xD0000000  }
0x3: {  	_ = 	snop  }
0x4: {  	_ = 	snop  }
0x5: {  	_ = 	snop  }
0x6: {  	_ = 	snop  }
0x7: {  	_ = 	snop  }
__scs_overlays_trampoline_lowered:
0x8: {  	[smem:$0x3FAF] =	sst s0  }
0x9: {  	[smem:$0x3FB0] =	sst s1  }
0xa: {  	[smem:$0x3FB1] =	sst s2  }
0xb: {  	[smem:$0x3FB2] =	sst s3  }
0xc: {  	[smem:$0x3FB3] =	sst s4  }
0xd: {  	[smem:$0x3FB4] =	sst s5  }
0xe: {  	[smem:$0x3FB5] =	sst s6  }
0xf: {  	[smem:$0x3FB6] =	sst s7  }
0x10: {  	[smem:$0x3FB7] =	sst s8  }
0x11: {  	[smem:$0x3FB8] =	sst s9;
	s0 =	simm.s32 @!p0 $0x0  }
0x12: {  	s1 =	sld [smem:$0x3F9E];
	s0 =	simm.s32 @p0 $0x1  }
0x13: {  	[smem:$0x3FB9] =	sst s0;
	s0 =	simm.s32 @!p1 $0x0  }
0x14: {  	s2 =	sld [smem:$0x3F9D];
	s0 =	simm.s32 @p1 $0x1  }
0x15: {  	[smem:$0x3FBA] =	sst s0;
	s0 =	simm.s32 @!p2 $0x0  }
0x16: {  	s3 =	sld [smem:$0x3FDB];
	s0 =	simm.s32 @p2 $0x1  }
0x17: {  	s4 =	simm.s32 $0x1BF5;
	[smem:$0x3FBC] =	sst s0  }
0x18: {  	s0 =	sld [smem:$0x3F9F];
	_ =	swait.ge [sflag:s4], $0x0  }
0x19: {  	s7 =	sld [smem:$0x3FA0]  }
0x1a: {  	s8 =	sadd.s32 $0xFFFFE003, lr  }
0x1b: {  	s9 =	sadd.s32 $0xFFFFFEF7, lr;
	s5 =	simm.s32 $0xFFFFFFFF;
	p2 =	slt.u32 s8, $0xFFFFF086  }
0x1c: {  	p1 =	slt.u32 s9, $0xF7A;
	s5 =	simm.s32 @!p2 $0x0  }
0x1d: {  	s5 =	simm.s32 @p1 $0x1;
	p0 =	seq.s32 s7, s2  }
0x1e: {  	s7 =	smul.u32 @!p0 $0xF7A, s2;
	p2 =	seq.s32 @!p0 s5, $0x0  }
0x1f: {  	s9 =	smul.u32 $0xF7A, s1;
	s8 =	simm.s32 @!p0 $0x1BF5;
	p2 =	por !p2, p0  }
0x20: {  	[sflag:s8] =	ssyncset.s32 @!p0 $0xFFFFF086;
	s6 =	sadd.s32 @!p0 s3, s7;
	s7 =	simm.s32 @!p0 $0x108  }
0x21: {  	s3 =	sadd.s32 s3, s9;
	s6 =	sadd.s32 @!p0 $0x88, s6;
	s7 =	simm.s32 @p2 $0x1082  }
0x22: {  	[simem:s7], [sflag:s8] =	dma.local @!p0 [hbm:s6], $0xF7A  }
0x23: {  	s9 =	sor.u32 $0xD0000000, s2;
	s6 =	simm.s32 $0x108;
	_ =	swait.ge @!p0 [sflag:s8], $0x0  }
0x24: {  	s3 =	sadd.s32 $0x88, s3;
	s6 =	simm.s32 @!p1 $0x1082;
	[sflag:s4] =	ssyncset.s32 $0xFFFFF086  }
0x25: {  	[simem:s6], [sflag:s4] =	dma.local [hbm:s3], $0xF7A  }
0x26: {  	[smem:$0x3FA0] =	sst s1;
	(tag) =	ssettag s2;
	_ =	strace s9  }
0x27: {  	s1 =	sld [smem:$0x3FB0]  }
0x28: {  	s2 =	sld [smem:$0x3FB1]  }
0x29: {  	s4 =	sld [smem:$0x3FB3]  }
0x2a: {  	p0 =	seq.s32 s5, $0x0;
	s5 =	sld [smem:$0x3FB4]  }
0x2b: {  	s6 =	sld [smem:$0x3FB5]  }
0x2c: {  	s7 =	sld [smem:$0x3FB6]  }
0x2d: {  	s3 =	simm.s32 $0x108;
	s8 =	sld [smem:$0x3FB7]  }
0x2e: {  	s3 =	simm.s32 @!p0 $0x1082;
	s9 =	sld [smem:$0x3FB8]  }
0x2f: {  	lr =	sadd.s32 s0, s3;
	s0 =	sld [smem:$0x3FAF]  }
0x30: {  	s3 =	sld [smem:$0x3FB2]  }
0x31: {  	[smem:$0x3FBB] =	sst s10  }
0x32: {  	s10 =	sld [smem:$0x3FB9];
	_ =	sdelay $0x3  }
0x33: {  	p0 =	seq.s32 s10, $0x1;
	s10 =	sld [smem:$0x3FBB];
	_ =	sdelay $0x3  }
0x34: {  	[smem:$0x3FBB] =	sst s10  }
0x35: {  	s10 =	sld [smem:$0x3FBA];
	_ =	sdelay $0x3  }
0x36: {  	p1 =	seq.s32 s10, $0x1;
	s10 =	sld [smem:$0x3FBB];
	_ =	sdelay $0x3  }
0x37: {  	[smem:$0x3FBB] =	sst s10  }
0x38: {  	s10 =	sld [smem:$0x3FBC]  }
0x39: {  	_ = 	snop;
	(pc) =	sbr.ind lr, $3  }
0x3a: {  	_ = 	snop  }
0x3b: {  	_ = 	snop  }
0x3c: {  	p2 =	seq.s32 s10, $0x1;
	s10 =	sld [smem:$0x3FBB]  }
0x3d: {  	_ =	shalt  }
0x3e: {  	_ =	shalt  }
0x3f: {  	_ =	shalt  }
0x40: {  	_ =	shalt  }
0x41: {  	_ =	shalt  }
0x42: {  	_ =	shalt  }
0x43: {  	_ =	shalt  }
0x44: {  	_ =	shalt  }
0x45: {  	_ =	shalt  }
0x46: {  	_ =	shalt  }
0x47: {  	_ =	shalt  }
0x48: {  	_ =	shalt  }
0x49: {  	_ =	shalt  }
0x4a: {  	_ =	shalt  }
0x4b: {  	_ =	shalt  }
0x4c: {  	_ =	shalt  }
0x4d: {  	_ =	shalt  }
0x4e: {  	_ =	shalt  }
0x4f: {  	_ =	shalt  }
0x50: {  	_ =	shalt  }
0x51: {  	_ =	shalt  }
0x52: {  	_ =	shalt  }
0x53: {  	_ =	shalt  }
0x54: {  	_ =	shalt  }
0x55: {  	_ =	shalt  }
0x56: {  	_ =	shalt  }
0x57: {  	_ =	shalt  }
0x58: {  	_ =	shalt  }
0x59: {  	_ =	shalt  }
0x5a: {  	_ =	shalt  }
0x5b: {  	_ =	shalt  }
0x5c: {  	_ =	shalt  }
0x5d: {  	_ =	shalt  }
0x5e: {  	_ =	shalt  }
0x5f: {  	_ =	shalt  }
0x60: {  	_ =	shalt  }
0x61: {  	_ =	shalt  }
0x62: {  	_ =	shalt  }
0x63: {  	_ =	shalt  }
0x64: {  	_ =	shalt  }
0x65: {  	_ =	shalt  }
0x66: {  	_ =	shalt  }
0x67: {  	_ =	shalt  }
0x68: {  	_ =	shalt  }
0x69: {  	_ =	shalt  }
0x6a: {  	_ =	shalt  }
0x6b: {  	_ =	shalt  }
0x6c: {  	_ =	shalt  }
0x6d: {  	_ =	shalt  }
0x6e: {  	_ =	shalt  }
0x6f: {  	_ =	shalt  }
0x70: {  	_ =	shalt  }
0x71: {  	_ =	shalt  }
0x72: {  	_ =	shalt  }
0x73: {  	_ =	shalt  }
0x74: {  	_ =	shalt  }
0x75: {  	_ =	shalt  }
0x76: {  	_ =	shalt  }
0x77: {  	_ =	shalt  }
0x78: {  	_ =	shalt  }
0x79: {  	_ =	shalt  }
0x7a: {  	_ =	shalt  }
0x7b: {  	_ =	shalt  }
0x7c: {  	_ =	shalt  }
0x7d: {  	_ =	shalt  }
0x7e: {  	_ =	shalt  }
0x7f: {  	_ =	shalt  }
0x80: {  	_ =	shalt  }
0x81: {  	_ =	shalt  }
0x82: {  	_ =	shalt  }
0x83: {  	_ =	shalt  }
0x84: {  	_ =	shalt  }
0x85: {  	_ =	shalt  }
0x86: {  	_ =	shalt  }
0x87: {  	_ =	shalt  }
.Lfunc_end0:
.L_simem_size_0:
called_computation_lowered:
.L_overlay_start_0:
0x88: {  	s0 =	sld [smem:$0x3FD9]  }
0x89: {  	s1 =	sld [smem:$0x3FFE];
	_ =	sdelay $0x3  }
0x8a: {  	s0 =	sadd.s32 s1, s0  }
0x8b: {  	[smem:$0x3FC7] =	sst s0  }
0x8c: {  	_ = 	snop  }
0x8d: {  	(tm) =	ssettm $0x1  }
0x8e: {  	s15 =	sld [smem:$0x3FFB];
	_ =	sdelay $0x3  }
0x8f: {  	_ =	strace s15  }
0x90: {  	s0 =	sld [smem:$0x3FFC];
	_ =	sdelay $0x3  }
0x91: {  	_ =	strace s0  }
0x92: {  	s0 =	sld [smem:$0x3FFD];
	_ =	sdelay $0x3  }
0x93: {  	_ =	strace s0  }
0x94: {  	_ =	strace $0x8FFFFFFF  }
0x95: {  	s16 =	sld [smem:$0x3FDB];
	_ =	sdelay $0x1  }
0x96: {  	s17 =	simm.s32 $_scs_section_size  }
0x97: {  	s2 =	simm.s32 $_size__tile_overlayer_lowered;
	s3 =	simm.s32 $_tile_overlayer_lowered  }
0x98: {  	s20 =	simm.s32 $0x1BFF;
	s19 =	sshll.u32 s3, $0x1;
	s0 =	sadd.s32 s17, s16  }
0x99: {  	s4 =	simm.s32 $0x0;
	s18 =	sshll.u32 s2, $0x1;
	s2 =	sadd.s32 s19, s0  }
0x9a: {  	[timem:s4], [sflag:s20] =	dma.local [hbm:s2], s18  }
0x9b: {  	_ =	swait.ge [sflag:s20], s18  }
0x9c: {  	s1 =	ssub.s32 $0x0, s18;
	[sflag:s20] =	ssyncset.done $0x0  }
0x9d: {  	[sflag:s20] =	ssyncadd.s32 s1;
	_ =	sdelay $0x1  }
0x9e: {  	s21 =	simm.s32 $0x1B8B  }
0x9f: {  	_ =	swait.ge [sflag:s21], $0x1  }
0xa0: {  	[sflag:s21] =	ssyncset.done $0x0  }
0xa1: {  	s23 =	simm.s32 $0x1B8E;
	s22 =	sld [smem:$0x3FFE];
	[sflag:s21] =	ssyncadd.s32 $0xFFFFFFFF  }
0xa2: {  	s24 =	simm.s32 $execute0_lowered;
	[smem:$0x3FD2] =	sst s23  }
0xa3: {  	s2 =	sshll.u32 s24, $0x1;
	_ =	strace $0x80000046;
	[dreg:$0x1] =	wrdreg $0xFFFFFFFF  }
0xa4: {  	s25 =	simm.s32 $_size_execute0_lowered;
	s0 =	sadd.s32 s0, s2;
	[dreg:$0x0] =	wrdreg $0x0  }
0xa5: {  	s2 =	sshll.u32 s25, $0x1;
	[dreg:$0x2] =	wrdreg s0  }
0xa6: {  	[dreg:$0x3] =	wrdreg s2  }
0xa7: {  	[dreg:$0x4] =	wrdreg $0xC0  }
0xa8: {  	_ =	task [dreg:s4], $0x5FFFF  }
0xa9: {  	[dreg:$0x1] =	wrdreg $0xFFFFFFFF  }
0xaa: {  	[dreg:$0x0] =	wrdreg $0x60  }
0xab: {  	[dreg:$0x2] =	wrdreg s22  }
0xac: {  	[dreg:$0x3] =	wrdreg $0x9  }
0xad: {  	_ =	task.clear_ibuf [dreg:s4], $0x4FFFF;
	_ =	strace $0x90000046  }
0xae: {  	s26 =	simm.s32 $0x9;
	_ =	strace $0x80000048  }
0xaf: {  	_ =	swait.ge [sflag:s26], $0x1  }
0xb0: {  	[sflag:s26] =	ssyncadd.s32 $0xFFFFFFFF  }
0xb1: {  	_ =	strace $0x90000048  }
0xb2: {  	_ =	sfence  }
0xb3: {  	s28 =	sld [smem:$0x0];
	_ =	sdelay $0x1  }
0xb4: {  	s29 =	srdreg.scid  }
0xb5: {  	s30 =	sshll.u32 s29, $0xD;
	s31 =	sshrl.u32 s29, $0x2  }
0xb6: {  	s1 =	sand.u32 $0x1, s29;
	s2 =	sand.u32 $0x4000, s30;
	s0 =	sadd.s32 s31, s28  }
0xb7: {  	s1 =	sor.u32 s2, s1;
	s0 =	sshll.u32 s0, $0x11  }
0xb8: {  	s0 =	sor.u32 s0, s1  }
0xb9: {  	s0 =	sadd.s32 $0x8F2B, s0  }
0xba: {  	[sflag:s0] =	ssyncadd.remote.s32 $0x1  }
0xbb: {  	_ =	sfence.sel $0xFFFF  }
0xbc: {  	[dreg:$0x0] =	wrdreg $0xFFFFFFFF;
	(pc) =	sbr.abs _section_cstart, $3  }
0xbd: {  	[dreg:$0x1] =	wrdreg $0xFFFFFFFF  }
0xbe: {  	_ =	task.clear_ibuf [dreg:s4], $0x2FFFF;
	_ =	strace $0x9FFFFFFF  }
0xbf: {  	(tm) =	ssettm $0x7FFFFFFF  }
tec
execute0_lowered:
.L_overlay_start_1:
0x0: {  	(tag) =	ssettag $0x1  }
0x1: {  	s0 =	stileid.u32;
	v0 =	vlaneseq.u32  }
0x2: {  	s1 =	sshll.u32 s0, $0x8;
	v3 =	vadd.s32 $0xFFFFF801, v0  }
0x3: {  	v2 =	vimm.s32 $0x8;
	v4 =	vadd.s32 s1, v3;
	s2 =	sor.u32 $0x10, s1  }
0x4: {  	v0 =	vimm.s32 $0x0;
	s15 =	sor.u32 $0x20, s1;
	s16 =	sor.u32 $0x30, s1;
	s17 =	sor.u32 $0x40, s1;
	v13 =	vsub.s32 $0x0, v4;
	v7 =	vadd.s32 s2, v3  }
0x5: {  	s18 =	sor.u32 $0x50, s1;
	s19 =	sor.u32 $0x60, s1;
	v26 =	vadd.s32 s15, v3;
	v34 =	vadd.s32 s16, v3;
	v43 =	vadd.s32 s17, v3  }
0x6: {  	v52 =	vadd.s32 s18, v3;
	v61 =	vadd.s32 s19, v3;
	v1 =	vmin.u32 v4, v13  }
0x7: {  	v8 =	vsub.s32 $0x0, v7;
	v9 =	vsub.s32 $0x0, v26;
	v11 =	vsub.s32 $0x0, v34  }
0x8: {  	v45 =	vsub.s32 $0x0, v43;
	v12 =	vsub.s32 $0x0, v52;
	vm0 =	vgt.s32 v1, $0xB  }
0x9: {  	vm1 =	vgt.s32 v1, $0xF;
	vm4 =	vgt.s32 v1, $0x16;
	vm5 =	vgt.s32 v1, $0x1F  }
0xa: {  	vm6 =	vgt.s32 v1, $0x2D;
	vm7 =	vgt.s32 v1, $0x3F;
	vm8 =	vgt.s32 v1, $0x5A  }
0xb: {  	vm9 =	vlt.s32 v1, $0x8;
	v19 =	vmin.u32 v7, v8;
	v9 =	vmin.u32 v26, v9  }
0xc: {  	v36 =	vmin.u32 v34, v11;
	v46 =	vmin.u32 v43, v45;
	v12 =	vmin.u32 v52, v12  }
0xd: {  	v5 =	vsel vm0, $0x9, v2;
	v6 =	vsel vm1, $0x1, v0;
	v14 =	vsel vm4, $0x1, v0  }
0xe: {  	v15 =	vsel vm5, $0x1, v0;
	v16 =	vsel vm6, $0x1, v0;
	v17 =	vsel vm7, $0x1, v0  }
0xf: {  	v18 =	vsel vm8, $0x1, v0;
	vm10 =	vgt.s32 v19, $0xB;
	vm11 =	vgt.s32 v19, $0xF  }
0x10: {  	vm12 =	vgt.s32 v19, $0x16;
	vm13 =	vgt.s32 v19, $0x1F;
	vm14 =	vgt.s32 v19, $0x2D  }
0x11: {  	vm0 =	vlt.s32 v0, v4;
	vm15 =	vgt.s32 v19, $0x3F;
	vm4 =	vgt.s32 v19, $0x5A  }
0x12: {  	vm5 =	vgt.u32 v9, $0xB;
	vm2 =	vgt.u32 v9, $0xF;
	vm6 =	vgt.u32 v9, $0x16  }
0x13: {  	vm7 =	vgt.u32 v9, $0x1F;
	vm8 =	vgt.u32 v9, $0x2D;
	vm1 =	vlt.s32 v0, v7  }
0x14: {  	vm3 =	vgt.s32 v36, $0xB;
	v5 =	vadd.s32 v6, v5;
	v20 =	vsel vm10, $0x9, v2  }
0x15: {  	v21 =	vsel vm11, $0x1, v0;
	v22 =	vsel vm12, $0x1, v0;
	v23 =	vsel vm13, $0x1, v0  }
0x16: {  	v25 =	vsel vm14, $0x1, v0;
	v27 =	vsel vm15, $0x1, v0;
	v28 =	vsel vm4, $0x1, v0  }
0x17: {  	v29 =	vsel vm5, $0x9, v2;
	v10 =	vsel vm2, $0x1, v0;
	v30 =	vsel vm6, $0x1, v0  }
0x18: {  	v31 =	vsel vm7, $0x1, v0;
	v32 =	vsel vm8, $0x1, v0;
	vm10 =	vgt.u32 v9, $0x3F  }
0x19: {  	vm11 =	vgt.u32 v9, $0x5A;
	vm12 =	vlt.u32 v9, $0x8;
	vm4 =	vgt.s32 v36, $0xF  }
0x1a: {  	v37 =	vsel vm3, $0x9, v2;
	vm13 =	vgt.s32 v36, $0x16;
	vm14 =	vgt.s32 v36, $0x1F  }
0x1b: {  	vm15 =	vgt.s32 v36, $0x2D;
	vm2 =	vlt.s32 v0, v26;
	vm6 =	vgt.s32 v36, $0x3F  }
0x1c: {  	vm7 =	vgt.s32 v36, $0x5A;
	vm8 =	vlt.s32 v36, $0x8;
	vm3 =	vlt.s32 v0, v34  }
0x1d: {  	vm5 =	vgt.u32 v12, $0xF;
	v5 =	vadd.s32 v14, v5;
	v33 =	vsel vm10, $0x1, v0  }
0x1e: {  	v35 =	vsel vm11, $0x1, v0;
	v38 =	vsel vm4, $0x1, v0;
	v39 =	vsel vm13, $0x1, v0  }
0x1f: {  	v40 =	vsel vm14, $0x1, v0;
	v41 =	vsel vm15, $0x1, v0;
	v42 =	vsel vm6, $0x1, v0  }
0x20: {  	v44 =	vsel vm7, $0x1, v0;
	vm10 =	vgt.u32 v46, $0xF;
	vm11 =	vgt.u32 v46, $0x16  }
0x21: {  	vm13 =	vgt.u32 v46, $0x2D;
	vm14 =	vgt.u32 v46, $0x3F;
	vm15 =	vgt.u32 v46, $0x5A  }
0x22: {  	v13 =	vsel vm5, $0x1, v0;
	v14 =	vsub.s32 $0x0, v61;
	vm4 =	vlt.s32 v0, v43  }
0x23: {  	vm5 =	vlt.s32 v0, v52;
	v5 =	vadd.s32 v15, v5;
	v7 =	vadd.s32 v38, v37  }
0x24: {  	v48 =	vsel vm10, $0x1, v0;
	v49 =	vsel vm11, $0x1, v0;
	v51 =	vsel vm13, $0x1, v0  }
0x25: {  	v53 =	vsel vm14, $0x1, v0;
	v54 =	vsel vm15, $0x1, v0;
	vm10 =	vgt.u32 v12, $0x1F  }
0x26: {  	vm11 =	vgt.u32 v12, $0x2D;
	vm13 =	vgt.u32 v12, $0x3F;
	vm14 =	vgt.u32 v12, $0x5A  }
0x27: {  	v63 =	vmin.u32 v61, v14;
	vm15 =	vlt.u32 v12, $0x8;
	v5 =	vadd.s32 v16, v5  }
0x28: {  	v7 =	vadd.s32 v39, v7;
	v57 =	vsel vm10, $0x1, v0;
	v58 =	vsel vm11, $0x1, v0  }
0x29: {  	v60 =	vsel vm13, $0x1, v0;
	v62 =	vsel vm14, $0x1, v0;
	vm6 =	vgt.u32 v63, $0xB  }
0x2a: {  	vm7 =	vgt.u32 v63, $0xF;
	vm10 =	vgt.u32 v63, $0x1F;
	vm11 =	vgt.u32 v63, $0x2D  }
0x2b: {  	vm13 =	vgt.u32 v63, $0x5A;
	vm14 =	vlt.u32 v63, $0x8;
	v5 =	vadd.s32 v17, v5  }
0x2c: {  	v7 =	vadd.s32 v40, v7;
	v16 =	vsel vm6, $0x9, v2;
	v17 =	vsel vm7, $0x1, v0  }
0x2d: {  	s22 =	sor.u32 $0x90, s1;
	vm6 =	vlt.s32 v0, v61;
	v5 =	vadd.s32 v18, v5;
	v7 =	vadd.s32 v41, v7  }
0x2e: {  	v41 =	vadd.s32 s22, v3;
	v1 =	vsel vm9, v1, v5;
	v5 =	vadd.s32 v21, v20  }
0x2f: {  	vm9 =	vlt.s32 v19, $0x8;
	v7 =	vadd.s32 v42, v7;
	v20 =	vsel vm11, $0x1, v0  }
0x30: {  	v5 =	vadd.s32 v22, v5;
	v7 =	vadd.s32 v44, v7;
	v1 =	vand.u32 $0xF, v1  }
0x31: {  	s20 =	sor.u32 $0x70, s1;
	v24 =	vadd.s32 v23, v5;
	v5 =	vadd.s32 v10, v29;
	v6 =	vsel vm8, v36, v7  }
0x32: {  	vm8 =	vgt.u32 v12, $0xB;
	v23 =	vadd.s32 s20, v3;
	v4 =	vadd.s32 v25, v24  }
0x33: {  	v5 =	vadd.s32 v30, v5;
	v55 =	vsel vm8, $0x9, v2;
	v24 =	vsel vm13, $0x1, v0  }
0x34: {  	v25 =	vsub.s32 $0x0, v23;
	vm7 =	vlt.s32 v0, v23;
	v6 =	vand.u32 $0xF, v6  }
0x35: {  	v4 =	vadd.s32 v27, v4;
	v5 =	vadd.s32 v31, v5;
	v11 =	vadd.s32 v13, v55  }
0x36: {  	s21 =	sor.u32 $0x80, s1;
	v26 =	vmin.u32 v23, v25;
	v4 =	vadd.s32 v28, v4;
	v5 =	vadd.s32 v32, v5  }
0x37: {  	vm11 =	vgt.s32 v26, $0x1F;
	vm13 =	vgt.s32 v26, $0x3F;
	v32 =	vadd.s32 s21, v3  }
0x38: {  	v4 =	vsel vm9, v19, v4;
	v5 =	vadd.s32 v33, v5;
	vm9 =	vgt.u32 v46, $0xB  }
0x39: {  	v19 =	vsel vm10, $0x1, v0;
	vm10 =	vgt.s32 v26, $0x16;
	v30 =	vsel vm11, $0x1, v0  }
0x3a: {  	v33 =	vsel vm13, $0x1, v0;
	v15 =	vsub.s32 $0x0, v32;
	v5 =	vadd.s32 v35, v5  }
0x3b: {  	v47 =	vsel vm9, $0x9, v2;
	vm9 =	vgt.u32 v12, $0x16;
	v29 =	vsel vm10, $0x1, v0  }
0x3c: {  	v15 =	vmin.u32 v32, v15;
	v4 =	vand.u32 $0xF, v4;
	v5 =	vsel vm12, v9, v5  }
0x3d: {  	v7 =	vadd.s32 v48, v47;
	vm12 =	vgt.u32 v46, $0x1F;
	v56 =	vsel vm9, $0x1, v0  }
0x3e: {  	vm9 =	vgt.u32 v63, $0x16;
	vm8 =	vgt.u32 v15, $0xF;
	vm13 =	vgt.u32 v15, $0x1F  }
0x3f: {  	v7 =	vadd.s32 v49, v7;
	v50 =	vsel vm12, $0x1, v0;
	v11 =	vadd.s32 v56, v11  }
0x40: {  	vm12 =	vlt.u32 v46, $0x8;
	v18 =	vsel vm9, $0x1, v0;
	vm9 =	vgt.s32 v26, $0xF  }
0x41: {  	v37 =	vsel vm13, $0x1, v0;
	vm13 =	vgt.u32 v15, $0x5A;
	v5 =	vand.u32 $0xF, v5  }
0x42: {  	v7 =	vadd.s32 v50, v7;
	v11 =	vadd.s32 v57, v11;
	v28 =	vsel vm9, $0x1, v0  }
0x43: {  	v42 =	vsel vm13, $0x1, v0;
	v7 =	vadd.s32 v51, v7;
	v59 =	vadd.s32 v58, v11  }
0x44: {  	s23 =	sor.u32 $0xA0, s1;
	v11 =	vadd.s32 v17, v16;
	v16 =	vsel vm8, $0x1, v0;
	v17 =	vsub.s32 $0x0, v41  }
0x45: {  	vm8 =	vlt.s32 v0, v32;
	v51 =	vadd.s32 s23, v3;
	v7 =	vadd.s32 v53, v7  }
0x46: {  	s24 =	sor.u32 $0xB0, s1;
	v8 =	vadd.s32 v60, v59;
	v11 =	vadd.s32 v18, v11;
	v43 =	vmin.u32 v41, v17  }
0x47: {  	v53 =	vsub.s32 $0x0, v51;
	v60 =	vadd.s32 s24, v3;
	v7 =	vadd.s32 v54, v7  }
0x48: {  	v8 =	vadd.s32 v62, v8;
	v11 =	vadd.s32 v19, v11;
	vm9 =	vgt.u32 v43, $0xB  }
0x49: {  	vm10 =	vgt.u32 v43, $0xF;
	vm13 =	vgt.u32 v43, $0x2D;
	v54 =	vmin.u32 v51, v53  }
0x4a: {  	v18 =	vsub.s32 $0x0, v60;
	v7 =	vsel vm12, v46, v7;
	v8 =	vsel vm15, v12, v8  }
0x4b: {  	v21 =	vadd.s32 v20, v11;
	vm12 =	vgt.u32 v63, $0x3F;
	vm15 =	vgt.s32 v26, $0xB  }
0x4c: {  	v44 =	vsel vm9, $0x9, v2;
	v45 =	vsel vm10, $0x1, v0;
	v48 =	vsel vm13, $0x1, v0  }
0x4d: {  	vm13 =	vgt.u32 v54, $0xB;
	vm9 =	vlt.s32 v0, v41;
	v18 =	vmin.u32 v60, v18  }
0x4e: {  	vm10 =	vlt.s32 v0, v51;
	v22 =	vsel vm12, $0x1, v0;
	v27 =	vsel vm15, $0x9, v2  }
0x4f: {  	vm12 =	vgt.s32 v26, $0x2D;
	vm15 =	vgt.u32 v15, $0xB;
	v55 =	vsel vm13, $0x9, v2  }
0x50: {  	vm13 =	vgt.u32 v54, $0x2D;
	vm11 =	vgt.u32 v18, $0xF;
	v7 =	vand.u32 $0xF, v7  }
0x51: {  	v8 =	vand.u32 $0xF, v8;
	v10 =	vadd.s32 v22, v21;
	v31 =	vsel vm12, $0x1, v0  }
0x52: {  	v35 =	vsel vm15, $0x9, v2;
	vm12 =	vgt.u32 v15, $0x16;
	vm15 =	vlt.s32 v26, $0x8  }
0x53: {  	v59 =	vsel vm13, $0x1, v0;
	v19 =	vsel vm11, $0x1, v0;
	vm13 =	vgt.u32 v18, $0x16  }
0x54: {  	vm11 =	vlt.u32 v18, $0x8;
	v10 =	vadd.s32 v24, v10;
	v14 =	vadd.s32 v16, v35  }
0x55: {  	v36 =	vsel vm12, $0x1, v0;
	vm12 =	vgt.u32 v15, $0x3F;
	v21 =	vsel vm13, $0x1, v0  }
0x56: {  	vm13 =	vgt.u32 v18, $0x3F;
	v9 =	vsel vm14, v63, v10;
	v10 =	vadd.s32 v28, v27  }
0x57: {  	s26 =	sor.u32 $0xD0, s1;
	vm14 =	vgt.s32 v26, $0x5A;
	v14 =	vadd.s32 v36, v14;
	v40 =	vsel vm12, $0x1, v0  }
0x58: {  	vm12 =	vgt.u32 v43, $0x1F;
	v25 =	vsel vm13, $0x1, v0;
	v36 =	vadd.s32 s26, v3  }
0x59: {  	v10 =	vadd.s32 v29, v10;
	v34 =	vsel vm14, $0x1, v0;
	vm14 =	vgt.u32 v15, $0x2D  }
0x5a: {  	v14 =	vadd.s32 v37, v14;
	v47 =	vsel vm12, $0x1, v0;
	vm12 =	vlt.u32 v43, $0x8  }
0x5b: {  	v9 =	vand.u32 $0xF, v9;
	v10 =	vadd.s32 v30, v10;
	v38 =	vsel vm14, $0x1, v0  }
0x5c: {  	vm14 =	vlt.u32 v15, $0x8;
	v10 =	vadd.s32 v31, v10;
	v39 =	vadd.s32 v38, v14  }
0x5d: {  	s28 =	sor.u32 $0xE0, s1;
	v14 =	vadd.s32 v45, v44;
	v38 =	vsub.s32 $0x0, v36;
	v10 =	vadd.s32 v33, v10  }
0x5e: {  	v45 =	vadd.s32 s28, v3;
	v11 =	vadd.s32 v40, v39;
	v10 =	vadd.s32 v34, v10  }
0x5f: {  	v39 =	vmin.u32 v36, v38;
	v11 =	vadd.s32 v42, v11;
	v10 =	vsel vm15, v26, v10  }
0x60: {  	s25 =	sor.u32 $0xC0, s1;
	s1 =	sor.u32 $0xF0, s1;
	vm15 =	vgt.u32 v43, $0x16;
	v11 =	vsel vm14, v15, v11;
	vm14 =	vgt.u32 v43, $0x3F  }
0x61: {  	v26 =	vadd.s32 s25, v3;
	v3 =	vadd.s32 s1, v3;
	v46 =	vsel vm15, $0x1, v0  }
0x62: {  	v50 =	vsel vm14, $0x1, v0;
	vm15 =	vgt.u32 v43, $0x5A;
	vm14 =	vgt.u32 v54, $0xF  }
0x63: {  	v20 =	vsub.s32 $0x0, v26;
	v10 =	vand.u32 $0xF, v10;
	v11 =	vand.u32 $0xF, v11  }
0x64: {  	v14 =	vadd.s32 v46, v14;
	v52 =	vsel vm15, $0x1, v0;
	v56 =	vsel vm14, $0x1, v0  }
0x65: {  	vm15 =	vgt.u32 v54, $0x16;
	vm14 =	vgt.u32 v54, $0x3F;
	v28 =	vmin.u32 v26, v20  }
0x66: {  	v14 =	vadd.s32 v47, v14;
	v57 =	vsel vm15, $0x1, v0;
	v61 =	vsel vm14, $0x1, v0  }
0x67: {  	vm15 =	vgt.u32 v54, $0x5A;
	vm14 =	vgt.u32 v18, $0x1F;
	vm13 =	vgt.u32 v28, $0xF  }
0x68: {  	v49 =	vadd.s32 v48, v14;
	v62 =	vsel vm15, $0x1, v0;
	v22 =	vsel vm14, $0x1, v0  }
0x69: {  	vm15 =	vgt.u32 v18, $0x2D;
	vm14 =	vgt.u32 v18, $0x5A;
	v30 =	vsel vm13, $0x1, v0  }
0x6a: {  	vm13 =	vgt.u32 v39, $0xF;
	v13 =	vadd.s32 v50, v49;
	v23 =	vsel vm15, $0x1, v0  }
0x6b: {  	v27 =	vsel vm14, $0x1, v0;
	v41 =	vsel vm13, $0x1, v0;
	vm13 =	vgt.u32 v39, $0x2D  }
0x6c: {  	v13 =	vadd.s32 v52, v13;
	v44 =	vsel vm13, $0x1, v0;
	vm13 =	vgt.u32 v39, $0x3F  }
0x6d: {  	v12 =	vsel vm12, v43, v13;
	v13 =	vadd.s32 v56, v55;
	vm12 =	vgt.u32 v54, $0x1F  }
0x6e: {  	v46 =	vsel vm13, $0x1, v0;
	vm13 =	vgt.u32 v39, $0x5A;
	v13 =	vadd.s32 v57, v13  }
0x6f: {  	s3 =	rddreg [dreg:$0x0];
	s29 =	simm.s32 $0x0;
	v58 =	vsel vm12, $0x1, v0;
	vm12 =	vgt.u32 v18, $0xB;
	v47 =	vsel vm13, $0x1, v0  }
0x70: {  	s30 =	simm.s32 $0x1;
	[smem:$0x7FF] =	sst s29;
	v12 =	vand.u32 $0xF, v12;
	v13 =	vadd.s32 v58, v13;
	v63 =	vsel vm12, $0x9, v2  }
0x71: {  	s4 =	sadd.s32 $0x800, s3;
	s1 =	rddreg [dreg:$0x1];
	_ =	strace $0x80000047;
	vm12 =	vlt.u32 v54, $0x8;
	v13 =	vadd.s32 v59, v13;
	v17 =	vadd.s32 v19, v63  }
0x72: {  	[tilespmem:s29], [sflag:$0x1] =	stream.linear.gather [hbm4b:s4+s29], $0x80, $0x38;
	v13 =	vadd.s32 v61, v13;
	v17 =	vadd.s32 v21, v17;
	v21 =	vsub.s32 $0x0, v45;
	[tilespmem:$0x180] =	vst v63  }
0x73: {  	_ =	swait.ge [sflag:s30], $0x80;
	v13 =	vadd.s32 v62, v13;
	v17 =	vadd.s32 v22, v17;
	v21 =	vmin.u32 v45, v21  }
0x74: {  	[sflag:s30] =	ssyncset.done $0x0;
	v13 =	vsel vm12, v54, v13;
	v24 =	vadd.s32 v23, v17;
	vm12 =	vgt.u32 v28, $0xB  }
0x75: {  	[sflag:s30] =	ssyncadd.s32 $0xFFFFFF80;
	vm13 =	vgt.u32 v21, $0xB;
	vm14 =	vgt.u32 v21, $0xF;
	v54 =	vsub.s32 $0x0, v3  }
0x76: {  	v63 =	vld [tilespmem:$0x10];
	v14 =	vadd.s32 v25, v24;
	v29 =	vsel vm12, $0x9, v2;
	vm12 =	vgt.u32 v28, $0x16  }
0x77: {  	v48 =	vsel vm13, $0x9, v2;
	v22 =	vsel vm14, $0x1, v0;
	vm13 =	vgt.u32 v21, $0x16  }
0x78: {  	vm14 =	vlt.u32 v39, $0x8;
	v55 =	vmin.u32 v3, v54;
	v13 =	vand.u32 $0xF, v13  }
0x79: {  	v14 =	vadd.s32 v27, v14;
	v17 =	vadd.s32 v30, v29;
	v31 =	vsel vm12, $0x1, v0  }
0x7a: {  	v62 =	vld [tilespmem:$0x0];
	vm12 =	vgt.u32 v28, $0x1F;
	v20 =	vadd.s32 v22, v48;
	v49 =	vsel vm13, $0x1, v0  }
0x7b: {  	vm13 =	vgt.u32 v21, $0x1F;
	v38 =	vperm.xlane v63, v10;
	v17 =	vadd.s32 v31, v17  }
0x7c: {  	v32 =	vsel vm12, $0x1, v0;
	vm12 =	vgt.u32 v28, $0x2D;
	v14 =	vsel vm11, v18, v14  }
0x7d: {  	vm11 =	vlt.s32 v0, v60;
	v20 =	vadd.s32 v49, v20;
	v50 =	vsel vm13, $0x1, v0  }
0x7e: {  	vm13 =	vgt.u32 v21, $0x2D;
	v17 =	vadd.s32 v32, v17;
	v33 =	vsel vm12, $0x1, v0  }
0x7f: {  	vm12 =	vgt.u32 v28, $0x3F;
	v24 =	vperm.xlane v62, v4;
	v4 =	vperm.xlane v63, v4  }
0x80: {  	v51 =	vadd.s32 v50, v20;
	v25 =	vperm.xlane v62, v5;
	v5 =	vperm.xlane v63, v5  }
0x81: {  	v52 =	vsel vm13, $0x1, v0;
	v27 =	vperm.xlane v62, v6;
	v6 =	vperm.xlane v63, v6  }
0x82: {  	vm13 =	vgt.u32 v21, $0x3F;
	v29 =	vperm.xlane v62, v7;
	v7 =	vperm.xlane v63, v7  }
0x83: {  	v14 =	vand.u32 $0xF, v14;
	v31 =	vperm.xlane v62, v8;
	v32 =	vperm.xlane v63, v8  }
0x84: {  	v34 =	vadd.s32 v33, v17;
	v35 =	vsel vm12, $0x1, v0;
	vm12 =	vgt.u32 v28, $0x5A  }
0x85: {  	v17 =	vadd.s32 v52, v51;
	v53 =	vsel vm13, $0x1, v0;
	vm13 =	vgt.u32 v21, $0x5A  }
0x86: {  	v49 =	vperm.xlane v62, v14;
	v50 =	vperm.xlane v63, v14;
	v16 =	vadd.s32 v35, v34  }
0x87: {  	v37 =	vsel vm12, $0x1, v0;
	vm12 =	vlt.u32 v28, $0x8;
	v17 =	vadd.s32 v53, v17  }
0x88: {  	v56 =	vsel vm13, $0x1, v0;
	vm13 =	vgt.s32 v55, $0xB;
	v30 =	vsel vm3, v6, v27  }
0x89: {  	v33 =	vsel vm4, v7, v29;
	v34 =	vperm.xlane v62, v9;
	v35 =	vperm.xlane v63, v9  }
0x8a: {  	v16 =	vadd.s32 v37, v16;
	v17 =	vadd.s32 v56, v17;
	v37 =	vperm.xlane v62, v10  }
0x8b: {  	v54 =	vsel vm11, v50, v49;
	v15 =	vsel vm12, v28, v16;
	vm12 =	vgt.u32 v39, $0xB  }
0x8c: {  	v28 =	vsel vm2, v5, v25;
	v40 =	vsel vm12, $0x9, v2;
	vm12 =	vgt.u32 v39, $0x16  }
0x8d: {  	v2 =	vsel vm13, $0x9, v2;
	vm13 =	vgt.s32 v55, $0x16;
	v15 =	vand.u32 $0xF, v15  }
0x8e: {  	v16 =	vadd.s32 v41, v40;
	v42 =	vsel vm12, $0x1, v0;
	vm12 =	vgt.u32 v39, $0x1F  }
0x8f: {  	v57 =	vsel vm13, $0x1, v0;
	v40 =	vperm.xlane v62, v11;
	v41 =	vperm.xlane v63, v11  }
0x90: {  	vm13 =	vgt.s32 v55, $0x1F;
	v52 =	vperm.xlane v62, v15;
	v53 =	vperm.xlane v63, v15  }
0x91: {  	v16 =	vadd.s32 v42, v16;
	v43 =	vsel vm12, $0x1, v0;
	vm12 =	vlt.s32 v0, v26  }
0x92: {  	v58 =	vsel vm13, $0x1, v0;
	vm13 =	vgt.s32 v55, $0x2D;
	v26 =	vsel vm1, v4, v24  }
0x93: {  	v42 =	vsel vm7, v38, v37;
	v16 =	vadd.s32 v43, v16;
	v59 =	vsel vm13, $0x1, v0  }
0x94: {  	vm13 =	vgt.s32 v55, $0x3F;
	v43 =	vperm.xlane v62, v12;
	v16 =	vadd.s32 v44, v16  }
0x95: {  	v60 =	vsel vm13, $0x1, v0;
	vm13 =	vgt.s32 v55, $0x5A;
	v44 =	vperm.xlane v63, v12  }
0x96: {  	[tilespmem:$0xB0] =	vst v30;
	v16 =	vadd.s32 v46, v16;
	v61 =	vsel vm13, $0x1, v0;
	vm13 =	vlt.u32 v21, $0x8  }
0x97: {  	[tilespmem:$0xC0] =	vst v33;
	v46 =	vperm.xlane v62, v13;
	v16 =	vadd.s32 v47, v16;
	v17 =	vsel vm13, v21, v17  }
0x98: {  	[tilespmem:$0x130] =	vst v54;
	vm13 =	vlt.s32 v0, v45;
	v16 =	vsel vm14, v39, v16;
	vm14 =	vgt.s32 v55, $0xF  }
0x99: {  	[tilespmem:$0xA0] =	vst v28;
	v45 =	vsel vm8, v41, v40;
	v47 =	vperm.xlane v63, v13;
	v23 =	vsel vm14, $0x1, v0  }
0x9a: {  	[tilespmem:$0x90] =	vst v26;
	v48 =	vsel vm9, v44, v43;
	v17 =	vand.u32 $0xF, v17;
	v2 =	vadd.s32 v23, v2  }
0x9b: {  	[tilespmem:$0xF0] =	vst v42;
	v39 =	vsel vm6, v35, v34;
	vm14 =	vlt.s32 v55, $0x8;
	v2 =	vadd.s32 v57, v2  }
0x9c: {  	[tilespmem:$0x100] =	vst v45;
	v16 =	vand.u32 $0xF, v16;
	v51 =	vsel vm10, v47, v46;
	v2 =	vadd.s32 v58, v2  }
0x9d: {  	[tilespmem:$0x110] =	vst v48;
	v23 =	vperm.xlane v62, v1;
	v1 =	vperm.xlane v63, v1;
	v2 =	vadd.s32 v59, v2  }
0x9e: {  	[tilespmem:$0xE0] =	vst v39;
	v56 =	vperm.xlane v63, v16;
	v57 =	vsel vm12, v53, v52;
	v2 =	vadd.s32 v60, v2  }
0x9f: {  	[tilespmem:$0x120] =	vst v51;
	v1 =	vsel vm0, v1, v23;
	v58 =	vperm.xlane v62, v17;
	v2 =	vadd.s32 v61, v2  }
0xa0: {  	[tilespmem:$0x140] =	vst v57;
	v59 =	vperm.xlane v63, v17;
	v2 =	vsel vm14, v55, v2;
	v55 =	vperm.xlane v62, v16  }
0xa1: {  	[tilespmem:$0x80] =	vst v1;
	vm14 =	vlt.s32 v0, v36;
	v36 =	vsel vm5, v32, v31;
	v2 =	vand.u32 $0xF, v2  }
0xa2: {  	[tilespmem:$0xD0] =	vst v36;
	v60 =	vsel vm14, v56, v55;
	v61 =	vperm.xlane v62, v2;
	v2 =	vperm.xlane v63, v2  }
0xa3: {  	s5 =	sshll.u32 s0, $0x5;
	vm15 =	vlt.s32 v0, v3;
	v62 =	vsel vm13, v59, v58;
	[tilespmem:$0x150] =	vst v60  }
0xa4: {  	s3 =	sadd.s32 s5, s3;
	[tilespmem:$0x160] =	vst v62;
	v63 =	vsel vm15, v2, v61  }
0xa5: {  	s31 =	simm.s32 $0x80;
	s3 =	sadd.s32 $0xA00, s3;
	[tilespmem:$0x170] =	vst v63  }
0xa6: {  	[hbm4b:s3+s29] =	stream.linear.scatter [tilespmem:s31], [sflag:$0x1], $0x100, $0x38;
	[tilespmem:$0x180] =	vst v63  }
0xa7: {  	_ =	swait.ge [sflag:s30], $0x100  }
0xa8: {  	[sflag:s30] =	ssyncset.done $0x0  }
0xa9: {  	[sflag:s30] =	ssyncadd.s32 $0xFFFFFF00  }
0xaa: {  	_ =	sfence.sel $0x180000  }
0xab: {  	[bflag:$0x0] =	sbarrier.arrive $0xFFFF  }
0xac: {  	p0 =	sne.s32 s0, $0x0;
	_ =	strace $0x90000047  }
0xad: {  	s0 =	sadd.s32 @!p0 $0x100000, s1;
	[bflag:$0x2] =	sbarrier.arrive $0xFFFF  }
0xae: {  	[sflag:s0] =	ssyncadd.tile.s32 @!p0 $0x1;
	_ =	shalt  }
.Lfunc_end2:
_tile_overlayer_lowered:
.L_overlay_start_2:
0xaf: {  	(tag) =	ssettag $0x2  }
0xb0: {  	s0 =	rddreg [dreg:$0x0];
	s2 =	stileid.u32  }
0xb1: {  	s1 =	rddreg [dreg:$0x1];
	p0 =	sne.s32 s2, $0x0  }
0xb2: {  	s3 =	rddreg [dreg:$0x2];
	[bflag:$0x3] =	sbarrier.arrive $0xFFFF;
	s2 =	simm.s32 @!p0 $0x1C01  }
0xb3: {  	[timem:s3], [sflag:s2] =	dma.local @!p0 [hbm:s0], s1  }
0xb4: {  	s0 =	simm.s32 @!p0 $0x1  }
0xb5: {  	_ =	swait.ge @!p0 [sflag:s0], s1  }
0xb6: {  	s1 =	ssub.s32 @!p0 $0x0, s1;
	[sflag:s0] =	ssyncset.done @!p0 $0x0  }
0xb7: {  	[sflag:s0] =	ssyncadd.s32 @!p0 s1  }
0xb8: {  	[bflag:$0x3] =	sbarrier.arrive $0xFFFF  }
0xb9: {  	_ =	shalt  }

</sc_bundles>
